<compile_context>
chip_gen: v7x
topology: tpu7x:2x2x1
jax: 0.10.2.dev20260603
libtpu: 0.0.44.dev20260713+nightly
codegen_flags: <defaults>
</compile_context>

<pallas_src>
import functools

import jax
import jax.numpy as jnp
from jax import lax
from jax.experimental import pallas as pl
from jax.experimental.pallas import tpu as pltpu
from jax.experimental.pallas import tpu_sc as plsc

D = 768
L = 16
NSL = D // L
NC = 2
NS = 16
NW = NC * NS
C = 32
G = 32
K = G // 2
B = NW * G * C
EPS = 1e-5


def _gather_lanes(x, idx):
    return x.at[idx].get(mode="promise_in_bounds")


def _tree_lane_sums(vs):
    lanes = lax.iota(jnp.int32, L)

    def fold(x, s):
        return x + _gather_lanes(x, jnp.bitwise_xor(lanes, s))

    level = [(v, [i]) for i, v in enumerate(vs)]
    s = L // 2
    while len(level) > 1:
        nxt = []
        for k in range(0, len(level), 2):
            (u, ru), (v, rv) = level[k], level[k + 1]
            m = (lanes & s) == 0
            c = jnp.where(m, fold(u, s), fold(v, s))
            nxt.append((c, [x for p in zip(ru, rv) for x in p]))
        level = nxt
        s //= 2
    f, order = level[0]
    f = fold(f, 1)
    lane_of_row = {r: 2 * order.index(r) for r in order}
    return f, lane_of_row


GR = 8


def _layernorm_chunk(inbuf, outbuf, g_v, b_v):
    @plsc.parallel_loop(0, C // GR)
    def group_body(gi):
        i0 = gi * GR

        zeros = tuple(jnp.zeros((L,), jnp.float32) for _ in range(2 * GR))

        @plsc.parallel_loop(0, NSL, unroll=4, carry=zeros)
        def acc_body(j, carry):
            out = []
            for r in range(GR):
                x = inbuf[i0 + r, pl.ds(j * L, L)]
                out.append(carry[r] + x)
                out.append(carry[GR + r] + x * x)
            return tuple(out[0::2]) + tuple(out[1::2])

        accs = list(acc_body[:GR])
        acc2s = list(acc_body[GR:])

        s1, lmap = _tree_lane_sums(accs)
        s2, _ = _tree_lane_sums(acc2s)

        mean_v = s1 * (1.0 / D)
        var_v = s2 * (1.0 / D) - mean_v * mean_v
        v = var_v + EPS
        iv = lax.bitcast_convert_type(v, jnp.int32)
        iv = jnp.full((L,), 0x5F3759DF, jnp.int32) - lax.shift_right_arithmetic(iv, 1)
        y = lax.bitcast_convert_type(iv, jnp.float32)
        y = y * (1.5 - 0.5 * v * y * y)
        y = y * (1.5 - 0.5 * v * y * y)
        y = y * (1.5 - 0.5 * v * y * y)
        shift_v = -mean_v * y

        stats = []
        for r in range(GR):
            bidx = jnp.full((L,), lmap[r], jnp.int32)
            stats.append((_gather_lanes(y, bidx), _gather_lanes(shift_v, bidx)))

        @plsc.parallel_loop(0, NSL, unroll=4)
        def col_body(j):
            cs = pl.ds(j * L, L)
            gj = g_v[cs]
            bj = b_v[cs]
            for r in range(GR):
                x = inbuf[i0 + r, cs]
                a, b = stats[r]
                outbuf[i0 + r, cs] = (x * a + b) * gj + bj



def _make_kernel():
    mesh = plsc.VectorSubcoreMesh(core_axis_name="c", subcore_axis_name="s")

    @functools.partial(
        pl.kernel,
        out_type=jax.ShapeDtypeStruct((B, D), jnp.float32),
        mesh=mesh,
        scratch_types=[
            pltpu.VMEM((G, C), jnp.int32),
            pltpu.VMEM((D,), jnp.float32),
            pltpu.VMEM((D,), jnp.float32),
            pltpu.VMEM((C, D), jnp.float32),
            pltpu.VMEM((C, D), jnp.float32),
            pltpu.VMEM((C, D), jnp.float32),
            pltpu.VMEM((C, D), jnp.float32),
            pltpu.SemaphoreType.DMA,
            pltpu.SemaphoreType.DMA,
            pltpu.SemaphoreType.DMA,
            pltpu.SemaphoreType.DMA,
        ],
    )
    def sc_kernel(idx_hbm, table_hbm, gamma_hbm, beta_hbm, out_hbm,
                  idx_v, g_v, b_v, in0, in1, out0, out1,
                  sg0, sg1, sw0, sw1):
        wid = lax.axis_index("s") * NC + lax.axis_index("c")
        base = wid * (G * C)

        pltpu.sync_copy(idx_hbm.at[wid], idx_v)
        pltpu.sync_copy(gamma_hbm, g_v)
        pltpu.sync_copy(beta_hbm, b_v)

        def start_gather(g, inbuf, sem):
            pltpu.async_copy(table_hbm.at[idx_v.at[g]], inbuf, sem)

        def wait_dma(buf, sem):
            pltpu.make_async_copy(table_hbm.at[pl.ds(0, C)], buf, sem).wait()

        def start_write(g, outbuf, sem):
            pltpu.async_copy(outbuf, out_hbm.at[pl.ds(base + g * C, C)], sem)

        start_gather(0, in0, sg0)
        start_gather(1, in1, sg1)

        def step(k, _):
            for (inb, outb, sg, sw, off) in (
                (in0, out0, sg0, sw0, 0),
                (in1, out1, sg1, sw1, 1),
            ):
                g = 2 * k + off
                wait_dma(inb, sg)

                @pl.when(k > 0)
                def _():
                    wait_dma(outb, sw)

                _layernorm_chunk(inb, outb, g_v, b_v)
                start_write(g, outb, sw)

                @pl.when(k < K - 1)
                def _():
                    start_gather(g + 2, inb, sg)
            return 0

        lax.fori_loop(0, K, step, 0)
        wait_dma(out0, sw0)
        wait_dma(out1, sw1)

    return sc_kernel


_sc_kernel = _make_kernel()


@jax.jit
def kernel(input_index, table, gamma, beta):
    idx = jnp.reshape(input_index.astype(jnp.int32), (NW, G, C))
    out = _sc_kernel(idx, table, gamma, beta)
    return jnp.reshape(out, (*input_index.shape, D))

# --- scband reference (transcript-rebuilt; emitter-appended) ---
"""Pipeline reference for scband-modern-bert-embeddings-62397284876678 (READ-ONLY COPY).

The authoritative reference and input builder live on the scoring server;
editing this copy changes nothing except your own understanding.
"""

import jax, jax.numpy as jnp
import numpy as np

VOCAB = 100000
HIDDEN = 768
EPS = 1e-5

def setup_inputs(seed: int = 0) -> dict:
    key = jax.random.key(seed)
    k1, k2 = jax.random.split(key, 2)
    input_index = jax.random.randint(k1, (4, 8192), 0, VOCAB)
    table = jax.random.normal(k2, (VOCAB, HIDDEN), dtype=jnp.float32) * 0.02
    # padding_idx row zeroed like nn.Embedding(padding_idx=0)
    table = table.at[0].set(0.0)
    gamma = jnp.ones((HIDDEN,), dtype=jnp.float32)
    beta = jnp.zeros((HIDDEN,), dtype=jnp.float32)
    return {"input_index": input_index, "table": table, "gamma": gamma, "beta": beta}

def reference(input_index, table, gamma, beta):
    # tok_embeddings: gather rows of the embedding table
    emb = jnp.take(table, input_index, axis=0)
    # LayerNorm over last dim (eps=EPS, with bias)
    mean = jnp.mean(emb, axis=-1, keepdims=True)
    var = jnp.var(emb, axis=-1, keepdims=True)
    h = (emb - mean) / jnp.sqrt(var + EPS)
    h = h * gamma + beta
    # dropout: eval mode (p effectively 0) -> identity
    return h

if __name__ == "__main__":
    import jax
    _d = setup_inputs()
    print(jax.jit(kernel)(*tuple(_d.values())))

</pallas_src>

<mosaic_0001>
#map = affine_map<(d0, d1) -> (0, 0, 0)>
#map1 = affine_map<(d0, d1) -> (0, 0)>
#map2 = affine_map<(d0, d1) -> (0)>
module attributes {stable_mosaic.version = 14 : i64} {
  func.func @sc_kernel(%arg0: i32, %arg1: i32, %arg2: memref<32x32x32xi32, #tpu.memory_space<hbm>>, %arg3: memref<100000x768xf32, #tpu.memory_space<hbm>>, %arg4: memref<768xf32, #tpu.memory_space<hbm>>, %arg5: memref<768xf32, #tpu.memory_space<hbm>>, %arg6: memref<32768x768xf32, #tpu.memory_space<hbm>>, %arg7: memref<32x32xi32, #tpu.memory_space<vmem>>, %arg8: memref<768xf32, #tpu.memory_space<vmem>>, %arg9: memref<768xf32, #tpu.memory_space<vmem>>, %arg10: memref<32x768xf32, #tpu.memory_space<vmem>>, %arg11: memref<32x768xf32, #tpu.memory_space<vmem>>, %arg12: memref<32x768xf32, #tpu.memory_space<vmem>>, %arg13: memref<32x768xf32, #tpu.memory_space<vmem>>, %arg14: memref<!tpu.dma_semaphore, #tpu.memory_space<semaphore_mem>>, %arg15: memref<!tpu.dma_semaphore, #tpu.memory_space<semaphore_mem>>, %arg16: memref<!tpu.dma_semaphore, #tpu.memory_space<semaphore_mem>>, %arg17: memref<!tpu.dma_semaphore, #tpu.memory_space<semaphore_mem>>) attributes {dimension_semantics = [#tpu.dimension_semantics<core_parallel>, #tpu.dimension_semantics<subcore_parallel>], iteration_bounds = array<i64: 2, 16>, scalar_prefetch = 0 : i64, scratch_operands = 11 : i64, tpu.core_type = #tpu.core_type<sc_vector_subcore>, window_params = [{transform_indices = #map}, {transform_indices = #map1}, {transform_indices = #map2}, {transform_indices = #map2}, {transform_indices = #map1}]} {
    %mul3A = arith.constant 2 : i32
    %mul3A_0 = arith.muli %arg1, %mul3A : i32
    %add3A = arith.addi %mul3A_0, %arg0 : i32
    %mul3A_1 = arith.constant 1024 : i32
    %mul3A_2 = arith.muli %add3A, %mul3A_1 : i32
    "tpu.region"() ({
      %run_scoped3A = tpu.sem_alloc : memref<!tpu.dma_semaphore, #tpu.memory_space<semaphore_mem>>
      %dma_start3A_33 = arith.constant 0 : i32
      %dma_start3A_34 = arith.constant 0 : i32
      %dma_start3A_35 = tpu.memref_slice %arg2[%add3A, %dma_start3A_33, %dma_start3A_34] : memref<32x32x32xi32, #tpu.memory_space<hbm>> -> memref<1x32x32xi32, #tpu.memory_space<hbm>>
      %dma_start3A_36 = tpu.memref_squeeze %dma_start3A_35 : memref<1x32x32xi32, #tpu.memory_space<hbm>> -> memref<32x32xi32, #tpu.memory_space<hbm>>
      %dma_start3A_37 = arith.constant 0 : i32
      %dma_start3A_38 = arith.constant 0 : i32
      %dma_start3A_39 = tpu.memref_slice %arg2[%add3A, %dma_start3A_37, %dma_start3A_38] : memref<32x32x32xi32, #tpu.memory_space<hbm>> -> memref<1x32x32xi32, #tpu.memory_space<hbm>>
      %dma_start3A_40 = tpu.memref_squeeze %dma_start3A_39 : memref<1x32x32xi32, #tpu.memory_space<hbm>> -> memref<32x32xi32, #tpu.memory_space<hbm>>
      tpu.enqueue_dma source(%dma_start3A_40 : memref<32x32xi32, #tpu.memory_space<hbm>>) target(%arg7 : memref<32x32xi32, #tpu.memory_space<vmem>>) target_semaphore(%run_scoped3A : memref<!tpu.dma_semaphore, #tpu.memory_space<semaphore_mem>>)
      %dma_wait3A_41 = arith.constant 0 : i32
      %dma_wait3A_42 = arith.constant 0 : i32
      %dma_wait3A_43 = tpu.memref_slice %arg2[%add3A, %dma_wait3A_41, %dma_wait3A_42] : memref<32x32x32xi32, #tpu.memory_space<hbm>> -> memref<1x32x32xi32, #tpu.memory_space<hbm>>
      %dma_wait3A_44 = tpu.memref_squeeze %dma_wait3A_43 : memref<1x32x32xi32, #tpu.memory_space<hbm>> -> memref<32x32xi32, #tpu.memory_space<hbm>>
      %dma_wait3A_45 = arith.constant 0 : i32
      %dma_wait3A_46 = arith.constant 0 : i32
      %dma_wait3A_47 = tpu.memref_slice %arg2[%add3A, %dma_wait3A_45, %dma_wait3A_46] : memref<32x32x32xi32, #tpu.memory_space<hbm>> -> memref<1x32x32xi32, #tpu.memory_space<hbm>>
      %dma_wait3A_48 = tpu.memref_squeeze %dma_wait3A_47 : memref<1x32x32xi32, #tpu.memory_space<hbm>> -> memref<32x32xi32, #tpu.memory_space<hbm>>
      tpu.wait_dma2 semaphore(%run_scoped3A : memref<!tpu.dma_semaphore, #tpu.memory_space<semaphore_mem>>) src(%dma_wait3A_48 : memref<32x32xi32, #tpu.memory_space<hbm>>) dst(%arg7 : memref<32x32xi32, #tpu.memory_space<vmem>>)
      tpu.yield
    }) : () -> ()
    "tpu.region"() ({
      %run_scoped3A = tpu.sem_alloc : memref<!tpu.dma_semaphore, #tpu.memory_space<semaphore_mem>>
      tpu.enqueue_dma source(%arg4 : memref<768xf32, #tpu.memory_space<hbm>>) target(%arg8 : memref<768xf32, #tpu.memory_space<vmem>>) target_semaphore(%run_scoped3A : memref<!tpu.dma_semaphore, #tpu.memory_space<semaphore_mem>>)
      tpu.wait_dma2 semaphore(%run_scoped3A : memref<!tpu.dma_semaphore, #tpu.memory_space<semaphore_mem>>) src(%arg4 : memref<768xf32, #tpu.memory_space<hbm>>) dst(%arg8 : memref<768xf32, #tpu.memory_space<vmem>>)
      tpu.yield
    }) : () -> ()
    "tpu.region"() ({
      %run_scoped3A = tpu.sem_alloc : memref<!tpu.dma_semaphore, #tpu.memory_space<semaphore_mem>>
      tpu.enqueue_dma source(%arg5 : memref<768xf32, #tpu.memory_space<hbm>>) target(%arg9 : memref<768xf32, #tpu.memory_space<vmem>>) target_semaphore(%run_scoped3A : memref<!tpu.dma_semaphore, #tpu.memory_space<semaphore_mem>>)
      tpu.wait_dma2 semaphore(%run_scoped3A : memref<!tpu.dma_semaphore, #tpu.memory_space<semaphore_mem>>) src(%arg5 : memref<768xf32, #tpu.memory_space<hbm>>) dst(%arg9 : memref<768xf32, #tpu.memory_space<vmem>>)
      tpu.yield
    }) : () -> ()
    %dma_start3A = arith.constant 0 : i32
    %dma_start3A_3 = arith.constant 0 : i32
    %dma_start3A_4 = tpu.memref_slice %arg7[%dma_start3A, %dma_start3A_3] : memref<32x32xi32, #tpu.memory_space<vmem>> -> memref<1x32xi32, #tpu.memory_space<vmem>>
    %dma_start3A_5 = tpu.memref_squeeze %dma_start3A_4 : memref<1x32xi32, #tpu.memory_space<vmem>> -> memref<32xi32, #tpu.memory_space<vmem>>
    %dma_start3A_6 = arith.constant 0 : i32
    %dma_start3A_7 = arith.constant 0 : i32
    %dma_start3A_8 = tpu.memref_slice %arg3[%dma_start3A_6, %dma_start3A_7] : memref<100000x768xf32, #tpu.memory_space<hbm>> -> memref<100000x768xf32, #tpu.memory_space<hbm>>
    tpu.enqueue_indirect_dma source(%dma_start3A_8 : memref<100000x768xf32, #tpu.memory_space<hbm>>) target(%arg10 : memref<32x768xf32, #tpu.memory_space<vmem>>) offsets(%dma_start3A_5 : memref<32xi32, #tpu.memory_space<vmem>>) semaphore(%arg14 : memref<!tpu.dma_semaphore, #tpu.memory_space<semaphore_mem>>)
    %dma_start3A_9 = arith.constant 1 : i32
    %dma_start3A_10 = arith.constant 0 : i32
    %dma_start3A_11 = tpu.memref_slice %arg7[%dma_start3A_9, %dma_start3A_10] : memref<32x32xi32, #tpu.memory_space<vmem>> -> memref<1x32xi32, #tpu.memory_space<vmem>>
    %dma_start3A_12 = tpu.memref_squeeze %dma_start3A_11 : memref<1x32xi32, #tpu.memory_space<vmem>> -> memref<32xi32, #tpu.memory_space<vmem>>
    %dma_start3A_13 = arith.constant 0 : i32
    %dma_start3A_14 = arith.constant 0 : i32
    %dma_start3A_15 = tpu.memref_slice %arg3[%dma_start3A_13, %dma_start3A_14] : memref<100000x768xf32, #tpu.memory_space<hbm>> -> memref<100000x768xf32, #tpu.memory_space<hbm>>
    tpu.enqueue_indirect_dma source(%dma_start3A_15 : memref<100000x768xf32, #tpu.memory_space<hbm>>) target(%arg11 : memref<32x768xf32, #tpu.memory_space<vmem>>) offsets(%dma_start3A_12 : memref<32xi32, #tpu.memory_space<vmem>>) semaphore(%arg15 : memref<!tpu.dma_semaphore, #tpu.memory_space<semaphore_mem>>)
    %scan3A = arith.constant 0 : i32
    %scan3A_16 = arith.constant 0 : i32
    %scan3A_17 = arith.constant 16 : i32
    %scan3A_18 = arith.addi %scan3A_16, %scan3A_17 : i32
    %scan3A_19 = arith.constant 1 : i32
    %scan3A_20 = scf.for %scan3A_33 = %scan3A_16 to %scan3A_18 step %scan3A_19 iter_args(%scan3A_34 = %scan3A) -> (i32)  : i32 {
      %mul3A_35 = arith.constant 2 : i32
      %mul3A_36 = arith.muli %mul3A_35, %scan3A_33 : i32
      %add3A_37 = arith.constant 0 : i32
      %add3A_38 = arith.addi %mul3A_36, %add3A_37 : i32
      %dma_wait3A_39 = arith.constant 0 : i32
      %dma_wait3A_40 = arith.constant 0 : i32
      %dma_wait3A_41 = tpu.memref_slice %arg3[%dma_wait3A_39, %dma_wait3A_40] : memref<100000x768xf32, #tpu.memory_space<hbm>> -> memref<32x768xf32, #tpu.memory_space<hbm>>
      %dma_wait3A_42 = arith.constant 0 : i32
      %dma_wait3A_43 = arith.constant 0 : i32
      %dma_wait3A_44 = tpu.memref_slice %arg3[%dma_wait3A_42, %dma_wait3A_43] : memref<100000x768xf32, #tpu.memory_space<hbm>> -> memref<32x768xf32, #tpu.memory_space<hbm>>
      tpu.wait_dma2 semaphore(%arg14 : memref<!tpu.dma_semaphore, #tpu.memory_space<semaphore_mem>>) src(%dma_wait3A_44 : memref<32x768xf32, #tpu.memory_space<hbm>>) dst(%arg10 : memref<32x768xf32, #tpu.memory_space<vmem>>)
      %gt3A = arith.constant 0 : i32
      %gt3A_45 = arith.cmpi sgt, %scan3A_33, %gt3A : i32
      %convert_element_type3A = arith.extui %gt3A_45 : i1 to i32
      %cond3A = arith.constant 0 : i32
      %cond3A_46 = arith.cmpi ne, %convert_element_type3A, %cond3A : i32
      scf.if %cond3A_46 {
        %dma_wait3A_91 = arith.constant 0 : i32
        %dma_wait3A_92 = arith.constant 0 : i32
        %dma_wait3A_93 = tpu.memref_slice %arg3[%dma_wait3A_91, %dma_wait3A_92] : memref<100000x768xf32, #tpu.memory_space<hbm>> -> memref<32x768xf32, #tpu.memory_space<hbm>>
        %dma_wait3A_94 = arith.constant 0 : i32
        %dma_wait3A_95 = arith.constant 0 : i32
        %dma_wait3A_96 = tpu.memref_slice %arg3[%dma_wait3A_94, %dma_wait3A_95] : memref<100000x768xf32, #tpu.memory_space<hbm>> -> memref<32x768xf32, #tpu.memory_space<hbm>>
        tpu.wait_dma2 semaphore(%arg16 : memref<!tpu.dma_semaphore, #tpu.memory_space<semaphore_mem>>) src(%dma_wait3A_96 : memref<32x768xf32, #tpu.memory_space<hbm>>) dst(%arg12 : memref<32x768xf32, #tpu.memory_space<vmem>>)
      } else {
      }
      %parallel_loop3A = arith.constant 0 : i32
      %parallel_loop3A_47 = arith.constant 4 : i32
      %parallel_loop3A_48 = arith.constant 1 : i32
      scf.for %parallel_loop3A_91 = %parallel_loop3A to %parallel_loop3A_47 step %parallel_loop3A_48  : i32 {
        %parallel_loop3A_92 = arith.constant 8 : i32
        %parallel_loop3A_93 = arith.muli %parallel_loop3A_91, %parallel_loop3A_92 : i32
        %parallel_loop3A_94 = arith.constant 0.000000e+00 : f32
        %parallel_loop3A_95 = vector.broadcast %parallel_loop3A_94 : f32 to vector<16xf32>
        %parallel_loop3A_96 = arith.constant 0.000000e+00 : f32
        %parallel_loop3A_97 = vector.broadcast %parallel_loop3A_96 : f32 to vector<16xf32>
        %parallel_loop3A_98 = arith.constant 0.000000e+00 : f32
        %parallel_loop3A_99 = vector.broadcast %parallel_loop3A_98 : f32 to vector<16xf32>
        %parallel_loop3A_100 = arith.constant 0.000000e+00 : f32
        %parallel_loop3A_101 = vector.broadcast %parallel_loop3A_100 : f32 to vector<16xf32>
        %parallel_loop3A_102 = arith.constant 0.000000e+00 : f32
        %parallel_loop3A_103 = vector.broadcast %parallel_loop3A_102 : f32 to vector<16xf32>
        %parallel_loop3A_104 = arith.constant 0.000000e+00 : f32
        %parallel_loop3A_105 = vector.broadcast %parallel_loop3A_104 : f32 to vector<16xf32>
        %parallel_loop3A_106 = arith.constant 0.000000e+00 : f32
        %parallel_loop3A_107 = vector.broadcast %parallel_loop3A_106 : f32 to vector<16xf32>
        %parallel_loop3A_108 = arith.constant 0.000000e+00 : f32
        %parallel_loop3A_109 = vector.broadcast %parallel_loop3A_108 : f32 to vector<16xf32>
        %parallel_loop3A_110 = arith.constant 0.000000e+00 : f32
        %parallel_loop3A_111 = vector.broadcast %parallel_loop3A_110 : f32 to vector<16xf32>
        %parallel_loop3A_112 = arith.constant 0.000000e+00 : f32
        %parallel_loop3A_113 = vector.broadcast %parallel_loop3A_112 : f32 to vector<16xf32>
        %parallel_loop3A_114 = arith.constant 0.000000e+00 : f32
        %parallel_loop3A_115 = vector.broadcast %parallel_loop3A_114 : f32 to vector<16xf32>
        %parallel_loop3A_116 = arith.constant 0.000000e+00 : f32
        %parallel_loop3A_117 = vector.broadcast %parallel_loop3A_116 : f32 to vector<16xf32>
        %parallel_loop3A_118 = arith.constant 0.000000e+00 : f32
        %parallel_loop3A_119 = vector.broadcast %parallel_loop3A_118 : f32 to vector<16xf32>
        %parallel_loop3A_120 = arith.constant 0.000000e+00 : f32
        %parallel_loop3A_121 = vector.broadcast %parallel_loop3A_120 : f32 to vector<16xf32>
        %parallel_loop3A_122 = arith.constant 0.000000e+00 : f32
        %parallel_loop3A_123 = vector.broadcast %parallel_loop3A_122 : f32 to vector<16xf32>
        %parallel_loop3A_124 = arith.constant 0.000000e+00 : f32
        %parallel_loop3A_125 = vector.broadcast %parallel_loop3A_124 : f32 to vector<16xf32>
        %parallel_loop3A_126 = arith.constant 0 : i32
        %parallel_loop3A_127 = arith.constant 48 : i32
        %parallel_loop3A_128 = arith.constant 1 : i32
        %parallel_loop3A_129:16 = scf.for %parallel_loop3A_879 = %parallel_loop3A_126 to %parallel_loop3A_127 step %parallel_loop3A_128 iter_args(%parallel_loop3A_880 = %parallel_loop3A_95, %parallel_loop3A_881 = %parallel_loop3A_97, %parallel_loop3A_882 = %parallel_loop3A_99, %parallel_loop3A_883 = %parallel_loop3A_101, %parallel_loop3A_884 = %parallel_loop3A_103, %parallel_loop3A_885 = %parallel_loop3A_105, %parallel_loop3A_886 = %parallel_loop3A_107, %parallel_loop3A_887 = %parallel_loop3A_109, %parallel_loop3A_888 = %parallel_loop3A_111, %parallel_loop3A_889 = %parallel_loop3A_113, %parallel_loop3A_890 = %parallel_loop3A_115, %parallel_loop3A_891 = %parallel_loop3A_117, %parallel_loop3A_892 = %parallel_loop3A_119, %parallel_loop3A_893 = %parallel_loop3A_121, %parallel_loop3A_894 = %parallel_loop3A_123, %parallel_loop3A_895 = %parallel_loop3A_125) -> (vector<16xf32>, vector<16xf32>, vector<16xf32>, vector<16xf32>, vector<16xf32>, vector<16xf32>, vector<16xf32>, vector<16xf32>, vector<16xf32>, vector<16xf32>, vector<16xf32>, vector<16xf32>, vector<16xf32>, vector<16xf32>, vector<16xf32>, vector<16xf32>)  : i32 {
          %parallel_loop3A_896 = arith.constant 0 : i32
          %parallel_loop3A_897 = arith.addi %parallel_loop3A_93, %parallel_loop3A_896 : i32
          %parallel_loop3A_898 = arith.constant 16 : i32
          %parallel_loop3A_899 = arith.muli %parallel_loop3A_879, %parallel_loop3A_898 : i32
          %parallel_loop3A_900 = arith.index_cast %parallel_loop3A_897 : i32 to index
          %parallel_loop3A_901 = arith.index_cast %parallel_loop3A_899 : i32 to index
          %parallel_loop3A_902 = tpu.vector_load %arg10[%parallel_loop3A_900, %parallel_loop3A_901] {strides = array<i32>} : memref<32x768xf32, #tpu.memory_space<vmem>>, vector<1x16xf32>,
          %parallel_loop3A_903 = vector.shape_cast %parallel_loop3A_902 : vector<1x16xf32> to vector<16xf32>
          %parallel_loop3A_904 = arith.addf %parallel_loop3A_880, %parallel_loop3A_903 : vector<16xf32>
          %parallel_loop3A_905 = arith.mulf %parallel_loop3A_903, %parallel_loop3A_903 : vector<16xf32>
          %parallel_loop3A_906 = arith.addf %parallel_loop3A_888, %parallel_loop3A_905 : vector<16xf32>
          %parallel_loop3A_907 = arith.constant 1 : i32
          %parallel_loop3A_908 = arith.addi %parallel_loop3A_93, %parallel_loop3A_907 : i32
          %parallel_loop3A_909 = arith.constant 16 : i32
          %parallel_loop3A_910 = arith.muli %parallel_loop3A_879, %parallel_loop3A_909 : i32
          %parallel_loop3A_911 = arith.index_cast %parallel_loop3A_908 : i32 to index
          %parallel_loop3A_912 = arith.index_cast %parallel_loop3A_910 : i32 to index
          %parallel_loop3A_913 = tpu.vector_load %arg10[%parallel_loop3A_911, %parallel_loop3A_912] {strides = array<i32>} : memref<32x768xf32, #tpu.memory_space<vmem>>, vector<1x16xf32>,
          %parallel_loop3A_914 = vector.shape_cast %parallel_loop3A_913 : vector<1x16xf32> to vector<16xf32>
          %parallel_loop3A_915 = arith.addf %parallel_loop3A_881, %parallel_loop3A_914 : vector<16xf32>
          %parallel_loop3A_916 = arith.mulf %parallel_loop3A_914, %parallel_loop3A_914 : vector<16xf32>
          %parallel_loop3A_917 = arith.addf %parallel_loop3A_889, %parallel_loop3A_916 : vector<16xf32>
          %parallel_loop3A_918 = arith.constant 2 : i32
          %parallel_loop3A_919 = arith.addi %parallel_loop3A_93, %parallel_loop3A_918 : i32
          %parallel_loop3A_920 = arith.constant 16 : i32
          %parallel_loop3A_921 = arith.muli %parallel_loop3A_879, %parallel_loop3A_920 : i32
          %parallel_loop3A_922 = arith.index_cast %parallel_loop3A_919 : i32 to index
          %parallel_loop3A_923 = arith.index_cast %parallel_loop3A_921 : i32 to index
          %parallel_loop3A_924 = tpu.vector_load %arg10[%parallel_loop3A_922, %parallel_loop3A_923] {strides = array<i32>} : memref<32x768xf32, #tpu.memory_space<vmem>>, vector<1x16xf32>,
          %parallel_loop3A_925 = vector.shape_cast %parallel_loop3A_924 : vector<1x16xf32> to vector<16xf32>
          %parallel_loop3A_926 = arith.addf %parallel_loop3A_882, %parallel_loop3A_925 : vector<16xf32>
          %parallel_loop3A_927 = arith.mulf %parallel_loop3A_925, %parallel_loop3A_925 : vector<16xf32>
          %parallel_loop3A_928 = arith.addf %parallel_loop3A_890, %parallel_loop3A_927 : vector<16xf32>
          %parallel_loop3A_929 = arith.constant 3 : i32
          %parallel_loop3A_930 = arith.addi %parallel_loop3A_93, %parallel_loop3A_929 : i32
          %parallel_loop3A_931 = arith.constant 16 : i32
          %parallel_loop3A_932 = arith.muli %parallel_loop3A_879, %parallel_loop3A_931 : i32
          %parallel_loop3A_933 = arith.index_cast %parallel_loop3A_930 : i32 to index
          %parallel_loop3A_934 = arith.index_cast %parallel_loop3A_932 : i32 to index
          %parallel_loop3A_935 = tpu.vector_load %arg10[%parallel_loop3A_933, %parallel_loop3A_934] {strides = array<i32>} : memref<32x768xf32, #tpu.memory_space<vmem>>, vector<1x16xf32>,
          %parallel_loop3A_936 = vector.shape_cast %parallel_loop3A_935 : vector<1x16xf32> to vector<16xf32>
          %parallel_loop3A_937 = arith.addf %parallel_loop3A_883, %parallel_loop3A_936 : vector<16xf32>
          %parallel_loop3A_938 = arith.mulf %parallel_loop3A_936, %parallel_loop3A_936 : vector<16xf32>
          %parallel_loop3A_939 = arith.addf %parallel_loop3A_891, %parallel_loop3A_938 : vector<16xf32>
          %parallel_loop3A_940 = arith.constant 4 : i32
          %parallel_loop3A_941 = arith.addi %parallel_loop3A_93, %parallel_loop3A_940 : i32
          %parallel_loop3A_942 = arith.constant 16 : i32
          %parallel_loop3A_943 = arith.muli %parallel_loop3A_879, %parallel_loop3A_942 : i32
          %parallel_loop3A_944 = arith.index_cast %parallel_loop3A_941 : i32 to index
          %parallel_loop3A_945 = arith.index_cast %parallel_loop3A_943 : i32 to index
          %parallel_loop3A_946 = tpu.vector_load %arg10[%parallel_loop3A_944, %parallel_loop3A_945] {strides = array<i32>} : memref<32x768xf32, #tpu.memory_space<vmem>>, vector<1x16xf32>,
          %parallel_loop3A_947 = vector.shape_cast %parallel_loop3A_946 : vector<1x16xf32> to vector<16xf32>
          %parallel_loop3A_948 = arith.addf %parallel_loop3A_884, %parallel_loop3A_947 : vector<16xf32>
          %parallel_loop3A_949 = arith.mulf %parallel_loop3A_947, %parallel_loop3A_947 : vector<16xf32>
          %parallel_loop3A_950 = arith.addf %parallel_loop3A_892, %parallel_loop3A_949 : vector<16xf32>
          %parallel_loop3A_951 = arith.constant 5 : i32
          %parallel_loop3A_952 = arith.addi %parallel_loop3A_93, %parallel_loop3A_951 : i32
          %parallel_loop3A_953 = arith.constant 16 : i32
          %parallel_loop3A_954 = arith.muli %parallel_loop3A_879, %parallel_loop3A_953 : i32
          %parallel_loop3A_955 = arith.index_cast %parallel_loop3A_952 : i32 to index
          %parallel_loop3A_956 = arith.index_cast %parallel_loop3A_954 : i32 to index
          %parallel_loop3A_957 = tpu.vector_load %arg10[%parallel_loop3A_955, %parallel_loop3A_956] {strides = array<i32>} : memref<32x768xf32, #tpu.memory_space<vmem>>, vector<1x16xf32>,
          %parallel_loop3A_958 = vector.shape_cast %parallel_loop3A_957 : vector<1x16xf32> to vector<16xf32>
          %parallel_loop3A_959 = arith.addf %parallel_loop3A_885, %parallel_loop3A_958 : vector<16xf32>
          %parallel_loop3A_960 = arith.mulf %parallel_loop3A_958, %parallel_loop3A_958 : vector<16xf32>
          %parallel_loop3A_961 = arith.addf %parallel_loop3A_893, %parallel_loop3A_960 : vector<16xf32>
          %parallel_loop3A_962 = arith.constant 6 : i32
          %parallel_loop3A_963 = arith.addi %parallel_loop3A_93, %parallel_loop3A_962 : i32
          %parallel_loop3A_964 = arith.constant 16 : i32
          %parallel_loop3A_965 = arith.muli %parallel_loop3A_879, %parallel_loop3A_964 : i32
          %parallel_loop3A_966 = arith.index_cast %parallel_loop3A_963 : i32 to index
          %parallel_loop3A_967 = arith.index_cast %parallel_loop3A_965 : i32 to index
          %parallel_loop3A_968 = tpu.vector_load %arg10[%parallel_loop3A_966, %parallel_loop3A_967] {strides = array<i32>} : memref<32x768xf32, #tpu.memory_space<vmem>>, vector<1x16xf32>,
          %parallel_loop3A_969 = vector.shape_cast %parallel_loop3A_968 : vector<1x16xf32> to vector<16xf32>
          %parallel_loop3A_970 = arith.addf %parallel_loop3A_886, %parallel_loop3A_969 : vector<16xf32>
          %parallel_loop3A_971 = arith.mulf %parallel_loop3A_969, %parallel_loop3A_969 : vector<16xf32>
          %parallel_loop3A_972 = arith.addf %parallel_loop3A_894, %parallel_loop3A_971 : vector<16xf32>
          %parallel_loop3A_973 = arith.constant 7 : i32
          %parallel_loop3A_974 = arith.addi %parallel_loop3A_93, %parallel_loop3A_973 : i32
          %parallel_loop3A_975 = arith.constant 16 : i32
          %parallel_loop3A_976 = arith.muli %parallel_loop3A_879, %parallel_loop3A_975 : i32
          %parallel_loop3A_977 = arith.index_cast %parallel_loop3A_974 : i32 to index
          %parallel_loop3A_978 = arith.index_cast %parallel_loop3A_976 : i32 to index
          %parallel_loop3A_979 = tpu.vector_load %arg10[%parallel_loop3A_977, %parallel_loop3A_978] {strides = array<i32>} : memref<32x768xf32, #tpu.memory_space<vmem>>, vector<1x16xf32>,
          %parallel_loop3A_980 = vector.shape_cast %parallel_loop3A_979 : vector<1x16xf32> to vector<16xf32>
          %parallel_loop3A_981 = arith.addf %parallel_loop3A_887, %parallel_loop3A_980 : vector<16xf32>
          %parallel_loop3A_982 = arith.mulf %parallel_loop3A_980, %parallel_loop3A_980 : vector<16xf32>
          %parallel_loop3A_983 = arith.addf %parallel_loop3A_895, %parallel_loop3A_982 : vector<16xf32>
          scf.yield %parallel_loop3A_904, %parallel_loop3A_915, %parallel_loop3A_926, %parallel_loop3A_937, %parallel_loop3A_948, %parallel_loop3A_959, %parallel_loop3A_970, %parallel_loop3A_981, %parallel_loop3A_906, %parallel_loop3A_917, %parallel_loop3A_928, %parallel_loop3A_939, %parallel_loop3A_950, %parallel_loop3A_961, %parallel_loop3A_972, %parallel_loop3A_983 : vector<16xf32>, vector<16xf32>, vector<16xf32>, vector<16xf32>, vector<16xf32>, vector<16xf32>, vector<16xf32>, vector<16xf32>, vector<16xf32>, vector<16xf32>, vector<16xf32>, vector<16xf32>, vector<16xf32>, vector<16xf32>, vector<16xf32>, vector<16xf32>
        } {sc.loop_unroll_factor = 4 : i64, sc.parallel_access}
        %parallel_loop3A_130 = tpu.iota {dimensions = array<i32: 0>} : vector<16xi32>
        %parallel_loop3A_131 = arith.constant 8 : i32
        %parallel_loop3A_132 = vector.broadcast %parallel_loop3A_131 : i32 to vector<16xi32>
        %parallel_loop3A_133 = arith.andi %parallel_loop3A_130, %parallel_loop3A_132 : vector<16xi32>
        %parallel_loop3A_134 = arith.constant 0 : i32
        %parallel_loop3A_135 = vector.broadcast %parallel_loop3A_134 : i32 to vector<16xi32>
        %parallel_loop3A_136 = arith.cmpi eq, %parallel_loop3A_133, %parallel_loop3A_135 : vector<16xi32>
        %parallel_loop3A_137 = arith.constant 8 : i32
        %parallel_loop3A_138 = vector.broadcast %parallel_loop3A_137 : i32 to vector<16xi32>
        %parallel_loop3A_139 = arith.xori %parallel_loop3A_130, %parallel_loop3A_138 : vector<16xi32>
        %parallel_loop3A_140 = arith.constant 0 : i32
        %parallel_loop3A_141 = vector.broadcast %parallel_loop3A_140 : i32 to vector<16xi32>
        %parallel_loop3A_142 = arith.cmpi slt, %parallel_loop3A_139, %parallel_loop3A_141 : vector<16xi32>
        %parallel_loop3A_143 = arith.constant 16 : i32
        %parallel_loop3A_144 = vector.broadcast %parallel_loop3A_143 : i32 to vector<16xi32>
        %parallel_loop3A_145 = arith.addi %parallel_loop3A_139, %parallel_loop3A_144 : vector<16xi32>
        %parallel_loop3A_146 = arith.select %parallel_loop3A_142, %parallel_loop3A_145, %parallel_loop3A_139 : vector<16xi1>, vector<16xi32>
        %parallel_loop3A_147 = vector.shape_cast %parallel_loop3A_146 : vector<16xi32> to vector<16x1xi32>
        %parallel_loop3A_148 = vector.shape_cast %parallel_loop3A_147 : vector<16x1xi32> to vector<16xi32>
        %parallel_loop3A_149 = tpu.dynamic_gather %parallel_loop3A_129#0[%parallel_loop3A_148] in [0] : vector<16xf32>, vector<16xi32> -> vector<16xf32>
        %parallel_loop3A_150 = arith.addf %parallel_loop3A_129#0, %parallel_loop3A_149 : vector<16xf32>
        %parallel_loop3A_151 = arith.constant 8 : i32
        %parallel_loop3A_152 = vector.broadcast %parallel_loop3A_151 : i32 to vector<16xi32>
        %parallel_loop3A_153 = arith.xori %parallel_loop3A_130, %parallel_loop3A_152 : vector<16xi32>
        %parallel_loop3A_154 = arith.constant 0 : i32
        %parallel_loop3A_155 = vector.broadcast %parallel_loop3A_154 : i32 to vector<16xi32>
        %parallel_loop3A_156 = arith.cmpi slt, %parallel_loop3A_153, %parallel_loop3A_155 : vector<16xi32>
        %parallel_loop3A_157 = arith.constant 16 : i32
        %parallel_loop3A_158 = vector.broadcast %parallel_loop3A_157 : i32 to vector<16xi32>
        %parallel_loop3A_159 = arith.addi %parallel_loop3A_153, %parallel_loop3A_158 : vector<16xi32>
        %parallel_loop3A_160 = arith.select %parallel_loop3A_156, %parallel_loop3A_159, %parallel_loop3A_153 : vector<16xi1>, vector<16xi32>
        %parallel_loop3A_161 = vector.shape_cast %parallel_loop3A_160 : vector<16xi32> to vector<16x1xi32>
        %parallel_loop3A_162 = vector.shape_cast %parallel_loop3A_161 : vector<16x1xi32> to vector<16xi32>
        %parallel_loop3A_163 = tpu.dynamic_gather %parallel_loop3A_129#1[%parallel_loop3A_162] in [0] : vector<16xf32>, vector<16xi32> -> vector<16xf32>
        %parallel_loop3A_164 = arith.addf %parallel_loop3A_129#1, %parallel_loop3A_163 : vector<16xf32>
        %parallel_loop3A_165 = arith.select %parallel_loop3A_136, %parallel_loop3A_150, %parallel_loop3A_164 : vector<16xi1>, vector<16xf32>
        %parallel_loop3A_166 = arith.constant 8 : i32
        %parallel_loop3A_167 = vector.broadcast %parallel_loop3A_166 : i32 to vector<16xi32>
        %parallel_loop3A_168 = arith.andi %parallel_loop3A_130, %parallel_loop3A_167 : vector<16xi32>
        %parallel_loop3A_169 = arith.constant 0 : i32
        %parallel_loop3A_170 = vector.broadcast %parallel_loop3A_169 : i32 to vector<16xi32>
        %parallel_loop3A_171 = arith.cmpi eq, %parallel_loop3A_168, %parallel_loop3A_170 : vector<16xi32>
        %parallel_loop3A_172 = arith.constant 8 : i32
        %parallel_loop3A_173 = vector.broadcast %parallel_loop3A_172 : i32 to vector<16xi32>
        %parallel_loop3A_174 = arith.xori %parallel_loop3A_130, %parallel_loop3A_173 : vector<16xi32>
        %parallel_loop3A_175 = arith.constant 0 : i32
        %parallel_loop3A_176 = vector.broadcast %parallel_loop3A_175 : i32 to vector<16xi32>
        %parallel_loop3A_177 = arith.cmpi slt, %parallel_loop3A_174, %parallel_loop3A_176 : vector<16xi32>
        %parallel_loop3A_178 = arith.constant 16 : i32
        %parallel_loop3A_179 = vector.broadcast %parallel_loop3A_178 : i32 to vector<16xi32>
        %parallel_loop3A_180 = arith.addi %parallel_loop3A_174, %parallel_loop3A_179 : vector<16xi32>
        %parallel_loop3A_181 = arith.select %parallel_loop3A_177, %parallel_loop3A_180, %parallel_loop3A_174 : vector<16xi1>, vector<16xi32>
        %parallel_loop3A_182 = vector.shape_cast %parallel_loop3A_181 : vector<16xi32> to vector<16x1xi32>
        %parallel_loop3A_183 = vector.shape_cast %parallel_loop3A_182 : vector<16x1xi32> to vector<16xi32>
        %parallel_loop3A_184 = tpu.dynamic_gather %parallel_loop3A_129#2[%parallel_loop3A_183] in [0] : vector<16xf32>, vector<16xi32> -> vector<16xf32>
        %parallel_loop3A_185 = arith.addf %parallel_loop3A_129#2, %parallel_loop3A_184 : vector<16xf32>
        %parallel_loop3A_186 = arith.constant 8 : i32
        %parallel_loop3A_187 = vector.broadcast %parallel_loop3A_186 : i32 to vector<16xi32>
        %parallel_loop3A_188 = arith.xori %parallel_loop3A_130, %parallel_loop3A_187 : vector<16xi32>
        %parallel_loop3A_189 = arith.constant 0 : i32
        %parallel_loop3A_190 = vector.broadcast %parallel_loop3A_189 : i32 to vector<16xi32>
        %parallel_loop3A_191 = arith.cmpi slt, %parallel_loop3A_188, %parallel_loop3A_190 : vector<16xi32>
        %parallel_loop3A_192 = arith.constant 16 : i32
        %parallel_loop3A_193 = vector.broadcast %parallel_loop3A_192 : i32 to vector<16xi32>
        %parallel_loop3A_194 = arith.addi %parallel_loop3A_188, %parallel_loop3A_193 : vector<16xi32>
        %parallel_loop3A_195 = arith.select %parallel_loop3A_191, %parallel_loop3A_194, %parallel_loop3A_188 : vector<16xi1>, vector<16xi32>
        %parallel_loop3A_196 = vector.shape_cast %parallel_loop3A_195 : vector<16xi32> to vector<16x1xi32>
        %parallel_loop3A_197 = vector.shape_cast %parallel_loop3A_196 : vector<16x1xi32> to vector<16xi32>
        %parallel_loop3A_198 = tpu.dynamic_gather %parallel_loop3A_129#3[%parallel_loop3A_197] in [0] : vector<16xf32>, vector<16xi32> -> vector<16xf32>
        %parallel_loop3A_199 = arith.addf %parallel_loop3A_129#3, %parallel_loop3A_198 : vector<16xf32>
        %parallel_loop3A_200 = arith.select %parallel_loop3A_171, %parallel_loop3A_185, %parallel_loop3A_199 : vector<16xi1>, vector<16xf32>
        %parallel_loop3A_201 = arith.constant 8 : i32
        %parallel_loop3A_202 = vector.broadcast %parallel_loop3A_201 : i32 to vector<16xi32>
        %parallel_loop3A_203 = arith.andi %parallel_loop3A_130, %parallel_loop3A_202 : vector<16xi32>
        %parallel_loop3A_204 = arith.constant 0 : i32
        %parallel_loop3A_205 = vector.broadcast %parallel_loop3A_204 : i32 to vector<16xi32>
        %parallel_loop3A_206 = arith.cmpi eq, %parallel_loop3A_203, %parallel_loop3A_205 : vector<16xi32>
        %parallel_loop3A_207 = arith.constant 8 : i32
        %parallel_loop3A_208 = vector.broadcast %parallel_loop3A_207 : i32 to vector<16xi32>
        %parallel_loop3A_209 = arith.xori %parallel_loop3A_130, %parallel_loop3A_208 : vector<16xi32>
        %parallel_loop3A_210 = arith.constant 0 : i32
        %parallel_loop3A_211 = vector.broadcast %parallel_loop3A_210 : i32 to vector<16xi32>
        %parallel_loop3A_212 = arith.cmpi slt, %parallel_loop3A_209, %parallel_loop3A_211 : vector<16xi32>
        %parallel_loop3A_213 = arith.constant 16 : i32
        %parallel_loop3A_214 = vector.broadcast %parallel_loop3A_213 : i32 to vector<16xi32>
        %parallel_loop3A_215 = arith.addi %parallel_loop3A_209, %parallel_loop3A_214 : vector<16xi32>
        %parallel_loop3A_216 = arith.select %parallel_loop3A_212, %parallel_loop3A_215, %parallel_loop3A_209 : vector<16xi1>, vector<16xi32>
        %parallel_loop3A_217 = vector.shape_cast %parallel_loop3A_216 : vector<16xi32> to vector<16x1xi32>
        %parallel_loop3A_218 = vector.shape_cast %parallel_loop3A_217 : vector<16x1xi32> to vector<16xi32>
        %parallel_loop3A_219 = tpu.dynamic_gather %parallel_loop3A_129#4[%parallel_loop3A_218] in [0] : vector<16xf32>, vector<16xi32> -> vector<16xf32>
        %parallel_loop3A_220 = arith.addf %parallel_loop3A_129#4, %parallel_loop3A_219 : vector<16xf32>
        %parallel_loop3A_221 = arith.constant 8 : i32
        %parallel_loop3A_222 = vector.broadcast %parallel_loop3A_221 : i32 to vector<16xi32>
        %parallel_loop3A_223 = arith.xori %parallel_loop3A_130, %parallel_loop3A_222 : vector<16xi32>
        %parallel_loop3A_224 = arith.constant 0 : i32
        %parallel_loop3A_225 = vector.broadcast %parallel_loop3A_224 : i32 to vector<16xi32>
        %parallel_loop3A_226 = arith.cmpi slt, %parallel_loop3A_223, %parallel_loop3A_225 : vector<16xi32>
        %parallel_loop3A_227 = arith.constant 16 : i32
        %parallel_loop3A_228 = vector.broadcast %parallel_loop3A_227 : i32 to vector<16xi32>
        %parallel_loop3A_229 = arith.addi %parallel_loop3A_223, %parallel_loop3A_228 : vector<16xi32>
        %parallel_loop3A_230 = arith.select %parallel_loop3A_226, %parallel_loop3A_229, %parallel_loop3A_223 : vector<16xi1>, vector<16xi32>
        %parallel_loop3A_231 = vector.shape_cast %parallel_loop3A_230 : vector<16xi32> to vector<16x1xi32>
        %parallel_loop3A_232 = vector.shape_cast %parallel_loop3A_231 : vector<16x1xi32> to vector<16xi32>
        %parallel_loop3A_233 = tpu.dynamic_gather %parallel_loop3A_129#5[%parallel_loop3A_232] in [0] : vector<16xf32>, vector<16xi32> -> vector<16xf32>
        %parallel_loop3A_234 = arith.addf %parallel_loop3A_129#5, %parallel_loop3A_233 : vector<16xf32>
        %parallel_loop3A_235 = arith.select %parallel_loop3A_206, %parallel_loop3A_220, %parallel_loop3A_234 : vector<16xi1>, vector<16xf32>
        %parallel_loop3A_236 = arith.constant 8 : i32
        %parallel_loop3A_237 = vector.broadcast %parallel_loop3A_236 : i32 to vector<16xi32>
        %parallel_loop3A_238 = arith.andi %parallel_loop3A_130, %parallel_loop3A_237 : vector<16xi32>
        %parallel_loop3A_239 = arith.constant 0 : i32
        %parallel_loop3A_240 = vector.broadcast %parallel_loop3A_239 : i32 to vector<16xi32>
        %parallel_loop3A_241 = arith.cmpi eq, %parallel_loop3A_238, %parallel_loop3A_240 : vector<16xi32>
        %parallel_loop3A_242 = arith.constant 8 : i32
        %parallel_loop3A_243 = vector.broadcast %parallel_loop3A_242 : i32 to vector<16xi32>
        %parallel_loop3A_244 = arith.xori %parallel_loop3A_130, %parallel_loop3A_243 : vector<16xi32>
        %parallel_loop3A_245 = arith.constant 0 : i32
        %parallel_loop3A_246 = vector.broadcast %parallel_loop3A_245 : i32 to vector<16xi32>
        %parallel_loop3A_247 = arith.cmpi slt, %parallel_loop3A_244, %parallel_loop3A_246 : vector<16xi32>
        %parallel_loop3A_248 = arith.constant 16 : i32
        %parallel_loop3A_249 = vector.broadcast %parallel_loop3A_248 : i32 to vector<16xi32>
        %parallel_loop3A_250 = arith.addi %parallel_loop3A_244, %parallel_loop3A_249 : vector<16xi32>
        %parallel_loop3A_251 = arith.select %parallel_loop3A_247, %parallel_loop3A_250, %parallel_loop3A_244 : vector<16xi1>, vector<16xi32>
        %parallel_loop3A_252 = vector.shape_cast %parallel_loop3A_251 : vector<16xi32> to vector<16x1xi32>
        %parallel_loop3A_253 = vector.shape_cast %parallel_loop3A_252 : vector<16x1xi32> to vector<16xi32>
        %parallel_loop3A_254 = tpu.dynamic_gather %parallel_loop3A_129#6[%parallel_loop3A_253] in [0] : vector<16xf32>, vector<16xi32> -> vector<16xf32>
        %parallel_loop3A_255 = arith.addf %parallel_loop3A_129#6, %parallel_loop3A_254 : vector<16xf32>
        %parallel_loop3A_256 = arith.constant 8 : i32
        %parallel_loop3A_257 = vector.broadcast %parallel_loop3A_256 : i32 to vector<16xi32>
        %parallel_loop3A_258 = arith.xori %parallel_loop3A_130, %parallel_loop3A_257 : vector<16xi32>
        %parallel_loop3A_259 = arith.constant 0 : i32
        %parallel_loop3A_260 = vector.broadcast %parallel_loop3A_259 : i32 to vector<16xi32>
        %parallel_loop3A_261 = arith.cmpi slt, %parallel_loop3A_258, %parallel_loop3A_260 : vector<16xi32>
        %parallel_loop3A_262 = arith.constant 16 : i32
        %parallel_loop3A_263 = vector.broadcast %parallel_loop3A_262 : i32 to vector<16xi32>
        %parallel_loop3A_264 = arith.addi %parallel_loop3A_258, %parallel_loop3A_263 : vector<16xi32>
        %parallel_loop3A_265 = arith.select %parallel_loop3A_261, %parallel_loop3A_264, %parallel_loop3A_258 : vector<16xi1>, vector<16xi32>
        %parallel_loop3A_266 = vector.shape_cast %parallel_loop3A_265 : vector<16xi32> to vector<16x1xi32>
        %parallel_loop3A_267 = vector.shape_cast %parallel_loop3A_266 : vector<16x1xi32> to vector<16xi32>
        %parallel_loop3A_268 = tpu.dynamic_gather %parallel_loop3A_129#7[%parallel_loop3A_267] in [0] : vector<16xf32>, vector<16xi32> -> vector<16xf32>
        %parallel_loop3A_269 = arith.addf %parallel_loop3A_129#7, %parallel_loop3A_268 : vector<16xf32>
        %parallel_loop3A_270 = arith.select %parallel_loop3A_241, %parallel_loop3A_255, %parallel_loop3A_269 : vector<16xi1>, vector<16xf32>
        %parallel_loop3A_271 = arith.constant 4 : i32
        %parallel_loop3A_272 = vector.broadcast %parallel_loop3A_271 : i32 to vector<16xi32>
        %parallel_loop3A_273 = arith.andi %parallel_loop3A_130, %parallel_loop3A_272 : vector<16xi32>
        %parallel_loop3A_274 = arith.constant 0 : i32
        %parallel_loop3A_275 = vector.broadcast %parallel_loop3A_274 : i32 to vector<16xi32>
        %parallel_loop3A_276 = arith.cmpi eq, %parallel_loop3A_273, %parallel_loop3A_275 : vector<16xi32>
        %parallel_loop3A_277 = arith.constant 4 : i32
        %parallel_loop3A_278 = vector.broadcast %parallel_loop3A_277 : i32 to vector<16xi32>
        %parallel_loop3A_279 = arith.xori %parallel_loop3A_130, %parallel_loop3A_278 : vector<16xi32>
        %parallel_loop3A_280 = arith.constant 0 : i32
        %parallel_loop3A_281 = vector.broadcast %parallel_loop3A_280 : i32 to vector<16xi32>
        %parallel_loop3A_282 = arith.cmpi slt, %parallel_loop3A_279, %parallel_loop3A_281 : vector<16xi32>
        %parallel_loop3A_283 = arith.constant 16 : i32
        %parallel_loop3A_284 = vector.broadcast %parallel_loop3A_283 : i32 to vector<16xi32>
        %parallel_loop3A_285 = arith.addi %parallel_loop3A_279, %parallel_loop3A_284 : vector<16xi32>
        %parallel_loop3A_286 = arith.select %parallel_loop3A_282, %parallel_loop3A_285, %parallel_loop3A_279 : vector<16xi1>, vector<16xi32>
        %parallel_loop3A_287 = vector.shape_cast %parallel_loop3A_286 : vector<16xi32> to vector<16x1xi32>
        %parallel_loop3A_288 = vector.shape_cast %parallel_loop3A_287 : vector<16x1xi32> to vector<16xi32>
        %parallel_loop3A_289 = tpu.dynamic_gather %parallel_loop3A_165[%parallel_loop3A_288] in [0] : vector<16xf32>, vector<16xi32> -> vector<16xf32>
        %parallel_loop3A_290 = arith.addf %parallel_loop3A_165, %parallel_loop3A_289 : vector<16xf32>
        %parallel_loop3A_291 = arith.constant 4 : i32
        %parallel_loop3A_292 = vector.broadcast %parallel_loop3A_291 : i32 to vector<16xi32>
        %parallel_loop3A_293 = arith.xori %parallel_loop3A_130, %parallel_loop3A_292 : vector<16xi32>
        %parallel_loop3A_294 = arith.constant 0 : i32
        %parallel_loop3A_295 = vector.broadcast %parallel_loop3A_294 : i32 to vector<16xi32>
        %parallel_loop3A_296 = arith.cmpi slt, %parallel_loop3A_293, %parallel_loop3A_295 : vector<16xi32>
        %parallel_loop3A_297 = arith.constant 16 : i32
        %parallel_loop3A_298 = vector.broadcast %parallel_loop3A_297 : i32 to vector<16xi32>
        %parallel_loop3A_299 = arith.addi %parallel_loop3A_293, %parallel_loop3A_298 : vector<16xi32>
        %parallel_loop3A_300 = arith.select %parallel_loop3A_296, %parallel_loop3A_299, %parallel_loop3A_293 : vector<16xi1>, vector<16xi32>
        %parallel_loop3A_301 = vector.shape_cast %parallel_loop3A_300 : vector<16xi32> to vector<16x1xi32>
        %parallel_loop3A_302 = vector.shape_cast %parallel_loop3A_301 : vector<16x1xi32> to vector<16xi32>
        %parallel_loop3A_303 = tpu.dynamic_gather %parallel_loop3A_200[%parallel_loop3A_302] in [0] : vector<16xf32>, vector<16xi32> -> vector<16xf32>
        %parallel_loop3A_304 = arith.addf %parallel_loop3A_200, %parallel_loop3A_303 : vector<16xf32>
        %parallel_loop3A_305 = arith.select %parallel_loop3A_276, %parallel_loop3A_290, %parallel_loop3A_304 : vector<16xi1>, vector<16xf32>
        %parallel_loop3A_306 = arith.constant 4 : i32
        %parallel_loop3A_307 = vector.broadcast %parallel_loop3A_306 : i32 to vector<16xi32>
        %parallel_loop3A_308 = arith.andi %parallel_loop3A_130, %parallel_loop3A_307 : vector<16xi32>
        %parallel_loop3A_309 = arith.constant 0 : i32
        %parallel_loop3A_310 = vector.broadcast %parallel_loop3A_309 : i32 to vector<16xi32>
        %parallel_loop3A_311 = arith.cmpi eq, %parallel_loop3A_308, %parallel_loop3A_310 : vector<16xi32>
        %parallel_loop3A_312 = arith.constant 4 : i32
        %parallel_loop3A_313 = vector.broadcast %parallel_loop3A_312 : i32 to vector<16xi32>
        %parallel_loop3A_314 = arith.xori %parallel_loop3A_130, %parallel_loop3A_313 : vector<16xi32>
        %parallel_loop3A_315 = arith.constant 0 : i32
        %parallel_loop3A_316 = vector.broadcast %parallel_loop3A_315 : i32 to vector<16xi32>
        %parallel_loop3A_317 = arith.cmpi slt, %parallel_loop3A_314, %parallel_loop3A_316 : vector<16xi32>
        %parallel_loop3A_318 = arith.constant 16 : i32
        %parallel_loop3A_319 = vector.broadcast %parallel_loop3A_318 : i32 to vector<16xi32>
        %parallel_loop3A_320 = arith.addi %parallel_loop3A_314, %parallel_loop3A_319 : vector<16xi32>
        %parallel_loop3A_321 = arith.select %parallel_loop3A_317, %parallel_loop3A_320, %parallel_loop3A_314 : vector<16xi1>, vector<16xi32>
        %parallel_loop3A_322 = vector.shape_cast %parallel_loop3A_321 : vector<16xi32> to vector<16x1xi32>
        %parallel_loop3A_323 = vector.shape_cast %parallel_loop3A_322 : vector<16x1xi32> to vector<16xi32>
        %parallel_loop3A_324 = tpu.dynamic_gather %parallel_loop3A_235[%parallel_loop3A_323] in [0] : vector<16xf32>, vector<16xi32> -> vector<16xf32>
        %parallel_loop3A_325 = arith.addf %parallel_loop3A_235, %parallel_loop3A_324 : vector<16xf32>
        %parallel_loop3A_326 = arith.constant 4 : i32
        %parallel_loop3A_327 = vector.broadcast %parallel_loop3A_326 : i32 to vector<16xi32>
        %parallel_loop3A_328 = arith.xori %parallel_loop3A_130, %parallel_loop3A_327 : vector<16xi32>
        %parallel_loop3A_329 = arith.constant 0 : i32
        %parallel_loop3A_330 = vector.broadcast %parallel_loop3A_329 : i32 to vector<16xi32>
        %parallel_loop3A_331 = arith.cmpi slt, %parallel_loop3A_328, %parallel_loop3A_330 : vector<16xi32>
        %parallel_loop3A_332 = arith.constant 16 : i32
        %parallel_loop3A_333 = vector.broadcast %parallel_loop3A_332 : i32 to vector<16xi32>
        %parallel_loop3A_334 = arith.addi %parallel_loop3A_328, %parallel_loop3A_333 : vector<16xi32>
        %parallel_loop3A_335 = arith.select %parallel_loop3A_331, %parallel_loop3A_334, %parallel_loop3A_328 : vector<16xi1>, vector<16xi32>
        %parallel_loop3A_336 = vector.shape_cast %parallel_loop3A_335 : vector<16xi32> to vector<16x1xi32>
        %parallel_loop3A_337 = vector.shape_cast %parallel_loop3A_336 : vector<16x1xi32> to vector<16xi32>
        %parallel_loop3A_338 = tpu.dynamic_gather %parallel_loop3A_270[%parallel_loop3A_337] in [0] : vector<16xf32>, vector<16xi32> -> vector<16xf32>
        %parallel_loop3A_339 = arith.addf %parallel_loop3A_270, %parallel_loop3A_338 : vector<16xf32>
        %parallel_loop3A_340 = arith.select %parallel_loop3A_311, %parallel_loop3A_325, %parallel_loop3A_339 : vector<16xi1>, vector<16xf32>
        %parallel_loop3A_341 = arith.constant 2 : i32
        %parallel_loop3A_342 = vector.broadcast %parallel_loop3A_341 : i32 to vector<16xi32>
        %parallel_loop3A_343 = arith.andi %parallel_loop3A_130, %parallel_loop3A_342 : vector<16xi32>
        %parallel_loop3A_344 = arith.constant 0 : i32
        %parallel_loop3A_345 = vector.broadcast %parallel_loop3A_344 : i32 to vector<16xi32>
        %parallel_loop3A_346 = arith.cmpi eq, %parallel_loop3A_343, %parallel_loop3A_345 : vector<16xi32>
        %parallel_loop3A_347 = arith.constant 2 : i32
        %parallel_loop3A_348 = vector.broadcast %parallel_loop3A_347 : i32 to vector<16xi32>
        %parallel_loop3A_349 = arith.xori %parallel_loop3A_130, %parallel_loop3A_348 : vector<16xi32>
        %parallel_loop3A_350 = arith.constant 0 : i32
        %parallel_loop3A_351 = vector.broadcast %parallel_loop3A_350 : i32 to vector<16xi32>
        %parallel_loop3A_352 = arith.cmpi slt, %parallel_loop3A_349, %parallel_loop3A_351 : vector<16xi32>
        %parallel_loop3A_353 = arith.constant 16 : i32
        %parallel_loop3A_354 = vector.broadcast %parallel_loop3A_353 : i32 to vector<16xi32>
        %parallel_loop3A_355 = arith.addi %parallel_loop3A_349, %parallel_loop3A_354 : vector<16xi32>
        %parallel_loop3A_356 = arith.select %parallel_loop3A_352, %parallel_loop3A_355, %parallel_loop3A_349 : vector<16xi1>, vector<16xi32>
        %parallel_loop3A_357 = vector.shape_cast %parallel_loop3A_356 : vector<16xi32> to vector<16x1xi32>
        %parallel_loop3A_358 = vector.shape_cast %parallel_loop3A_357 : vector<16x1xi32> to vector<16xi32>
        %parallel_loop3A_359 = tpu.dynamic_gather %parallel_loop3A_305[%parallel_loop3A_358] in [0] : vector<16xf32>, vector<16xi32> -> vector<16xf32>
        %parallel_loop3A_360 = arith.addf %parallel_loop3A_305, %parallel_loop3A_359 : vector<16xf32>
        %parallel_loop3A_361 = arith.constant 2 : i32
        %parallel_loop3A_362 = vector.broadcast %parallel_loop3A_361 : i32 to vector<16xi32>
        %parallel_loop3A_363 = arith.xori %parallel_loop3A_130, %parallel_loop3A_362 : vector<16xi32>
        %parallel_loop3A_364 = arith.constant 0 : i32
        %parallel_loop3A_365 = vector.broadcast %parallel_loop3A_364 : i32 to vector<16xi32>
        %parallel_loop3A_366 = arith.cmpi slt, %parallel_loop3A_363, %parallel_loop3A_365 : vector<16xi32>
        %parallel_loop3A_367 = arith.constant 16 : i32
        %parallel_loop3A_368 = vector.broadcast %parallel_loop3A_367 : i32 to vector<16xi32>
        %parallel_loop3A_369 = arith.addi %parallel_loop3A_363, %parallel_loop3A_368 : vector<16xi32>
        %parallel_loop3A_370 = arith.select %parallel_loop3A_366, %parallel_loop3A_369, %parallel_loop3A_363 : vector<16xi1>, vector<16xi32>
        %parallel_loop3A_371 = vector.shape_cast %parallel_loop3A_370 : vector<16xi32> to vector<16x1xi32>
        %parallel_loop3A_372 = vector.shape_cast %parallel_loop3A_371 : vector<16x1xi32> to vector<16xi32>
        %parallel_loop3A_373 = tpu.dynamic_gather %parallel_loop3A_340[%parallel_loop3A_372] in [0] : vector<16xf32>, vector<16xi32> -> vector<16xf32>
        %parallel_loop3A_374 = arith.addf %parallel_loop3A_340, %parallel_loop3A_373 : vector<16xf32>
        %parallel_loop3A_375 = arith.select %parallel_loop3A_346, %parallel_loop3A_360, %parallel_loop3A_374 : vector<16xi1>, vector<16xf32>
        %parallel_loop3A_376 = arith.constant 1 : i32
        %parallel_loop3A_377 = vector.broadcast %parallel_loop3A_376 : i32 to vector<16xi32>
        %parallel_loop3A_378 = arith.xori %parallel_loop3A_130, %parallel_loop3A_377 : vector<16xi32>
        %parallel_loop3A_379 = arith.constant 0 : i32
        %parallel_loop3A_380 = vector.broadcast %parallel_loop3A_379 : i32 to vector<16xi32>
        %parallel_loop3A_381 = arith.cmpi slt, %parallel_loop3A_378, %parallel_loop3A_380 : vector<16xi32>
        %parallel_loop3A_382 = arith.constant 16 : i32
        %parallel_loop3A_383 = vector.broadcast %parallel_loop3A_382 : i32 to vector<16xi32>
        %parallel_loop3A_384 = arith.addi %parallel_loop3A_378, %parallel_loop3A_383 : vector<16xi32>
        %parallel_loop3A_385 = arith.select %parallel_loop3A_381, %parallel_loop3A_384, %parallel_loop3A_378 : vector<16xi1>, vector<16xi32>
        %parallel_loop3A_386 = vector.shape_cast %parallel_loop3A_385 : vector<16xi32> to vector<16x1xi32>
        %parallel_loop3A_387 = vector.shape_cast %parallel_loop3A_386 : vector<16x1xi32> to vector<16xi32>
        %parallel_loop3A_388 = tpu.dynamic_gather %parallel_loop3A_375[%parallel_loop3A_387] in [0] : vector<16xf32>, vector<16xi32> -> vector<16xf32>
        %parallel_loop3A_389 = arith.addf %parallel_loop3A_375, %parallel_loop3A_388 : vector<16xf32>
        %parallel_loop3A_390 = tpu.iota {dimensions = array<i32: 0>} : vector<16xi32>
        %parallel_loop3A_391 = arith.constant 8 : i32
        %parallel_loop3A_392 = vector.broadcast %parallel_loop3A_391 : i32 to vector<16xi32>
        %parallel_loop3A_393 = arith.andi %parallel_loop3A_390, %parallel_loop3A_392 : vector<16xi32>
        %parallel_loop3A_394 = arith.constant 0 : i32
        %parallel_loop3A_395 = vector.broadcast %parallel_loop3A_394 : i32 to vector<16xi32>
        %parallel_loop3A_396 = arith.cmpi eq, %parallel_loop3A_393, %parallel_loop3A_395 : vector<16xi32>
        %parallel_loop3A_397 = arith.constant 8 : i32
        %parallel_loop3A_398 = vector.broadcast %parallel_loop3A_397 : i32 to vector<16xi32>
        %parallel_loop3A_399 = arith.xori %parallel_loop3A_390, %parallel_loop3A_398 : vector<16xi32>
        %parallel_loop3A_400 = arith.constant 0 : i32
        %parallel_loop3A_401 = vector.broadcast %parallel_loop3A_400 : i32 to vector<16xi32>
        %parallel_loop3A_402 = arith.cmpi slt, %parallel_loop3A_399, %parallel_loop3A_401 : vector<16xi32>
        %parallel_loop3A_403 = arith.constant 16 : i32
        %parallel_loop3A_404 = vector.broadcast %parallel_loop3A_403 : i32 to vector<16xi32>
        %parallel_loop3A_405 = arith.addi %parallel_loop3A_399, %parallel_loop3A_404 : vector<16xi32>
        %parallel_loop3A_406 = arith.select %parallel_loop3A_402, %parallel_loop3A_405, %parallel_loop3A_399 : vector<16xi1>, vector<16xi32>
        %parallel_loop3A_407 = vector.shape_cast %parallel_loop3A_406 : vector<16xi32> to vector<16x1xi32>
        %parallel_loop3A_408 = vector.shape_cast %parallel_loop3A_407 : vector<16x1xi32> to vector<16xi32>
        %parallel_loop3A_409 = tpu.dynamic_gather %parallel_loop3A_129#8[%parallel_loop3A_408] in [0] : vector<16xf32>, vector<16xi32> -> vector<16xf32>
        %parallel_loop3A_410 = arith.addf %parallel_loop3A_129#8, %parallel_loop3A_409 : vector<16xf32>
        %parallel_loop3A_411 = arith.constant 8 : i32
        %parallel_loop3A_412 = vector.broadcast %parallel_loop3A_411 : i32 to vector<16xi32>
        %parallel_loop3A_413 = arith.xori %parallel_loop3A_390, %parallel_loop3A_412 : vector<16xi32>
        %parallel_loop3A_414 = arith.constant 0 : i32
        %parallel_loop3A_415 = vector.broadcast %parallel_loop3A_414 : i32 to vector<16xi32>
        %parallel_loop3A_416 = arith.cmpi slt, %parallel_loop3A_413, %parallel_loop3A_415 : vector<16xi32>
        %parallel_loop3A_417 = arith.constant 16 : i32
        %parallel_loop3A_418 = vector.broadcast %parallel_loop3A_417 : i32 to vector<16xi32>
        %parallel_loop3A_419 = arith.addi %parallel_loop3A_413, %parallel_loop3A_418 : vector<16xi32>
        %parallel_loop3A_420 = arith.select %parallel_loop3A_416, %parallel_loop3A_419, %parallel_loop3A_413 : vector<16xi1>, vector<16xi32>
        %parallel_loop3A_421 = vector.shape_cast %parallel_loop3A_420 : vector<16xi32> to vector<16x1xi32>
        %parallel_loop3A_422 = vector.shape_cast %parallel_loop3A_421 : vector<16x1xi32> to vector<16xi32>
        %parallel_loop3A_423 = tpu.dynamic_gather %parallel_loop3A_129#9[%parallel_loop3A_422] in [0] : vector<16xf32>, vector<16xi32> -> vector<16xf32>
        %parallel_loop3A_424 = arith.addf %parallel_loop3A_129#9, %parallel_loop3A_423 : vector<16xf32>
        %parallel_loop3A_425 = arith.select %parallel_loop3A_396, %parallel_loop3A_410, %parallel_loop3A_424 : vector<16xi1>, vector<16xf32>
        %parallel_loop3A_426 = arith.constant 8 : i32
        %parallel_loop3A_427 = vector.broadcast %parallel_loop3A_426 : i32 to vector<16xi32>
        %parallel_loop3A_428 = arith.andi %parallel_loop3A_390, %parallel_loop3A_427 : vector<16xi32>
        %parallel_loop3A_429 = arith.constant 0 : i32
        %parallel_loop3A_430 = vector.broadcast %parallel_loop3A_429 : i32 to vector<16xi32>
        %parallel_loop3A_431 = arith.cmpi eq, %parallel_loop3A_428, %parallel_loop3A_430 : vector<16xi32>
        %parallel_loop3A_432 = arith.constant 8 : i32
        %parallel_loop3A_433 = vector.broadcast %parallel_loop3A_432 : i32 to vector<16xi32>
        %parallel_loop3A_434 = arith.xori %parallel_loop3A_390, %parallel_loop3A_433 : vector<16xi32>
        %parallel_loop3A_435 = arith.constant 0 : i32
        %parallel_loop3A_436 = vector.broadcast %parallel_loop3A_435 : i32 to vector<16xi32>
        %parallel_loop3A_437 = arith.cmpi slt, %parallel_loop3A_434, %parallel_loop3A_436 : vector<16xi32>
        %parallel_loop3A_438 = arith.constant 16 : i32
        %parallel_loop3A_439 = vector.broadcast %parallel_loop3A_438 : i32 to vector<16xi32>
        %parallel_loop3A_440 = arith.addi %parallel_loop3A_434, %parallel_loop3A_439 : vector<16xi32>
        %parallel_loop3A_441 = arith.select %parallel_loop3A_437, %parallel_loop3A_440, %parallel_loop3A_434 : vector<16xi1>, vector<16xi32>
        %parallel_loop3A_442 = vector.shape_cast %parallel_loop3A_441 : vector<16xi32> to vector<16x1xi32>
        %parallel_loop3A_443 = vector.shape_cast %parallel_loop3A_442 : vector<16x1xi32> to vector<16xi32>
        %parallel_loop3A_444 = tpu.dynamic_gather %parallel_loop3A_129#10[%parallel_loop3A_443] in [0] : vector<16xf32>, vector<16xi32> -> vector<16xf32>
        %parallel_loop3A_445 = arith.addf %parallel_loop3A_129#10, %parallel_loop3A_444 : vector<16xf32>
        %parallel_loop3A_446 = arith.constant 8 : i32
        %parallel_loop3A_447 = vector.broadcast %parallel_loop3A_446 : i32 to vector<16xi32>
        %parallel_loop3A_448 = arith.xori %parallel_loop3A_390, %parallel_loop3A_447 : vector<16xi32>
        %parallel_loop3A_449 = arith.constant 0 : i32
        %parallel_loop3A_450 = vector.broadcast %parallel_loop3A_449 : i32 to vector<16xi32>
        %parallel_loop3A_451 = arith.cmpi slt, %parallel_loop3A_448, %parallel_loop3A_450 : vector<16xi32>
        %parallel_loop3A_452 = arith.constant 16 : i32
        %parallel_loop3A_453 = vector.broadcast %parallel_loop3A_452 : i32 to vector<16xi32>
        %parallel_loop3A_454 = arith.addi %parallel_loop3A_448, %parallel_loop3A_453 : vector<16xi32>
        %parallel_loop3A_455 = arith.select %parallel_loop3A_451, %parallel_loop3A_454, %parallel_loop3A_448 : vector<16xi1>, vector<16xi32>
        %parallel_loop3A_456 = vector.shape_cast %parallel_loop3A_455 : vector<16xi32> to vector<16x1xi32>
        %parallel_loop3A_457 = vector.shape_cast %parallel_loop3A_456 : vector<16x1xi32> to vector<16xi32>
        %parallel_loop3A_458 = tpu.dynamic_gather %parallel_loop3A_129#11[%parallel_loop3A_457] in [0] : vector<16xf32>, vector<16xi32> -> vector<16xf32>
        %parallel_loop3A_459 = arith.addf %parallel_loop3A_129#11, %parallel_loop3A_458 : vector<16xf32>
        %parallel_loop3A_460 = arith.select %parallel_loop3A_431, %parallel_loop3A_445, %parallel_loop3A_459 : vector<16xi1>, vector<16xf32>
        %parallel_loop3A_461 = arith.constant 8 : i32
        %parallel_loop3A_462 = vector.broadcast %parallel_loop3A_461 : i32 to vector<16xi32>
        %parallel_loop3A_463 = arith.andi %parallel_loop3A_390, %parallel_loop3A_462 : vector<16xi32>
        %parallel_loop3A_464 = arith.constant 0 : i32
        %parallel_loop3A_465 = vector.broadcast %parallel_loop3A_464 : i32 to vector<16xi32>
        %parallel_loop3A_466 = arith.cmpi eq, %parallel_loop3A_463, %parallel_loop3A_465 : vector<16xi32>
        %parallel_loop3A_467 = arith.constant 8 : i32
        %parallel_loop3A_468 = vector.broadcast %parallel_loop3A_467 : i32 to vector<16xi32>
        %parallel_loop3A_469 = arith.xori %parallel_loop3A_390, %parallel_loop3A_468 : vector<16xi32>
        %parallel_loop3A_470 = arith.constant 0 : i32
        %parallel_loop3A_471 = vector.broadcast %parallel_loop3A_470 : i32 to vector<16xi32>
        %parallel_loop3A_472 = arith.cmpi slt, %parallel_loop3A_469, %parallel_loop3A_471 : vector<16xi32>
        %parallel_loop3A_473 = arith.constant 16 : i32
        %parallel_loop3A_474 = vector.broadcast %parallel_loop3A_473 : i32 to vector<16xi32>
        %parallel_loop3A_475 = arith.addi %parallel_loop3A_469, %parallel_loop3A_474 : vector<16xi32>
        %parallel_loop3A_476 = arith.select %parallel_loop3A_472, %parallel_loop3A_475, %parallel_loop3A_469 : vector<16xi1>, vector<16xi32>
        %parallel_loop3A_477 = vector.shape_cast %parallel_loop3A_476 : vector<16xi32> to vector<16x1xi32>
        %parallel_loop3A_478 = vector.shape_cast %parallel_loop3A_477 : vector<16x1xi32> to vector<16xi32>
        %parallel_loop3A_479 = tpu.dynamic_gather %parallel_loop3A_129#12[%parallel_loop3A_478] in [0] : vector<16xf32>, vector<16xi32> -> vector<16xf32>
        %parallel_loop3A_480 = arith.addf %parallel_loop3A_129#12, %parallel_loop3A_479 : vector<16xf32>
        %parallel_loop3A_481 = arith.constant 8 : i32
        %parallel_loop3A_482 = vector.broadcast %parallel_loop3A_481 : i32 to vector<16xi32>
        %parallel_loop3A_483 = arith.xori %parallel_loop3A_390, %parallel_loop3A_482 : vector<16xi32>
        %parallel_loop3A_484 = arith.constant 0 : i32
        %parallel_loop3A_485 = vector.broadcast %parallel_loop3A_484 : i32 to vector<16xi32>
        %parallel_loop3A_486 = arith.cmpi slt, %parallel_loop3A_483, %parallel_loop3A_485 : vector<16xi32>
        %parallel_loop3A_487 = arith.constant 16 : i32
        %parallel_loop3A_488 = vector.broadcast %parallel_loop3A_487 : i32 to vector<16xi32>
        %parallel_loop3A_489 = arith.addi %parallel_loop3A_483, %parallel_loop3A_488 : vector<16xi32>
        %parallel_loop3A_490 = arith.select %parallel_loop3A_486, %parallel_loop3A_489, %parallel_loop3A_483 : vector<16xi1>, vector<16xi32>
        %parallel_loop3A_491 = vector.shape_cast %parallel_loop3A_490 : vector<16xi32> to vector<16x1xi32>
        %parallel_loop3A_492 = vector.shape_cast %parallel_loop3A_491 : vector<16x1xi32> to vector<16xi32>
        %parallel_loop3A_493 = tpu.dynamic_gather %parallel_loop3A_129#13[%parallel_loop3A_492] in [0] : vector<16xf32>, vector<16xi32> -> vector<16xf32>
        %parallel_loop3A_494 = arith.addf %parallel_loop3A_129#13, %parallel_loop3A_493 : vector<16xf32>
        %parallel_loop3A_495 = arith.select %parallel_loop3A_466, %parallel_loop3A_480, %parallel_loop3A_494 : vector<16xi1>, vector<16xf32>
        %parallel_loop3A_496 = arith.constant 8 : i32
        %parallel_loop3A_497 = vector.broadcast %parallel_loop3A_496 : i32 to vector<16xi32>
        %parallel_loop3A_498 = arith.andi %parallel_loop3A_390, %parallel_loop3A_497 : vector<16xi32>
        %parallel_loop3A_499 = arith.constant 0 : i32
        %parallel_loop3A_500 = vector.broadcast %parallel_loop3A_499 : i32 to vector<16xi32>
        %parallel_loop3A_501 = arith.cmpi eq, %parallel_loop3A_498, %parallel_loop3A_500 : vector<16xi32>
        %parallel_loop3A_502 = arith.constant 8 : i32
        %parallel_loop3A_503 = vector.broadcast %parallel_loop3A_502 : i32 to vector<16xi32>
        %parallel_loop3A_504 = arith.xori %parallel_loop3A_390, %parallel_loop3A_503 : vector<16xi32>
        %parallel_loop3A_505 = arith.constant 0 : i32
        %parallel_loop3A_506 = vector.broadcast %parallel_loop3A_505 : i32 to vector<16xi32>
        %parallel_loop3A_507 = arith.cmpi slt, %parallel_loop3A_504, %parallel_loop3A_506 : vector<16xi32>
        %parallel_loop3A_508 = arith.constant 16 : i32
        %parallel_loop3A_509 = vector.broadcast %parallel_loop3A_508 : i32 to vector<16xi32>
        %parallel_loop3A_510 = arith.addi %parallel_loop3A_504, %parallel_loop3A_509 : vector<16xi32>
        %parallel_loop3A_511 = arith.select %parallel_loop3A_507, %parallel_loop3A_510, %parallel_loop3A_504 : vector<16xi1>, vector<16xi32>
        %parallel_loop3A_512 = vector.shape_cast %parallel_loop3A_511 : vector<16xi32> to vector<16x1xi32>
        %parallel_loop3A_513 = vector.shape_cast %parallel_loop3A_512 : vector<16x1xi32> to vector<16xi32>
        %parallel_loop3A_514 = tpu.dynamic_gather %parallel_loop3A_129#14[%parallel_loop3A_513] in [0] : vector<16xf32>, vector<16xi32> -> vector<16xf32>
        %parallel_loop3A_515 = arith.addf %parallel_loop3A_129#14, %parallel_loop3A_514 : vector<16xf32>
        %parallel_loop3A_516 = arith.constant 8 : i32
        %parallel_loop3A_517 = vector.broadcast %parallel_loop3A_516 : i32 to vector<16xi32>
        %parallel_loop3A_518 = arith.xori %parallel_loop3A_390, %parallel_loop3A_517 : vector<16xi32>
        %parallel_loop3A_519 = arith.constant 0 : i32
        %parallel_loop3A_520 = vector.broadcast %parallel_loop3A_519 : i32 to vector<16xi32>
        %parallel_loop3A_521 = arith.cmpi slt, %parallel_loop3A_518, %parallel_loop3A_520 : vector<16xi32>
        %parallel_loop3A_522 = arith.constant 16 : i32
        %parallel_loop3A_523 = vector.broadcast %parallel_loop3A_522 : i32 to vector<16xi32>
        %parallel_loop3A_524 = arith.addi %parallel_loop3A_518, %parallel_loop3A_523 : vector<16xi32>
        %parallel_loop3A_525 = arith.select %parallel_loop3A_521, %parallel_loop3A_524, %parallel_loop3A_518 : vector<16xi1>, vector<16xi32>
        %parallel_loop3A_526 = vector.shape_cast %parallel_loop3A_525 : vector<16xi32> to vector<16x1xi32>
        %parallel_loop3A_527 = vector.shape_cast %parallel_loop3A_526 : vector<16x1xi32> to vector<16xi32>
        %parallel_loop3A_528 = tpu.dynamic_gather %parallel_loop3A_129#15[%parallel_loop3A_527] in [0] : vector<16xf32>, vector<16xi32> -> vector<16xf32>
        %parallel_loop3A_529 = arith.addf %parallel_loop3A_129#15, %parallel_loop3A_528 : vector<16xf32>
        %parallel_loop3A_530 = arith.select %parallel_loop3A_501, %parallel_loop3A_515, %parallel_loop3A_529 : vector<16xi1>, vector<16xf32>
        %parallel_loop3A_531 = arith.constant 4 : i32
        %parallel_loop3A_532 = vector.broadcast %parallel_loop3A_531 : i32 to vector<16xi32>
        %parallel_loop3A_533 = arith.andi %parallel_loop3A_390, %parallel_loop3A_532 : vector<16xi32>
        %parallel_loop3A_534 = arith.constant 0 : i32
        %parallel_loop3A_535 = vector.broadcast %parallel_loop3A_534 : i32 to vector<16xi32>
        %parallel_loop3A_536 = arith.cmpi eq, %parallel_loop3A_533, %parallel_loop3A_535 : vector<16xi32>
        %parallel_loop3A_537 = arith.constant 4 : i32
        %parallel_loop3A_538 = vector.broadcast %parallel_loop3A_537 : i32 to vector<16xi32>
        %parallel_loop3A_539 = arith.xori %parallel_loop3A_390, %parallel_loop3A_538 : vector<16xi32>
        %parallel_loop3A_540 = arith.constant 0 : i32
        %parallel_loop3A_541 = vector.broadcast %parallel_loop3A_540 : i32 to vector<16xi32>
        %parallel_loop3A_542 = arith.cmpi slt, %parallel_loop3A_539, %parallel_loop3A_541 : vector<16xi32>
        %parallel_loop3A_543 = arith.constant 16 : i32
        %parallel_loop3A_544 = vector.broadcast %parallel_loop3A_543 : i32 to vector<16xi32>
        %parallel_loop3A_545 = arith.addi %parallel_loop3A_539, %parallel_loop3A_544 : vector<16xi32>
        %parallel_loop3A_546 = arith.select %parallel_loop3A_542, %parallel_loop3A_545, %parallel_loop3A_539 : vector<16xi1>, vector<16xi32>
        %parallel_loop3A_547 = vector.shape_cast %parallel_loop3A_546 : vector<16xi32> to vector<16x1xi32>
        %parallel_loop3A_548 = vector.shape_cast %parallel_loop3A_547 : vector<16x1xi32> to vector<16xi32>
        %parallel_loop3A_549 = tpu.dynamic_gather %parallel_loop3A_425[%parallel_loop3A_548] in [0] : vector<16xf32>, vector<16xi32> -> vector<16xf32>
        %parallel_loop3A_550 = arith.addf %parallel_loop3A_425, %parallel_loop3A_549 : vector<16xf32>
        %parallel_loop3A_551 = arith.constant 4 : i32
        %parallel_loop3A_552 = vector.broadcast %parallel_loop3A_551 : i32 to vector<16xi32>
        %parallel_loop3A_553 = arith.xori %parallel_loop3A_390, %parallel_loop3A_552 : vector<16xi32>
        %parallel_loop3A_554 = arith.constant 0 : i32
        %parallel_loop3A_555 = vector.broadcast %parallel_loop3A_554 : i32 to vector<16xi32>
        %parallel_loop3A_556 = arith.cmpi slt, %parallel_loop3A_553, %parallel_loop3A_555 : vector<16xi32>
        %parallel_loop3A_557 = arith.constant 16 : i32
        %parallel_loop3A_558 = vector.broadcast %parallel_loop3A_557 : i32 to vector<16xi32>
        %parallel_loop3A_559 = arith.addi %parallel_loop3A_553, %parallel_loop3A_558 : vector<16xi32>
        %parallel_loop3A_560 = arith.select %parallel_loop3A_556, %parallel_loop3A_559, %parallel_loop3A_553 : vector<16xi1>, vector<16xi32>
        %parallel_loop3A_561 = vector.shape_cast %parallel_loop3A_560 : vector<16xi32> to vector<16x1xi32>
        %parallel_loop3A_562 = vector.shape_cast %parallel_loop3A_561 : vector<16x1xi32> to vector<16xi32>
        %parallel_loop3A_563 = tpu.dynamic_gather %parallel_loop3A_460[%parallel_loop3A_562] in [0] : vector<16xf32>, vector<16xi32> -> vector<16xf32>
        %parallel_loop3A_564 = arith.addf %parallel_loop3A_460, %parallel_loop3A_563 : vector<16xf32>
        %parallel_loop3A_565 = arith.select %parallel_loop3A_536, %parallel_loop3A_550, %parallel_loop3A_564 : vector<16xi1>, vector<16xf32>
        %parallel_loop3A_566 = arith.constant 4 : i32
        %parallel_loop3A_567 = vector.broadcast %parallel_loop3A_566 : i32 to vector<16xi32>
        %parallel_loop3A_568 = arith.andi %parallel_loop3A_390, %parallel_loop3A_567 : vector<16xi32>
        %parallel_loop3A_569 = arith.constant 0 : i32
        %parallel_loop3A_570 = vector.broadcast %parallel_loop3A_569 : i32 to vector<16xi32>
        %parallel_loop3A_571 = arith.cmpi eq, %parallel_loop3A_568, %parallel_loop3A_570 : vector<16xi32>
        %parallel_loop3A_572 = arith.constant 4 : i32
        %parallel_loop3A_573 = vector.broadcast %parallel_loop3A_572 : i32 to vector<16xi32>
        %parallel_loop3A_574 = arith.xori %parallel_loop3A_390, %parallel_loop3A_573 : vector<16xi32>
        %parallel_loop3A_575 = arith.constant 0 : i32
        %parallel_loop3A_576 = vector.broadcast %parallel_loop3A_575 : i32 to vector<16xi32>
        %parallel_loop3A_577 = arith.cmpi slt, %parallel_loop3A_574, %parallel_loop3A_576 : vector<16xi32>
        %parallel_loop3A_578 = arith.constant 16 : i32
        %parallel_loop3A_579 = vector.broadcast %parallel_loop3A_578 : i32 to vector<16xi32>
        %parallel_loop3A_580 = arith.addi %parallel_loop3A_574, %parallel_loop3A_579 : vector<16xi32>
        %parallel_loop3A_581 = arith.select %parallel_loop3A_577, %parallel_loop3A_580, %parallel_loop3A_574 : vector<16xi1>, vector<16xi32>
        %parallel_loop3A_582 = vector.shape_cast %parallel_loop3A_581 : vector<16xi32> to vector<16x1xi32>
        %parallel_loop3A_583 = vector.shape_cast %parallel_loop3A_582 : vector<16x1xi32> to vector<16xi32>
        %parallel_loop3A_584 = tpu.dynamic_gather %parallel_loop3A_495[%parallel_loop3A_583] in [0] : vector<16xf32>, vector<16xi32> -> vector<16xf32>
        %parallel_loop3A_585 = arith.addf %parallel_loop3A_495, %parallel_loop3A_584 : vector<16xf32>
        %parallel_loop3A_586 = arith.constant 4 : i32
        %parallel_loop3A_587 = vector.broadcast %parallel_loop3A_586 : i32 to vector<16xi32>
        %parallel_loop3A_588 = arith.xori %parallel_loop3A_390, %parallel_loop3A_587 : vector<16xi32>
        %parallel_loop3A_589 = arith.constant 0 : i32
        %parallel_loop3A_590 = vector.broadcast %parallel_loop3A_589 : i32 to vector<16xi32>
        %parallel_loop3A_591 = arith.cmpi slt, %parallel_loop3A_588, %parallel_loop3A_590 : vector<16xi32>
        %parallel_loop3A_592 = arith.constant 16 : i32
        %parallel_loop3A_593 = vector.broadcast %parallel_loop3A_592 : i32 to vector<16xi32>
        %parallel_loop3A_594 = arith.addi %parallel_loop3A_588, %parallel_loop3A_593 : vector<16xi32>
        %parallel_loop3A_595 = arith.select %parallel_loop3A_591, %parallel_loop3A_594, %parallel_loop3A_588 : vector<16xi1>, vector<16xi32>
        %parallel_loop3A_596 = vector.shape_cast %parallel_loop3A_595 : vector<16xi32> to vector<16x1xi32>
        %parallel_loop3A_597 = vector.shape_cast %parallel_loop3A_596 : vector<16x1xi32> to vector<16xi32>
        %parallel_loop3A_598 = tpu.dynamic_gather %parallel_loop3A_530[%parallel_loop3A_597] in [0] : vector<16xf32>, vector<16xi32> -> vector<16xf32>
        %parallel_loop3A_599 = arith.addf %parallel_loop3A_530, %parallel_loop3A_598 : vector<16xf32>
        %parallel_loop3A_600 = arith.select %parallel_loop3A_571, %parallel_loop3A_585, %parallel_loop3A_599 : vector<16xi1>, vector<16xf32>
        %parallel_loop3A_601 = arith.constant 2 : i32
        %parallel_loop3A_602 = vector.broadcast %parallel_loop3A_601 : i32 to vector<16xi32>
        %parallel_loop3A_603 = arith.andi %parallel_loop3A_390, %parallel_loop3A_602 : vector<16xi32>
        %parallel_loop3A_604 = arith.constant 0 : i32
        %parallel_loop3A_605 = vector.broadcast %parallel_loop3A_604 : i32 to vector<16xi32>
        %parallel_loop3A_606 = arith.cmpi eq, %parallel_loop3A_603, %parallel_loop3A_605 : vector<16xi32>
        %parallel_loop3A_607 = arith.constant 2 : i32
        %parallel_loop3A_608 = vector.broadcast %parallel_loop3A_607 : i32 to vector<16xi32>
        %parallel_loop3A_609 = arith.xori %parallel_loop3A_390, %parallel_loop3A_608 : vector<16xi32>
        %parallel_loop3A_610 = arith.constant 0 : i32
        %parallel_loop3A_611 = vector.broadcast %parallel_loop3A_610 : i32 to vector<16xi32>
        %parallel_loop3A_612 = arith.cmpi slt, %parallel_loop3A_609, %parallel_loop3A_611 : vector<16xi32>
        %parallel_loop3A_613 = arith.constant 16 : i32
        %parallel_loop3A_614 = vector.broadcast %parallel_loop3A_613 : i32 to vector<16xi32>
        %parallel_loop3A_615 = arith.addi %parallel_loop3A_609, %parallel_loop3A_614 : vector<16xi32>
        %parallel_loop3A_616 = arith.select %parallel_loop3A_612, %parallel_loop3A_615, %parallel_loop3A_609 : vector<16xi1>, vector<16xi32>
        %parallel_loop3A_617 = vector.shape_cast %parallel_loop3A_616 : vector<16xi32> to vector<16x1xi32>
        %parallel_loop3A_618 = vector.shape_cast %parallel_loop3A_617 : vector<16x1xi32> to vector<16xi32>
        %parallel_loop3A_619 = tpu.dynamic_gather %parallel_loop3A_565[%parallel_loop3A_618] in [0] : vector<16xf32>, vector<16xi32> -> vector<16xf32>
        %parallel_loop3A_620 = arith.addf %parallel_loop3A_565, %parallel_loop3A_619 : vector<16xf32>
        %parallel_loop3A_621 = arith.constant 2 : i32
        %parallel_loop3A_622 = vector.broadcast %parallel_loop3A_621 : i32 to vector<16xi32>
        %parallel_loop3A_623 = arith.xori %parallel_loop3A_390, %parallel_loop3A_622 : vector<16xi32>
        %parallel_loop3A_624 = arith.constant 0 : i32
        %parallel_loop3A_625 = vector.broadcast %parallel_loop3A_624 : i32 to vector<16xi32>
        %parallel_loop3A_626 = arith.cmpi slt, %parallel_loop3A_623, %parallel_loop3A_625 : vector<16xi32>
        %parallel_loop3A_627 = arith.constant 16 : i32
        %parallel_loop3A_628 = vector.broadcast %parallel_loop3A_627 : i32 to vector<16xi32>
        %parallel_loop3A_629 = arith.addi %parallel_loop3A_623, %parallel_loop3A_628 : vector<16xi32>
        %parallel_loop3A_630 = arith.select %parallel_loop3A_626, %parallel_loop3A_629, %parallel_loop3A_623 : vector<16xi1>, vector<16xi32>
        %parallel_loop3A_631 = vector.shape_cast %parallel_loop3A_630 : vector<16xi32> to vector<16x1xi32>
        %parallel_loop3A_632 = vector.shape_cast %parallel_loop3A_631 : vector<16x1xi32> to vector<16xi32>
        %parallel_loop3A_633 = tpu.dynamic_gather %parallel_loop3A_600[%parallel_loop3A_632] in [0] : vector<16xf32>, vector<16xi32> -> vector<16xf32>
        %parallel_loop3A_634 = arith.addf %parallel_loop3A_600, %parallel_loop3A_633 : vector<16xf32>
        %parallel_loop3A_635 = arith.select %parallel_loop3A_606, %parallel_loop3A_620, %parallel_loop3A_634 : vector<16xi1>, vector<16xf32>
        %parallel_loop3A_636 = arith.constant 1 : i32
        %parallel_loop3A_637 = vector.broadcast %parallel_loop3A_636 : i32 to vector<16xi32>
        %parallel_loop3A_638 = arith.xori %parallel_loop3A_390, %parallel_loop3A_637 : vector<16xi32>
        %parallel_loop3A_639 = arith.constant 0 : i32
        %parallel_loop3A_640 = vector.broadcast %parallel_loop3A_639 : i32 to vector<16xi32>
        %parallel_loop3A_641 = arith.cmpi slt, %parallel_loop3A_638, %parallel_loop3A_640 : vector<16xi32>
        %parallel_loop3A_642 = arith.constant 16 : i32
        %parallel_loop3A_643 = vector.broadcast %parallel_loop3A_642 : i32 to vector<16xi32>
        %parallel_loop3A_644 = arith.addi %parallel_loop3A_638, %parallel_loop3A_643 : vector<16xi32>
        %parallel_loop3A_645 = arith.select %parallel_loop3A_641, %parallel_loop3A_644, %parallel_loop3A_638 : vector<16xi1>, vector<16xi32>
        %parallel_loop3A_646 = vector.shape_cast %parallel_loop3A_645 : vector<16xi32> to vector<16x1xi32>
        %parallel_loop3A_647 = vector.shape_cast %parallel_loop3A_646 : vector<16x1xi32> to vector<16xi32>
        %parallel_loop3A_648 = tpu.dynamic_gather %parallel_loop3A_635[%parallel_loop3A_647] in [0] : vector<16xf32>, vector<16xi32> -> vector<16xf32>
        %parallel_loop3A_649 = arith.addf %parallel_loop3A_635, %parallel_loop3A_648 : vector<16xf32>
        %parallel_loop3A_650 = arith.constant 0.00130208337 : f32
        %parallel_loop3A_651 = vector.broadcast %parallel_loop3A_650 : f32 to vector<16xf32>
        %parallel_loop3A_652 = arith.mulf %parallel_loop3A_389, %parallel_loop3A_651 : vector<16xf32>
        %parallel_loop3A_653 = arith.constant 0.00130208337 : f32
        %parallel_loop3A_654 = vector.broadcast %parallel_loop3A_653 : f32 to vector<16xf32>
        %parallel_loop3A_655 = arith.mulf %parallel_loop3A_649, %parallel_loop3A_654 : vector<16xf32>
        %parallel_loop3A_656 = arith.mulf %parallel_loop3A_652, %parallel_loop3A_652 : vector<16xf32>
        %parallel_loop3A_657 = arith.subf %parallel_loop3A_655, %parallel_loop3A_656 : vector<16xf32>
        %parallel_loop3A_658 = arith.constant 9.99999974E-6 : f32
        %parallel_loop3A_659 = vector.broadcast %parallel_loop3A_658 : f32 to vector<16xf32>
        %parallel_loop3A_660 = arith.addf %parallel_loop3A_657, %parallel_loop3A_659 : vector<16xf32>
        %parallel_loop3A_661 = tpu.bitcast %parallel_loop3A_660 : vector<16xf32> -> vector<16xi32>
        %parallel_loop3A_662 = arith.constant 1597463007 : i32
        %parallel_loop3A_663 = vector.broadcast %parallel_loop3A_662 : i32 to vector<16xi32>
        %parallel_loop3A_664 = arith.constant 1 : i32
        %parallel_loop3A_665 = vector.broadcast %parallel_loop3A_664 : i32 to vector<16xi32>
        %parallel_loop3A_666 = arith.shrsi %parallel_loop3A_661, %parallel_loop3A_665 : vector<16xi32>
        %parallel_loop3A_667 = arith.subi %parallel_loop3A_663, %parallel_loop3A_666 : vector<16xi32>
        %parallel_loop3A_668 = tpu.bitcast %parallel_loop3A_667 : vector<16xi32> -> vector<16xf32>
        %parallel_loop3A_669 = arith.constant 5.000000e-01 : f32
        %parallel_loop3A_670 = vector.broadcast %parallel_loop3A_669 : f32 to vector<16xf32>
        %parallel_loop3A_671 = arith.mulf %parallel_loop3A_670, %parallel_loop3A_660 : vector<16xf32>
        %parallel_loop3A_672 = arith.mulf %parallel_loop3A_671, %parallel_loop3A_668 : vector<16xf32>
        %parallel_loop3A_673 = arith.mulf %parallel_loop3A_672, %parallel_loop3A_668 : vector<16xf32>
        %parallel_loop3A_674 = arith.constant 1.500000e+00 : f32
        %parallel_loop3A_675 = vector.broadcast %parallel_loop3A_674 : f32 to vector<16xf32>
        %parallel_loop3A_676 = arith.subf %parallel_loop3A_675, %parallel_loop3A_673 : vector<16xf32>
        %parallel_loop3A_677 = arith.mulf %parallel_loop3A_668, %parallel_loop3A_676 : vector<16xf32>
        %parallel_loop3A_678 = arith.constant 5.000000e-01 : f32
        %parallel_loop3A_679 = vector.broadcast %parallel_loop3A_678 : f32 to vector<16xf32>
        %parallel_loop3A_680 = arith.mulf %parallel_loop3A_679, %parallel_loop3A_660 : vector<16xf32>
        %parallel_loop3A_681 = arith.mulf %parallel_loop3A_680, %parallel_loop3A_677 : vector<16xf32>
        %parallel_loop3A_682 = arith.mulf %parallel_loop3A_681, %parallel_loop3A_677 : vector<16xf32>
        %parallel_loop3A_683 = arith.constant 1.500000e+00 : f32
        %parallel_loop3A_684 = vector.broadcast %parallel_loop3A_683 : f32 to vector<16xf32>
        %parallel_loop3A_685 = arith.subf %parallel_loop3A_684, %parallel_loop3A_682 : vector<16xf32>
        %parallel_loop3A_686 = arith.mulf %parallel_loop3A_677, %parallel_loop3A_685 : vector<16xf32>
        %parallel_loop3A_687 = arith.constant 5.000000e-01 : f32
        %parallel_loop3A_688 = vector.broadcast %parallel_loop3A_687 : f32 to vector<16xf32>
        %parallel_loop3A_689 = arith.mulf %parallel_loop3A_688, %parallel_loop3A_660 : vector<16xf32>
        %parallel_loop3A_690 = arith.mulf %parallel_loop3A_689, %parallel_loop3A_686 : vector<16xf32>
        %parallel_loop3A_691 = arith.mulf %parallel_loop3A_690, %parallel_loop3A_686 : vector<16xf32>
        %parallel_loop3A_692 = arith.constant 1.500000e+00 : f32
        %parallel_loop3A_693 = vector.broadcast %parallel_loop3A_692 : f32 to vector<16xf32>
        %parallel_loop3A_694 = arith.subf %parallel_loop3A_693, %parallel_loop3A_691 : vector<16xf32>
        %parallel_loop3A_695 = arith.mulf %parallel_loop3A_686, %parallel_loop3A_694 : vector<16xf32>
        %parallel_loop3A_696 = arith.constant 0.000000e+00 : f32
        %parallel_loop3A_697 = vector.broadcast %parallel_loop3A_696 : f32 to vector<16xf32>
        %parallel_loop3A_698 = arith.subf %parallel_loop3A_697, %parallel_loop3A_652 : vector<16xf32>
        %parallel_loop3A_699 = arith.mulf %parallel_loop3A_698, %parallel_loop3A_695 : vector<16xf32>
        %parallel_loop3A_700 = arith.constant 0 : i32
        %parallel_loop3A_701 = vector.broadcast %parallel_loop3A_700 : i32 to vector<16xi32>
        %parallel_loop3A_702 = arith.constant 0 : i32
        %parallel_loop3A_703 = vector.broadcast %parallel_loop3A_702 : i32 to vector<16xi32>
        %parallel_loop3A_704 = arith.cmpi slt, %parallel_loop3A_701, %parallel_loop3A_703 : vector<16xi32>
        %parallel_loop3A_705 = arith.constant 16 : i32
        %parallel_loop3A_706 = vector.broadcast %parallel_loop3A_705 : i32 to vector<16xi32>
        %parallel_loop3A_707 = arith.addi %parallel_loop3A_701, %parallel_loop3A_706 : vector<16xi32>
        %parallel_loop3A_708 = arith.select %parallel_loop3A_704, %parallel_loop3A_707, %parallel_loop3A_701 : vector<16xi1>, vector<16xi32>
        %parallel_loop3A_709 = vector.shape_cast %parallel_loop3A_708 : vector<16xi32> to vector<16x1xi32>
        %parallel_loop3A_710 = vector.shape_cast %parallel_loop3A_709 : vector<16x1xi32> to vector<16xi32>
        %parallel_loop3A_711 = tpu.dynamic_gather %parallel_loop3A_695[%parallel_loop3A_710] in [0] : vector<16xf32>, vector<16xi32> -> vector<16xf32>
        %parallel_loop3A_712 = arith.constant 0 : i32
        %parallel_loop3A_713 = vector.broadcast %parallel_loop3A_712 : i32 to vector<16xi32>
        %parallel_loop3A_714 = arith.cmpi slt, %parallel_loop3A_701, %parallel_loop3A_713 : vector<16xi32>
        %parallel_loop3A_715 = arith.constant 16 : i32
        %parallel_loop3A_716 = vector.broadcast %parallel_loop3A_715 : i32 to vector<16xi32>
        %parallel_loop3A_717 = arith.addi %parallel_loop3A_701, %parallel_loop3A_716 : vector<16xi32>
        %parallel_loop3A_718 = arith.select %parallel_loop3A_714, %parallel_loop3A_717, %parallel_loop3A_701 : vector<16xi1>, vector<16xi32>
        %parallel_loop3A_719 = vector.shape_cast %parallel_loop3A_718 : vector<16xi32> to vector<16x1xi32>
        %parallel_loop3A_720 = vector.shape_cast %parallel_loop3A_719 : vector<16x1xi32> to vector<16xi32>
        %parallel_loop3A_721 = tpu.dynamic_gather %parallel_loop3A_699[%parallel_loop3A_720] in [0] : vector<16xf32>, vector<16xi32> -> vector<16xf32>
        %parallel_loop3A_722 = arith.constant 8 : i32
        %parallel_loop3A_723 = vector.broadcast %parallel_loop3A_722 : i32 to vector<16xi32>
        %parallel_loop3A_724 = arith.constant 0 : i32
        %parallel_loop3A_725 = vector.broadcast %parallel_loop3A_724 : i32 to vector<16xi32>
        %parallel_loop3A_726 = arith.cmpi slt, %parallel_loop3A_723, %parallel_loop3A_725 : vector<16xi32>
        %parallel_loop3A_727 = arith.constant 16 : i32
        %parallel_loop3A_728 = vector.broadcast %parallel_loop3A_727 : i32 to vector<16xi32>
        %parallel_loop3A_729 = arith.addi %parallel_loop3A_723, %parallel_loop3A_728 : vector<16xi32>
        %parallel_loop3A_730 = arith.select %parallel_loop3A_726, %parallel_loop3A_729, %parallel_loop3A_723 : vector<16xi1>, vector<16xi32>
        %parallel_loop3A_731 = vector.shape_cast %parallel_loop3A_730 : vector<16xi32> to vector<16x1xi32>
        %parallel_loop3A_732 = vector.shape_cast %parallel_loop3A_731 : vector<16x1xi32> to vector<16xi32>
        %parallel_loop3A_733 = tpu.dynamic_gather %parallel_loop3A_695[%parallel_loop3A_732] in [0] : vector<16xf32>, vector<16xi32> -> vector<16xf32>
        %parallel_loop3A_734 = arith.constant 0 : i32
        %parallel_loop3A_735 = vector.broadcast %parallel_loop3A_734 : i32 to vector<16xi32>
        %parallel_loop3A_736 = arith.cmpi slt, %parallel_loop3A_723, %parallel_loop3A_735 : vector<16xi32>
        %parallel_loop3A_737 = arith.constant 16 : i32
        %parallel_loop3A_738 = vector.broadcast %parallel_loop3A_737 : i32 to vector<16xi32>
        %parallel_loop3A_739 = arith.addi %parallel_loop3A_723, %parallel_loop3A_738 : vector<16xi32>
        %parallel_loop3A_740 = arith.select %parallel_loop3A_736, %parallel_loop3A_739, %parallel_loop3A_723 : vector<16xi1>, vector<16xi32>
        %parallel_loop3A_741 = vector.shape_cast %parallel_loop3A_740 : vector<16xi32> to vector<16x1xi32>
        %parallel_loop3A_742 = vector.shape_cast %parallel_loop3A_741 : vector<16x1xi32> to vector<16xi32>
        %parallel_loop3A_743 = tpu.dynamic_gather %parallel_loop3A_699[%parallel_loop3A_742] in [0] : vector<16xf32>, vector<16xi32> -> vector<16xf32>
        %parallel_loop3A_744 = arith.constant 4 : i32
        %parallel_loop3A_745 = vector.broadcast %parallel_loop3A_744 : i32 to vector<16xi32>
        %parallel_loop3A_746 = arith.constant 0 : i32
        %parallel_loop3A_747 = vector.broadcast %parallel_loop3A_746 : i32 to vector<16xi32>
        %parallel_loop3A_748 = arith.cmpi slt, %parallel_loop3A_745, %parallel_loop3A_747 : vector<16xi32>
        %parallel_loop3A_749 = arith.constant 16 : i32
        %parallel_loop3A_750 = vector.broadcast %parallel_loop3A_749 : i32 to vector<16xi32>
        %parallel_loop3A_751 = arith.addi %parallel_loop3A_745, %parallel_loop3A_750 : vector<16xi32>
        %parallel_loop3A_752 = arith.select %parallel_loop3A_748, %parallel_loop3A_751, %parallel_loop3A_745 : vector<16xi1>, vector<16xi32>
        %parallel_loop3A_753 = vector.shape_cast %parallel_loop3A_752 : vector<16xi32> to vector<16x1xi32>
        %parallel_loop3A_754 = vector.shape_cast %parallel_loop3A_753 : vector<16x1xi32> to vector<16xi32>
        %parallel_loop3A_755 = tpu.dynamic_gather %parallel_loop3A_695[%parallel_loop3A_754] in [0] : vector<16xf32>, vector<16xi32> -> vector<16xf32>
        %parallel_loop3A_756 = arith.constant 0 : i32
        %parallel_loop3A_757 = vector.broadcast %parallel_loop3A_756 : i32 to vector<16xi32>
        %parallel_loop3A_758 = arith.cmpi slt, %parallel_loop3A_745, %parallel_loop3A_757 : vector<16xi32>
        %parallel_loop3A_759 = arith.constant 16 : i32
        %parallel_loop3A_760 = vector.broadcast %parallel_loop3A_759 : i32 to vector<16xi32>
        %parallel_loop3A_761 = arith.addi %parallel_loop3A_745, %parallel_loop3A_760 : vector<16xi32>
        %parallel_loop3A_762 = arith.select %parallel_loop3A_758, %parallel_loop3A_761, %parallel_loop3A_745 : vector<16xi1>, vector<16xi32>
        %parallel_loop3A_763 = vector.shape_cast %parallel_loop3A_762 : vector<16xi32> to vector<16x1xi32>
        %parallel_loop3A_764 = vector.shape_cast %parallel_loop3A_763 : vector<16x1xi32> to vector<16xi32>
        %parallel_loop3A_765 = tpu.dynamic_gather %parallel_loop3A_699[%parallel_loop3A_764] in [0] : vector<16xf32>, vector<16xi32> -> vector<16xf32>
        %parallel_loop3A_766 = arith.constant 12 : i32
        %parallel_loop3A_767 = vector.broadcast %parallel_loop3A_766 : i32 to vector<16xi32>
        %parallel_loop3A_768 = arith.constant 0 : i32
        %parallel_loop3A_769 = vector.broadcast %parallel_loop3A_768 : i32 to vector<16xi32>
        %parallel_loop3A_770 = arith.cmpi slt, %parallel_loop3A_767, %parallel_loop3A_769 : vector<16xi32>
        %parallel_loop3A_771 = arith.constant 16 : i32
        %parallel_loop3A_772 = vector.broadcast %parallel_loop3A_771 : i32 to vector<16xi32>
        %parallel_loop3A_773 = arith.addi %parallel_loop3A_767, %parallel_loop3A_772 : vector<16xi32>
        %parallel_loop3A_774 = arith.select %parallel_loop3A_770, %parallel_loop3A_773, %parallel_loop3A_767 : vector<16xi1>, vector<16xi32>
        %parallel_loop3A_775 = vector.shape_cast %parallel_loop3A_774 : vector<16xi32> to vector<16x1xi32>
        %parallel_loop3A_776 = vector.shape_cast %parallel_loop3A_775 : vector<16x1xi32> to vector<16xi32>
        %parallel_loop3A_777 = tpu.dynamic_gather %parallel_loop3A_695[%parallel_loop3A_776] in [0] : vector<16xf32>, vector<16xi32> -> vector<16xf32>
        %parallel_loop3A_778 = arith.constant 0 : i32
        %parallel_loop3A_779 = vector.broadcast %parallel_loop3A_778 : i32 to vector<16xi32>
        %parallel_loop3A_780 = arith.cmpi slt, %parallel_loop3A_767, %parallel_loop3A_779 : vector<16xi32>
        %parallel_loop3A_781 = arith.constant 16 : i32
        %parallel_loop3A_782 = vector.broadcast %parallel_loop3A_781 : i32 to vector<16xi32>
        %parallel_loop3A_783 = arith.addi %parallel_loop3A_767, %parallel_loop3A_782 : vector<16xi32>
        %parallel_loop3A_784 = arith.select %parallel_loop3A_780, %parallel_loop3A_783, %parallel_loop3A_767 : vector<16xi1>, vector<16xi32>
        %parallel_loop3A_785 = vector.shape_cast %parallel_loop3A_784 : vector<16xi32> to vector<16x1xi32>
        %parallel_loop3A_786 = vector.shape_cast %parallel_loop3A_785 : vector<16x1xi32> to vector<16xi32>
        %parallel_loop3A_787 = tpu.dynamic_gather %parallel_loop3A_699[%parallel_loop3A_786] in [0] : vector<16xf32>, vector<16xi32> -> vector<16xf32>
        %parallel_loop3A_788 = arith.constant 2 : i32
        %parallel_loop3A_789 = vector.broadcast %parallel_loop3A_788 : i32 to vector<16xi32>
        %parallel_loop3A_790 = arith.constant 0 : i32
        %parallel_loop3A_791 = vector.broadcast %parallel_loop3A_790 : i32 to vector<16xi32>
        %parallel_loop3A_792 = arith.cmpi slt, %parallel_loop3A_789, %parallel_loop3A_791 : vector<16xi32>
        %parallel_loop3A_793 = arith.constant 16 : i32
        %parallel_loop3A_794 = vector.broadcast %parallel_loop3A_793 : i32 to vector<16xi32>
        %parallel_loop3A_795 = arith.addi %parallel_loop3A_789, %parallel_loop3A_794 : vector<16xi32>
        %parallel_loop3A_796 = arith.select %parallel_loop3A_792, %parallel_loop3A_795, %parallel_loop3A_789 : vector<16xi1>, vector<16xi32>
        %parallel_loop3A_797 = vector.shape_cast %parallel_loop3A_796 : vector<16xi32> to vector<16x1xi32>
        %parallel_loop3A_798 = vector.shape_cast %parallel_loop3A_797 : vector<16x1xi32> to vector<16xi32>
        %parallel_loop3A_799 = tpu.dynamic_gather %parallel_loop3A_695[%parallel_loop3A_798] in [0] : vector<16xf32>, vector<16xi32> -> vector<16xf32>
        %parallel_loop3A_800 = arith.constant 0 : i32
        %parallel_loop3A_801 = vector.broadcast %parallel_loop3A_800 : i32 to vector<16xi32>
        %parallel_loop3A_802 = arith.cmpi slt, %parallel_loop3A_789, %parallel_loop3A_801 : vector<16xi32>
        %parallel_loop3A_803 = arith.constant 16 : i32
        %parallel_loop3A_804 = vector.broadcast %parallel_loop3A_803 : i32 to vector<16xi32>
        %parallel_loop3A_805 = arith.addi %parallel_loop3A_789, %parallel_loop3A_804 : vector<16xi32>
        %parallel_loop3A_806 = arith.select %parallel_loop3A_802, %parallel_loop3A_805, %parallel_loop3A_789 : vector<16xi1>, vector<16xi32>
        %parallel_loop3A_807 = vector.shape_cast %parallel_loop3A_806 : vector<16xi32> to vector<16x1xi32>
        %parallel_loop3A_808 = vector.shape_cast %parallel_loop3A_807 : vector<16x1xi32> to vector<16xi32>
        %parallel_loop3A_809 = tpu.dynamic_gather %parallel_loop3A_699[%parallel_loop3A_808] in [0] : vector<16xf32>, vector<16xi32> -> vector<16xf32>
        %parallel_loop3A_810 = arith.constant 10 : i32
        %parallel_loop3A_811 = vector.broadcast %parallel_loop3A_810 : i32 to vector<16xi32>
        %parallel_loop3A_812 = arith.constant 0 : i32
        %parallel_loop3A_813 = vector.broadcast %parallel_loop3A_812 : i32 to vector<16xi32>
        %parallel_loop3A_814 = arith.cmpi slt, %parallel_loop3A_811, %parallel_loop3A_813 : vector<16xi32>
        %parallel_loop3A_815 = arith.constant 16 : i32
        %parallel_loop3A_816 = vector.broadcast %parallel_loop3A_815 : i32 to vector<16xi32>
        %parallel_loop3A_817 = arith.addi %parallel_loop3A_811, %parallel_loop3A_816 : vector<16xi32>
        %parallel_loop3A_818 = arith.select %parallel_loop3A_814, %parallel_loop3A_817, %parallel_loop3A_811 : vector<16xi1>, vector<16xi32>
        %parallel_loop3A_819 = vector.shape_cast %parallel_loop3A_818 : vector<16xi32> to vector<16x1xi32>
        %parallel_loop3A_820 = vector.shape_cast %parallel_loop3A_819 : vector<16x1xi32> to vector<16xi32>
        %parallel_loop3A_821 = tpu.dynamic_gather %parallel_loop3A_695[%parallel_loop3A_820] in [0] : vector<16xf32>, vector<16xi32> -> vector<16xf32>
        %parallel_loop3A_822 = arith.constant 0 : i32
        %parallel_loop3A_823 = vector.broadcast %parallel_loop3A_822 : i32 to vector<16xi32>
        %parallel_loop3A_824 = arith.cmpi slt, %parallel_loop3A_811, %parallel_loop3A_823 : vector<16xi32>
        %parallel_loop3A_825 = arith.constant 16 : i32
        %parallel_loop3A_826 = vector.broadcast %parallel_loop3A_825 : i32 to vector<16xi32>
        %parallel_loop3A_827 = arith.addi %parallel_loop3A_811, %parallel_loop3A_826 : vector<16xi32>
        %parallel_loop3A_828 = arith.select %parallel_loop3A_824, %parallel_loop3A_827, %parallel_loop3A_811 : vector<16xi1>, vector<16xi32>
        %parallel_loop3A_829 = vector.shape_cast %parallel_loop3A_828 : vector<16xi32> to vector<16x1xi32>
        %parallel_loop3A_830 = vector.shape_cast %parallel_loop3A_829 : vector<16x1xi32> to vector<16xi32>
        %parallel_loop3A_831 = tpu.dynamic_gather %parallel_loop3A_699[%parallel_loop3A_830] in [0] : vector<16xf32>, vector<16xi32> -> vector<16xf32>
        %parallel_loop3A_832 = arith.constant 6 : i32
        %parallel_loop3A_833 = vector.broadcast %parallel_loop3A_832 : i32 to vector<16xi32>
        %parallel_loop3A_834 = arith.constant 0 : i32
        %parallel_loop3A_835 = vector.broadcast %parallel_loop3A_834 : i32 to vector<16xi32>
        %parallel_loop3A_836 = arith.cmpi slt, %parallel_loop3A_833, %parallel_loop3A_835 : vector<16xi32>
        %parallel_loop3A_837 = arith.constant 16 : i32
        %parallel_loop3A_838 = vector.broadcast %parallel_loop3A_837 : i32 to vector<16xi32>
        %parallel_loop3A_839 = arith.addi %parallel_loop3A_833, %parallel_loop3A_838 : vector<16xi32>
        %parallel_loop3A_840 = arith.select %parallel_loop3A_836, %parallel_loop3A_839, %parallel_loop3A_833 : vector<16xi1>, vector<16xi32>
        %parallel_loop3A_841 = vector.shape_cast %parallel_loop3A_840 : vector<16xi32> to vector<16x1xi32>
        %parallel_loop3A_842 = vector.shape_cast %parallel_loop3A_841 : vector<16x1xi32> to vector<16xi32>
        %parallel_loop3A_843 = tpu.dynamic_gather %parallel_loop3A_695[%parallel_loop3A_842] in [0] : vector<16xf32>, vector<16xi32> -> vector<16xf32>
        %parallel_loop3A_844 = arith.constant 0 : i32
        %parallel_loop3A_845 = vector.broadcast %parallel_loop3A_844 : i32 to vector<16xi32>
        %parallel_loop3A_846 = arith.cmpi slt, %parallel_loop3A_833, %parallel_loop3A_845 : vector<16xi32>
        %parallel_loop3A_847 = arith.constant 16 : i32
        %parallel_loop3A_848 = vector.broadcast %parallel_loop3A_847 : i32 to vector<16xi32>
        %parallel_loop3A_849 = arith.addi %parallel_loop3A_833, %parallel_loop3A_848 : vector<16xi32>
        %parallel_loop3A_850 = arith.select %parallel_loop3A_846, %parallel_loop3A_849, %parallel_loop3A_833 : vector<16xi1>, vector<16xi32>
        %parallel_loop3A_851 = vector.shape_cast %parallel_loop3A_850 : vector<16xi32> to vector<16x1xi32>
        %parallel_loop3A_852 = vector.shape_cast %parallel_loop3A_851 : vector<16x1xi32> to vector<16xi32>
        %parallel_loop3A_853 = tpu.dynamic_gather %parallel_loop3A_699[%parallel_loop3A_852] in [0] : vector<16xf32>, vector<16xi32> -> vector<16xf32>
        %parallel_loop3A_854 = arith.constant 14 : i32
        %parallel_loop3A_855 = vector.broadcast %parallel_loop3A_854 : i32 to vector<16xi32>
        %parallel_loop3A_856 = arith.constant 0 : i32
        %parallel_loop3A_857 = vector.broadcast %parallel_loop3A_856 : i32 to vector<16xi32>
        %parallel_loop3A_858 = arith.cmpi slt, %parallel_loop3A_855, %parallel_loop3A_857 : vector<16xi32>
        %parallel_loop3A_859 = arith.constant 16 : i32
        %parallel_loop3A_860 = vector.broadcast %parallel_loop3A_859 : i32 to vector<16xi32>
        %parallel_loop3A_861 = arith.addi %parallel_loop3A_855, %parallel_loop3A_860 : vector<16xi32>
        %parallel_loop3A_862 = arith.select %parallel_loop3A_858, %parallel_loop3A_861, %parallel_loop3A_855 : vector<16xi1>, vector<16xi32>
        %parallel_loop3A_863 = vector.shape_cast %parallel_loop3A_862 : vector<16xi32> to vector<16x1xi32>
        %parallel_loop3A_864 = vector.shape_cast %parallel_loop3A_863 : vector<16x1xi32> to vector<16xi32>
        %parallel_loop3A_865 = tpu.dynamic_gather %parallel_loop3A_695[%parallel_loop3A_864] in [0] : vector<16xf32>, vector<16xi32> -> vector<16xf32>
        %parallel_loop3A_866 = arith.constant 0 : i32
        %parallel_loop3A_867 = vector.broadcast %parallel_loop3A_866 : i32 to vector<16xi32>
        %parallel_loop3A_868 = arith.cmpi slt, %parallel_loop3A_855, %parallel_loop3A_867 : vector<16xi32>
        %parallel_loop3A_869 = arith.constant 16 : i32
        %parallel_loop3A_870 = vector.broadcast %parallel_loop3A_869 : i32 to vector<16xi32>
        %parallel_loop3A_871 = arith.addi %parallel_loop3A_855, %parallel_loop3A_870 : vector<16xi32>
        %parallel_loop3A_872 = arith.select %parallel_loop3A_868, %parallel_loop3A_871, %parallel_loop3A_855 : vector<16xi1>, vector<16xi32>
        %parallel_loop3A_873 = vector.shape_cast %parallel_loop3A_872 : vector<16xi32> to vector<16x1xi32>
        %parallel_loop3A_874 = vector.shape_cast %parallel_loop3A_873 : vector<16x1xi32> to vector<16xi32>
        %parallel_loop3A_875 = tpu.dynamic_gather %parallel_loop3A_699[%parallel_loop3A_874] in [0] : vector<16xf32>, vector<16xi32> -> vector<16xf32>
        %parallel_loop3A_876 = arith.constant 0 : i32
        %parallel_loop3A_877 = arith.constant 48 : i32
        %parallel_loop3A_878 = arith.constant 1 : i32
        scf.for %parallel_loop3A_879 = %parallel_loop3A_876 to %parallel_loop3A_877 step %parallel_loop3A_878  : i32 {
          %parallel_loop3A_880 = arith.constant 16 : i32
          %parallel_loop3A_881 = arith.muli %parallel_loop3A_879, %parallel_loop3A_880 : i32
          %parallel_loop3A_882 = arith.index_cast %parallel_loop3A_881 : i32 to index
          %parallel_loop3A_883 = tpu.vector_load %arg8[%parallel_loop3A_882] {strides = array<i32>} : memref<768xf32, #tpu.memory_space<vmem>>, vector<16xf32>,
          %parallel_loop3A_884 = vector.shape_cast %parallel_loop3A_883 : vector<16xf32> to vector<16xf32>
          %parallel_loop3A_885 = arith.index_cast %parallel_loop3A_881 : i32 to index
          %parallel_loop3A_886 = tpu.vector_load %arg9[%parallel_loop3A_885] {strides = array<i32>} : memref<768xf32, #tpu.memory_space<vmem>>, vector<16xf32>,
          %parallel_loop3A_887 = vector.shape_cast %parallel_loop3A_886 : vector<16xf32> to vector<16xf32>
          %parallel_loop3A_888 = arith.constant 0 : i32
          %parallel_loop3A_889 = arith.addi %parallel_loop3A_93, %parallel_loop3A_888 : i32
          %parallel_loop3A_890 = arith.index_cast %parallel_loop3A_889 : i32 to index
          %parallel_loop3A_891 = arith.index_cast %parallel_loop3A_881 : i32 to index
          %parallel_loop3A_892 = tpu.vector_load %arg10[%parallel_loop3A_890, %parallel_loop3A_891] {strides = array<i32>} : memref<32x768xf32, #tpu.memory_space<vmem>>, vector<1x16xf32>,
          %parallel_loop3A_893 = vector.shape_cast %parallel_loop3A_892 : vector<1x16xf32> to vector<16xf32>
          %parallel_loop3A_894 = arith.mulf %parallel_loop3A_893, %parallel_loop3A_711 : vector<16xf32>
          %parallel_loop3A_895 = arith.addf %parallel_loop3A_894, %parallel_loop3A_721 : vector<16xf32>
          %parallel_loop3A_896 = arith.mulf %parallel_loop3A_895, %parallel_loop3A_884 : vector<16xf32>
          %parallel_loop3A_897 = arith.addf %parallel_loop3A_896, %parallel_loop3A_887 : vector<16xf32>
          %parallel_loop3A_898 = arith.constant 0 : i32
          %parallel_loop3A_899 = arith.addi %parallel_loop3A_93, %parallel_loop3A_898 : i32
          %parallel_loop3A_900 = arith.index_cast %parallel_loop3A_899 : i32 to index
          %parallel_loop3A_901 = arith.index_cast %parallel_loop3A_881 : i32 to index
          %parallel_loop3A_902 = tpu.vector_load %arg12[%parallel_loop3A_900, %parallel_loop3A_901] {strides = array<i32>} : memref<32x768xf32, #tpu.memory_space<vmem>>, vector<1x16xf32>,
          %parallel_loop3A_903 = vector.shape_cast %parallel_loop3A_902 : vector<1x16xf32> to vector<16xf32>
          %parallel_loop3A_904 = vector.shape_cast %parallel_loop3A_897 : vector<16xf32> to vector<1x16xf32>
          tpu.vector_store %arg12[%parallel_loop3A_900, %parallel_loop3A_901], %parallel_loop3A_904 {strides = array<i32>} : memref<32x768xf32, #tpu.memory_space<vmem>>, vector<1x16xf32>,
          %parallel_loop3A_905 = arith.constant 1 : i32
          %parallel_loop3A_906 = arith.addi %parallel_loop3A_93, %parallel_loop3A_905 : i32
          %parallel_loop3A_907 = arith.index_cast %parallel_loop3A_906 : i32 to index
          %parallel_loop3A_908 = arith.index_cast %parallel_loop3A_881 : i32 to index
          %parallel_loop3A_909 = tpu.vector_load %arg10[%parallel_loop3A_907, %parallel_loop3A_908] {strides = array<i32>} : memref<32x768xf32, #tpu.memory_space<vmem>>, vector<1x16xf32>,
          %parallel_loop3A_910 = vector.shape_cast %parallel_loop3A_909 : vector<1x16xf32> to vector<16xf32>
          %parallel_loop3A_911 = arith.mulf %parallel_loop3A_910, %parallel_loop3A_733 : vector<16xf32>
          %parallel_loop3A_912 = arith.addf %parallel_loop3A_911, %parallel_loop3A_743 : vector<16xf32>
          %parallel_loop3A_913 = arith.mulf %parallel_loop3A_912, %parallel_loop3A_884 : vector<16xf32>
          %parallel_loop3A_914 = arith.addf %parallel_loop3A_913, %parallel_loop3A_887 : vector<16xf32>
          %parallel_loop3A_915 = arith.constant 1 : i32
          %parallel_loop3A_916 = arith.addi %parallel_loop3A_93, %parallel_loop3A_915 : i32
          %parallel_loop3A_917 = arith.index_cast %parallel_loop3A_916 : i32 to index
          %parallel_loop3A_918 = arith.index_cast %parallel_loop3A_881 : i32 to index
          %parallel_loop3A_919 = tpu.vector_load %arg12[%parallel_loop3A_917, %parallel_loop3A_918] {strides = array<i32>} : memref<32x768xf32, #tpu.memory_space<vmem>>, vector<1x16xf32>,
          %parallel_loop3A_920 = vector.shape_cast %parallel_loop3A_919 : vector<1x16xf32> to vector<16xf32>
          %parallel_loop3A_921 = vector.shape_cast %parallel_loop3A_914 : vector<16xf32> to vector<1x16xf32>
          tpu.vector_store %arg12[%parallel_loop3A_917, %parallel_loop3A_918], %parallel_loop3A_921 {strides = array<i32>} : memref<32x768xf32, #tpu.memory_space<vmem>>, vector<1x16xf32>,
          %parallel_loop3A_922 = arith.constant 2 : i32
          %parallel_loop3A_923 = arith.addi %parallel_loop3A_93, %parallel_loop3A_922 : i32
          %parallel_loop3A_924 = arith.index_cast %parallel_loop3A_923 : i32 to index
          %parallel_loop3A_925 = arith.index_cast %parallel_loop3A_881 : i32 to index
          %parallel_loop3A_926 = tpu.vector_load %arg10[%parallel_loop3A_924, %parallel_loop3A_925] {strides = array<i32>} : memref<32x768xf32, #tpu.memory_space<vmem>>, vector<1x16xf32>,
          %parallel_loop3A_927 = vector.shape_cast %parallel_loop3A_926 : vector<1x16xf32> to vector<16xf32>
          %parallel_loop3A_928 = arith.mulf %parallel_loop3A_927, %parallel_loop3A_755 : vector<16xf32>
          %parallel_loop3A_929 = arith.addf %parallel_loop3A_928, %parallel_loop3A_765 : vector<16xf32>
          %parallel_loop3A_930 = arith.mulf %parallel_loop3A_929, %parallel_loop3A_884 : vector<16xf32>
          %parallel_loop3A_931 = arith.addf %parallel_loop3A_930, %parallel_loop3A_887 : vector<16xf32>
          %parallel_loop3A_932 = arith.constant 2 : i32
          %parallel_loop3A_933 = arith.addi %parallel_loop3A_93, %parallel_loop3A_932 : i32
          %parallel_loop3A_934 = arith.index_cast %parallel_loop3A_933 : i32 to index
          %parallel_loop3A_935 = arith.index_cast %parallel_loop3A_881 : i32 to index
          %parallel_loop3A_936 = tpu.vector_load %arg12[%parallel_loop3A_934, %parallel_loop3A_935] {strides = array<i32>} : memref<32x768xf32, #tpu.memory_space<vmem>>, vector<1x16xf32>,
          %parallel_loop3A_937 = vector.shape_cast %parallel_loop3A_936 : vector<1x16xf32> to vector<16xf32>
          %parallel_loop3A_938 = vector.shape_cast %parallel_loop3A_931 : vector<16xf32> to vector<1x16xf32>
          tpu.vector_store %arg12[%parallel_loop3A_934, %parallel_loop3A_935], %parallel_loop3A_938 {strides = array<i32>} : memref<32x768xf32, #tpu.memory_space<vmem>>, vector<1x16xf32>,
          %parallel_loop3A_939 = arith.constant 3 : i32
          %parallel_loop3A_940 = arith.addi %parallel_loop3A_93, %parallel_loop3A_939 : i32
          %parallel_loop3A_941 = arith.index_cast %parallel_loop3A_940 : i32 to index
          %parallel_loop3A_942 = arith.index_cast %parallel_loop3A_881 : i32 to index
          %parallel_loop3A_943 = tpu.vector_load %arg10[%parallel_loop3A_941, %parallel_loop3A_942] {strides = array<i32>} : memref<32x768xf32, #tpu.memory_space<vmem>>, vector<1x16xf32>,
          %parallel_loop3A_944 = vector.shape_cast %parallel_loop3A_943 : vector<1x16xf32> to vector<16xf32>
          %parallel_loop3A_945 = arith.mulf %parallel_loop3A_944, %parallel_loop3A_777 : vector<16xf32>
          %parallel_loop3A_946 = arith.addf %parallel_loop3A_945, %parallel_loop3A_787 : vector<16xf32>
          %parallel_loop3A_947 = arith.mulf %parallel_loop3A_946, %parallel_loop3A_884 : vector<16xf32>
          %parallel_loop3A_948 = arith.addf %parallel_loop3A_947, %parallel_loop3A_887 : vector<16xf32>
          %parallel_loop3A_949 = arith.constant 3 : i32
          %parallel_loop3A_950 = arith.addi %parallel_loop3A_93, %parallel_loop3A_949 : i32
          %parallel_loop3A_951 = arith.index_cast %parallel_loop3A_950 : i32 to index
          %parallel_loop3A_952 = arith.index_cast %parallel_loop3A_881 : i32 to index
          %parallel_loop3A_953 = tpu.vector_load %arg12[%parallel_loop3A_951, %parallel_loop3A_952] {strides = array<i32>} : memref<32x768xf32, #tpu.memory_space<vmem>>, vector<1x16xf32>,
          %parallel_loop3A_954 = vector.shape_cast %parallel_loop3A_953 : vector<1x16xf32> to vector<16xf32>
          %parallel_loop3A_955 = vector.shape_cast %parallel_loop3A_948 : vector<16xf32> to vector<1x16xf32>
          tpu.vector_store %arg12[%parallel_loop3A_951, %parallel_loop3A_952], %parallel_loop3A_955 {strides = array<i32>} : memref<32x768xf32, #tpu.memory_space<vmem>>, vector<1x16xf32>,
          %parallel_loop3A_956 = arith.constant 4 : i32
          %parallel_loop3A_957 = arith.addi %parallel_loop3A_93, %parallel_loop3A_956 : i32
          %parallel_loop3A_958 = arith.index_cast %parallel_loop3A_957 : i32 to index
          %parallel_loop3A_959 = arith.index_cast %parallel_loop3A_881 : i32 to index
          %parallel_loop3A_960 = tpu.vector_load %arg10[%parallel_loop3A_958, %parallel_loop3A_959] {strides = array<i32>} : memref<32x768xf32, #tpu.memory_space<vmem>>, vector<1x16xf32>,
          %parallel_loop3A_961 = vector.shape_cast %parallel_loop3A_960 : vector<1x16xf32> to vector<16xf32>
          %parallel_loop3A_962 = arith.mulf %parallel_loop3A_961, %parallel_loop3A_799 : vector<16xf32>
          %parallel_loop3A_963 = arith.addf %parallel_loop3A_962, %parallel_loop3A_809 : vector<16xf32>
          %parallel_loop3A_964 = arith.mulf %parallel_loop3A_963, %parallel_loop3A_884 : vector<16xf32>
          %parallel_loop3A_965 = arith.addf %parallel_loop3A_964, %parallel_loop3A_887 : vector<16xf32>
          %parallel_loop3A_966 = arith.constant 4 : i32
          %parallel_loop3A_967 = arith.addi %parallel_loop3A_93, %parallel_loop3A_966 : i32
          %parallel_loop3A_968 = arith.index_cast %parallel_loop3A_967 : i32 to index
          %parallel_loop3A_969 = arith.index_cast %parallel_loop3A_881 : i32 to index
          %parallel_loop3A_970 = tpu.vector_load %arg12[%parallel_loop3A_968, %parallel_loop3A_969] {strides = array<i32>} : memref<32x768xf32, #tpu.memory_space<vmem>>, vector<1x16xf32>,
          %parallel_loop3A_971 = vector.shape_cast %parallel_loop3A_970 : vector<1x16xf32> to vector<16xf32>
          %parallel_loop3A_972 = vector.shape_cast %parallel_loop3A_965 : vector<16xf32> to vector<1x16xf32>
          tpu.vector_store %arg12[%parallel_loop3A_968, %parallel_loop3A_969], %parallel_loop3A_972 {strides = array<i32>} : memref<32x768xf32, #tpu.memory_space<vmem>>, vector<1x16xf32>,
          %parallel_loop3A_973 = arith.constant 5 : i32
          %parallel_loop3A_974 = arith.addi %parallel_loop3A_93, %parallel_loop3A_973 : i32
          %parallel_loop3A_975 = arith.index_cast %parallel_loop3A_974 : i32 to index
          %parallel_loop3A_976 = arith.index_cast %parallel_loop3A_881 : i32 to index
          %parallel_loop3A_977 = tpu.vector_load %arg10[%parallel_loop3A_975, %parallel_loop3A_976] {strides = array<i32>} : memref<32x768xf32, #tpu.memory_space<vmem>>, vector<1x16xf32>,
          %parallel_loop3A_978 = vector.shape_cast %parallel_loop3A_977 : vector<1x16xf32> to vector<16xf32>
          %parallel_loop3A_979 = arith.mulf %parallel_loop3A_978, %parallel_loop3A_821 : vector<16xf32>
          %parallel_loop3A_980 = arith.addf %parallel_loop3A_979, %parallel_loop3A_831 : vector<16xf32>
          %parallel_loop3A_981 = arith.mulf %parallel_loop3A_980, %parallel_loop3A_884 : vector<16xf32>
          %parallel_loop3A_982 = arith.addf %parallel_loop3A_981, %parallel_loop3A_887 : vector<16xf32>
          %parallel_loop3A_983 = arith.constant 5 : i32
          %parallel_loop3A_984 = arith.addi %parallel_loop3A_93, %parallel_loop3A_983 : i32
          %parallel_loop3A_985 = arith.index_cast %parallel_loop3A_984 : i32 to index
          %parallel_loop3A_986 = arith.index_cast %parallel_loop3A_881 : i32 to index
          %parallel_loop3A_987 = tpu.vector_load %arg12[%parallel_loop3A_985, %parallel_loop3A_986] {strides = array<i32>} : memref<32x768xf32, #tpu.memory_space<vmem>>, vector<1x16xf32>,
          %parallel_loop3A_988 = vector.shape_cast %parallel_loop3A_987 : vector<1x16xf32> to vector<16xf32>
          %parallel_loop3A_989 = vector.shape_cast %parallel_loop3A_982 : vector<16xf32> to vector<1x16xf32>
          tpu.vector_store %arg12[%parallel_loop3A_985, %parallel_loop3A_986], %parallel_loop3A_989 {strides = array<i32>} : memref<32x768xf32, #tpu.memory_space<vmem>>, vector<1x16xf32>,
          %parallel_loop3A_990 = arith.constant 6 : i32
          %parallel_loop3A_991 = arith.addi %parallel_loop3A_93, %parallel_loop3A_990 : i32
          %parallel_loop3A_992 = arith.index_cast %parallel_loop3A_991 : i32 to index
          %parallel_loop3A_993 = arith.index_cast %parallel_loop3A_881 : i32 to index
          %parallel_loop3A_994 = tpu.vector_load %arg10[%parallel_loop3A_992, %parallel_loop3A_993] {strides = array<i32>} : memref<32x768xf32, #tpu.memory_space<vmem>>, vector<1x16xf32>,
          %parallel_loop3A_995 = vector.shape_cast %parallel_loop3A_994 : vector<1x16xf32> to vector<16xf32>
          %parallel_loop3A_996 = arith.mulf %parallel_loop3A_995, %parallel_loop3A_843 : vector<16xf32>
          %parallel_loop3A_997 = arith.addf %parallel_loop3A_996, %parallel_loop3A_853 : vector<16xf32>
          %parallel_loop3A_998 = arith.mulf %parallel_loop3A_997, %parallel_loop3A_884 : vector<16xf32>
          %parallel_loop3A_999 = arith.addf %parallel_loop3A_998, %parallel_loop3A_887 : vector<16xf32>
          %parallel_loop3A_1000 = arith.constant 6 : i32
          %parallel_loop3A_1001 = arith.addi %parallel_loop3A_93, %parallel_loop3A_1000 : i32
          %parallel_loop3A_1002 = arith.index_cast %parallel_loop3A_1001 : i32 to index
          %parallel_loop3A_1003 = arith.index_cast %parallel_loop3A_881 : i32 to index
          %parallel_loop3A_1004 = tpu.vector_load %arg12[%parallel_loop3A_1002, %parallel_loop3A_1003] {strides = array<i32>} : memref<32x768xf32, #tpu.memory_space<vmem>>, vector<1x16xf32>,
          %parallel_loop3A_1005 = vector.shape_cast %parallel_loop3A_1004 : vector<1x16xf32> to vector<16xf32>
          %parallel_loop3A_1006 = vector.shape_cast %parallel_loop3A_999 : vector<16xf32> to vector<1x16xf32>
          tpu.vector_store %arg12[%parallel_loop3A_1002, %parallel_loop3A_1003], %parallel_loop3A_1006 {strides = array<i32>} : memref<32x768xf32, #tpu.memory_space<vmem>>, vector<1x16xf32>,
          %parallel_loop3A_1007 = arith.constant 7 : i32
          %parallel_loop3A_1008 = arith.addi %parallel_loop3A_93, %parallel_loop3A_1007 : i32
          %parallel_loop3A_1009 = arith.index_cast %parallel_loop3A_1008 : i32 to index
          %parallel_loop3A_1010 = arith.index_cast %parallel_loop3A_881 : i32 to index
          %parallel_loop3A_1011 = tpu.vector_load %arg10[%parallel_loop3A_1009, %parallel_loop3A_1010] {strides = array<i32>} : memref<32x768xf32, #tpu.memory_space<vmem>>, vector<1x16xf32>,
          %parallel_loop3A_1012 = vector.shape_cast %parallel_loop3A_1011 : vector<1x16xf32> to vector<16xf32>
          %parallel_loop3A_1013 = arith.mulf %parallel_loop3A_1012, %parallel_loop3A_865 : vector<16xf32>
          %parallel_loop3A_1014 = arith.addf %parallel_loop3A_1013, %parallel_loop3A_875 : vector<16xf32>
          %parallel_loop3A_1015 = arith.mulf %parallel_loop3A_1014, %parallel_loop3A_884 : vector<16xf32>
          %parallel_loop3A_1016 = arith.addf %parallel_loop3A_1015, %parallel_loop3A_887 : vector<16xf32>
          %parallel_loop3A_1017 = arith.constant 7 : i32
          %parallel_loop3A_1018 = arith.addi %parallel_loop3A_93, %parallel_loop3A_1017 : i32
          %parallel_loop3A_1019 = arith.index_cast %parallel_loop3A_1018 : i32 to index
          %parallel_loop3A_1020 = arith.index_cast %parallel_loop3A_881 : i32 to index
          %parallel_loop3A_1021 = tpu.vector_load %arg12[%parallel_loop3A_1019, %parallel_loop3A_1020] {strides = array<i32>} : memref<32x768xf32, #tpu.memory_space<vmem>>, vector<1x16xf32>,
          %parallel_loop3A_1022 = vector.shape_cast %parallel_loop3A_1021 : vector<1x16xf32> to vector<16xf32>
          %parallel_loop3A_1023 = vector.shape_cast %parallel_loop3A_1016 : vector<16xf32> to vector<1x16xf32>
          tpu.vector_store %arg12[%parallel_loop3A_1019, %parallel_loop3A_1020], %parallel_loop3A_1023 {strides = array<i32>} : memref<32x768xf32, #tpu.memory_space<vmem>>, vector<1x16xf32>,
        } {sc.loop_unroll_factor = 4 : i64, sc.parallel_access}
      } {sc.loop_unroll_factor = 1 : i64, sc.parallel_access}
      %mul3A_49 = arith.constant 32 : i32
      %mul3A_50 = arith.muli %add3A_38, %mul3A_49 : i32
      %add3A_51 = arith.addi %mul3A_2, %mul3A_50 : i32
      %dma_start3A_52 = arith.constant 0 : i32
      %dma_start3A_53 = tpu.memref_slice %arg6[%add3A_51, %dma_start3A_52] : memref<32768x768xf32, #tpu.memory_space<hbm>> -> memref<32x768xf32, #tpu.memory_space<hbm>>
      %dma_start3A_54 = arith.constant 0 : i32
      %dma_start3A_55 = tpu.memref_slice %arg6[%add3A_51, %dma_start3A_54] : memref<32768x768xf32, #tpu.memory_space<hbm>> -> memref<32x768xf32, #tpu.memory_space<hbm>>
      tpu.enqueue_dma source(%arg12 : memref<32x768xf32, #tpu.memory_space<vmem>>) target(%dma_start3A_55 : memref<32x768xf32, #tpu.memory_space<hbm>>) target_semaphore(%arg16 : memref<!tpu.dma_semaphore, #tpu.memory_space<semaphore_mem>>)
      %lt3A = arith.constant 15 : i32
      %lt3A_56 = arith.cmpi slt, %scan3A_33, %lt3A : i32
      %convert_element_type3A_57 = arith.extui %lt3A_56 : i1 to i32
      %cond3A_58 = arith.constant 0 : i32
      %cond3A_59 = arith.cmpi ne, %convert_element_type3A_57, %cond3A_58 : i32
      scf.if %cond3A_59 {
        %add3A_91 = arith.constant 2 : i32
        %add3A_92 = arith.addi %add3A_38, %add3A_91 : i32
        %dma_start3A_93 = arith.constant 0 : i32
        %dma_start3A_94 = tpu.memref_slice %arg7[%add3A_92, %dma_start3A_93] : memref<32x32xi32, #tpu.memory_space<vmem>> -> memref<1x32xi32, #tpu.memory_space<vmem>>
        %dma_start3A_95 = tpu.memref_squeeze %dma_start3A_94 : memref<1x32xi32, #tpu.memory_space<vmem>> -> memref<32xi32, #tpu.memory_space<vmem>>
        %dma_start3A_96 = arith.constant 0 : i32
        %dma_start3A_97 = arith.constant 0 : i32
        %dma_start3A_98 = tpu.memref_slice %arg3[%dma_start3A_96, %dma_start3A_97] : memref<100000x768xf32, #tpu.memory_space<hbm>> -> memref<100000x768xf32, #tpu.memory_space<hbm>>
        tpu.enqueue_indirect_dma source(%dma_start3A_98 : memref<100000x768xf32, #tpu.memory_space<hbm>>) target(%arg10 : memref<32x768xf32, #tpu.memory_space<vmem>>) offsets(%dma_start3A_95 : memref<32xi32, #tpu.memory_space<vmem>>) semaphore(%arg14 : memref<!tpu.dma_semaphore, #tpu.memory_space<semaphore_mem>>)
      } else {
      }
      %mul3A_60 = arith.constant 2 : i32
      %mul3A_61 = arith.muli %mul3A_60, %scan3A_33 : i32
      %add3A_62 = arith.constant 1 : i32
      %add3A_63 = arith.addi %mul3A_61, %add3A_62 : i32
      %dma_wait3A_64 = arith.constant 0 : i32
      %dma_wait3A_65 = arith.constant 0 : i32
      %dma_wait3A_66 = tpu.memref_slice %arg3[%dma_wait3A_64, %dma_wait3A_65] : memref<100000x768xf32, #tpu.memory_space<hbm>> -> memref<32x768xf32, #tpu.memory_space<hbm>>
      %dma_wait3A_67 = arith.constant 0 : i32
      %dma_wait3A_68 = arith.constant 0 : i32
      %dma_wait3A_69 = tpu.memref_slice %arg3[%dma_wait3A_67, %dma_wait3A_68] : memref<100000x768xf32, #tpu.memory_space<hbm>> -> memref<32x768xf32, #tpu.memory_space<hbm>>
      tpu.wait_dma2 semaphore(%arg15 : memref<!tpu.dma_semaphore, #tpu.memory_space<semaphore_mem>>) src(%dma_wait3A_69 : memref<32x768xf32, #tpu.memory_space<hbm>>) dst(%arg11 : memref<32x768xf32, #tpu.memory_space<vmem>>)
      %gt3A_70 = arith.constant 0 : i32
      %gt3A_71 = arith.cmpi sgt, %scan3A_33, %gt3A_70 : i32
      %convert_element_type3A_72 = arith.extui %gt3A_71 : i1 to i32
      %cond3A_73 = arith.constant 0 : i32
      %cond3A_74 = arith.cmpi ne, %convert_element_type3A_72, %cond3A_73 : i32
      scf.if %cond3A_74 {
        %dma_wait3A_91 = arith.constant 0 : i32
        %dma_wait3A_92 = arith.constant 0 : i32
        %dma_wait3A_93 = tpu.memref_slice %arg3[%dma_wait3A_91, %dma_wait3A_92] : memref<100000x768xf32, #tpu.memory_space<hbm>> -> memref<32x768xf32, #tpu.memory_space<hbm>>
        %dma_wait3A_94 = arith.constant 0 : i32
        %dma_wait3A_95 = arith.constant 0 : i32
        %dma_wait3A_96 = tpu.memref_slice %arg3[%dma_wait3A_94, %dma_wait3A_95] : memref<100000x768xf32, #tpu.memory_space<hbm>> -> memref<32x768xf32, #tpu.memory_space<hbm>>
        tpu.wait_dma2 semaphore(%arg17 : memref<!tpu.dma_semaphore, #tpu.memory_space<semaphore_mem>>) src(%dma_wait3A_96 : memref<32x768xf32, #tpu.memory_space<hbm>>) dst(%arg13 : memref<32x768xf32, #tpu.memory_space<vmem>>)
      } else {
      }
      %parallel_loop3A_75 = arith.constant 0 : i32
      %parallel_loop3A_76 = arith.constant 4 : i32
      %parallel_loop3A_77 = arith.constant 1 : i32
      scf.for %parallel_loop3A_91 = %parallel_loop3A_75 to %parallel_loop3A_76 step %parallel_loop3A_77  : i32 {
        %parallel_loop3A_92 = arith.constant 8 : i32
        %parallel_loop3A_93 = arith.muli %parallel_loop3A_91, %parallel_loop3A_92 : i32
        %parallel_loop3A_94 = arith.constant 0.000000e+00 : f32
        %parallel_loop3A_95 = vector.broadcast %parallel_loop3A_94 : f32 to vector<16xf32>
        %parallel_loop3A_96 = arith.constant 0.000000e+00 : f32
        %parallel_loop3A_97 = vector.broadcast %parallel_loop3A_96 : f32 to vector<16xf32>
        %parallel_loop3A_98 = arith.constant 0.000000e+00 : f32
        %parallel_loop3A_99 = vector.broadcast %parallel_loop3A_98 : f32 to vector<16xf32>
        %parallel_loop3A_100 = arith.constant 0.000000e+00 : f32
        %parallel_loop3A_101 = vector.broadcast %parallel_loop3A_100 : f32 to vector<16xf32>
        %parallel_loop3A_102 = arith.constant 0.000000e+00 : f32
        %parallel_loop3A_103 = vector.broadcast %parallel_loop3A_102 : f32 to vector<16xf32>
        %parallel_loop3A_104 = arith.constant 0.000000e+00 : f32
        %parallel_loop3A_105 = vector.broadcast %parallel_loop3A_104 : f32 to vector<16xf32>
        %parallel_loop3A_106 = arith.constant 0.000000e+00 : f32
        %parallel_loop3A_107 = vector.broadcast %parallel_loop3A_106 : f32 to vector<16xf32>
        %parallel_loop3A_108 = arith.constant 0.000000e+00 : f32
        %parallel_loop3A_109 = vector.broadcast %parallel_loop3A_108 : f32 to vector<16xf32>
        %parallel_loop3A_110 = arith.constant 0.000000e+00 : f32
        %parallel_loop3A_111 = vector.broadcast %parallel_loop3A_110 : f32 to vector<16xf32>
        %parallel_loop3A_112 = arith.constant 0.000000e+00 : f32
        %parallel_loop3A_113 = vector.broadcast %parallel_loop3A_112 : f32 to vector<16xf32>
        %parallel_loop3A_114 = arith.constant 0.000000e+00 : f32
        %parallel_loop3A_115 = vector.broadcast %parallel_loop3A_114 : f32 to vector<16xf32>
        %parallel_loop3A_116 = arith.constant 0.000000e+00 : f32
        %parallel_loop3A_117 = vector.broadcast %parallel_loop3A_116 : f32 to vector<16xf32>
        %parallel_loop3A_118 = arith.constant 0.000000e+00 : f32
        %parallel_loop3A_119 = vector.broadcast %parallel_loop3A_118 : f32 to vector<16xf32>
        %parallel_loop3A_120 = arith.constant 0.000000e+00 : f32
        %parallel_loop3A_121 = vector.broadcast %parallel_loop3A_120 : f32 to vector<16xf32>
        %parallel_loop3A_122 = arith.constant 0.000000e+00 : f32
        %parallel_loop3A_123 = vector.broadcast %parallel_loop3A_122 : f32 to vector<16xf32>
        %parallel_loop3A_124 = arith.constant 0.000000e+00 : f32
        %parallel_loop3A_125 = vector.broadcast %parallel_loop3A_124 : f32 to vector<16xf32>
        %parallel_loop3A_126 = arith.constant 0 : i32
        %parallel_loop3A_127 = arith.constant 48 : i32
        %parallel_loop3A_128 = arith.constant 1 : i32
        %parallel_loop3A_129:16 = scf.for %parallel_loop3A_879 = %parallel_loop3A_126 to %parallel_loop3A_127 step %parallel_loop3A_128 iter_args(%parallel_loop3A_880 = %parallel_loop3A_95, %parallel_loop3A_881 = %parallel_loop3A_97, %parallel_loop3A_882 = %parallel_loop3A_99, %parallel_loop3A_883 = %parallel_loop3A_101, %parallel_loop3A_884 = %parallel_loop3A_103, %parallel_loop3A_885 = %parallel_loop3A_105, %parallel_loop3A_886 = %parallel_loop3A_107, %parallel_loop3A_887 = %parallel_loop3A_109, %parallel_loop3A_888 = %parallel_loop3A_111, %parallel_loop3A_889 = %parallel_loop3A_113, %parallel_loop3A_890 = %parallel_loop3A_115, %parallel_loop3A_891 = %parallel_loop3A_117, %parallel_loop3A_892 = %parallel_loop3A_119, %parallel_loop3A_893 = %parallel_loop3A_121, %parallel_loop3A_894 = %parallel_loop3A_123, %parallel_loop3A_895 = %parallel_loop3A_125) -> (vector<16xf32>, vector<16xf32>, vector<16xf32>, vector<16xf32>, vector<16xf32>, vector<16xf32>, vector<16xf32>, vector<16xf32>, vector<16xf32>, vector<16xf32>, vector<16xf32>, vector<16xf32>, vector<16xf32>, vector<16xf32>, vector<16xf32>, vector<16xf32>)  : i32 {
          %parallel_loop3A_896 = arith.constant 0 : i32
          %parallel_loop3A_897 = arith.addi %parallel_loop3A_93, %parallel_loop3A_896 : i32
          %parallel_loop3A_898 = arith.constant 16 : i32
          %parallel_loop3A_899 = arith.muli %parallel_loop3A_879, %parallel_loop3A_898 : i32
          %parallel_loop3A_900 = arith.index_cast %parallel_loop3A_897 : i32 to index
          %parallel_loop3A_901 = arith.index_cast %parallel_loop3A_899 : i32 to index
          %parallel_loop3A_902 = tpu.vector_load %arg11[%parallel_loop3A_900, %parallel_loop3A_901] {strides = array<i32>} : memref<32x768xf32, #tpu.memory_space<vmem>>, vector<1x16xf32>,
          %parallel_loop3A_903 = vector.shape_cast %parallel_loop3A_902 : vector<1x16xf32> to vector<16xf32>
          %parallel_loop3A_904 = arith.addf %parallel_loop3A_880, %parallel_loop3A_903 : vector<16xf32>
          %parallel_loop3A_905 = arith.mulf %parallel_loop3A_903, %parallel_loop3A_903 : vector<16xf32>
          %parallel_loop3A_906 = arith.addf %parallel_loop3A_888, %parallel_loop3A_905 : vector<16xf32>
          %parallel_loop3A_907 = arith.constant 1 : i32
          %parallel_loop3A_908 = arith.addi %parallel_loop3A_93, %parallel_loop3A_907 : i32
          %parallel_loop3A_909 = arith.constant 16 : i32
          %parallel_loop3A_910 = arith.muli %parallel_loop3A_879, %parallel_loop3A_909 : i32
          %parallel_loop3A_911 = arith.index_cast %parallel_loop3A_908 : i32 to index
          %parallel_loop3A_912 = arith.index_cast %parallel_loop3A_910 : i32 to index
          %parallel_loop3A_913 = tpu.vector_load %arg11[%parallel_loop3A_911, %parallel_loop3A_912] {strides = array<i32>} : memref<32x768xf32, #tpu.memory_space<vmem>>, vector<1x16xf32>,
          %parallel_loop3A_914 = vector.shape_cast %parallel_loop3A_913 : vector<1x16xf32> to vector<16xf32>
          %parallel_loop3A_915 = arith.addf %parallel_loop3A_881, %parallel_loop3A_914 : vector<16xf32>
          %parallel_loop3A_916 = arith.mulf %parallel_loop3A_914, %parallel_loop3A_914 : vector<16xf32>
          %parallel_loop3A_917 = arith.addf %parallel_loop3A_889, %parallel_loop3A_916 : vector<16xf32>
          %parallel_loop3A_918 = arith.constant 2 : i32
          %parallel_loop3A_919 = arith.addi %parallel_loop3A_93, %parallel_loop3A_918 : i32
          %parallel_loop3A_920 = arith.constant 16 : i32
          %parallel_loop3A_921 = arith.muli %parallel_loop3A_879, %parallel_loop3A_920 : i32
          %parallel_loop3A_922 = arith.index_cast %parallel_loop3A_919 : i32 to index
          %parallel_loop3A_923 = arith.index_cast %parallel_loop3A_921 : i32 to index
          %parallel_loop3A_924 = tpu.vector_load %arg11[%parallel_loop3A_922, %parallel_loop3A_923] {strides = array<i32>} : memref<32x768xf32, #tpu.memory_space<vmem>>, vector<1x16xf32>,
          %parallel_loop3A_925 = vector.shape_cast %parallel_loop3A_924 : vector<1x16xf32> to vector<16xf32>
          %parallel_loop3A_926 = arith.addf %parallel_loop3A_882, %parallel_loop3A_925 : vector<16xf32>
          %parallel_loop3A_927 = arith.mulf %parallel_loop3A_925, %parallel_loop3A_925 : vector<16xf32>
          %parallel_loop3A_928 = arith.addf %parallel_loop3A_890, %parallel_loop3A_927 : vector<16xf32>
          %parallel_loop3A_929 = arith.constant 3 : i32
          %parallel_loop3A_930 = arith.addi %parallel_loop3A_93, %parallel_loop3A_929 : i32
          %parallel_loop3A_931 = arith.constant 16 : i32
          %parallel_loop3A_932 = arith.muli %parallel_loop3A_879, %parallel_loop3A_931 : i32
          %parallel_loop3A_933 = arith.index_cast %parallel_loop3A_930 : i32 to index
          %parallel_loop3A_934 = arith.index_cast %parallel_loop3A_932 : i32 to index
          %parallel_loop3A_935 = tpu.vector_load %arg11[%parallel_loop3A_933, %parallel_loop3A_934] {strides = array<i32>} : memref<32x768xf32, #tpu.memory_space<vmem>>, vector<1x16xf32>,
          %parallel_loop3A_936 = vector.shape_cast %parallel_loop3A_935 : vector<1x16xf32> to vector<16xf32>
          %parallel_loop3A_937 = arith.addf %parallel_loop3A_883, %parallel_loop3A_936 : vector<16xf32>
          %parallel_loop3A_938 = arith.mulf %parallel_loop3A_936, %parallel_loop3A_936 : vector<16xf32>
          %parallel_loop3A_939 = arith.addf %parallel_loop3A_891, %parallel_loop3A_938 : vector<16xf32>
          %parallel_loop3A_940 = arith.constant 4 : i32
          %parallel_loop3A_941 = arith.addi %parallel_loop3A_93, %parallel_loop3A_940 : i32
          %parallel_loop3A_942 = arith.constant 16 : i32
          %parallel_loop3A_943 = arith.muli %parallel_loop3A_879, %parallel_loop3A_942 : i32
          %parallel_loop3A_944 = arith.index_cast %parallel_loop3A_941 : i32 to index
          %parallel_loop3A_945 = arith.index_cast %parallel_loop3A_943 : i32 to index
          %parallel_loop3A_946 = tpu.vector_load %arg11[%parallel_loop3A_944, %parallel_loop3A_945] {strides = array<i32>} : memref<32x768xf32, #tpu.memory_space<vmem>>, vector<1x16xf32>,
          %parallel_loop3A_947 = vector.shape_cast %parallel_loop3A_946 : vector<1x16xf32> to vector<16xf32>
          %parallel_loop3A_948 = arith.addf %parallel_loop3A_884, %parallel_loop3A_947 : vector<16xf32>
          %parallel_loop3A_949 = arith.mulf %parallel_loop3A_947, %parallel_loop3A_947 : vector<16xf32>
          %parallel_loop3A_950 = arith.addf %parallel_loop3A_892, %parallel_loop3A_949 : vector<16xf32>
          %parallel_loop3A_951 = arith.constant 5 : i32
          %parallel_loop3A_952 = arith.addi %parallel_loop3A_93, %parallel_loop3A_951 : i32
          %parallel_loop3A_953 = arith.constant 16 : i32
          %parallel_loop3A_954 = arith.muli %parallel_loop3A_879, %parallel_loop3A_953 : i32
          %parallel_loop3A_955 = arith.index_cast %parallel_loop3A_952 : i32 to index
          %parallel_loop3A_956 = arith.index_cast %parallel_loop3A_954 : i32 to index
          %parallel_loop3A_957 = tpu.vector_load %arg11[%parallel_loop3A_955, %parallel_loop3A_956] {strides = array<i32>} : memref<32x768xf32, #tpu.memory_space<vmem>>, vector<1x16xf32>,
          %parallel_loop3A_958 = vector.shape_cast %parallel_loop3A_957 : vector<1x16xf32> to vector<16xf32>
          %parallel_loop3A_959 = arith.addf %parallel_loop3A_885, %parallel_loop3A_958 : vector<16xf32>
          %parallel_loop3A_960 = arith.mulf %parallel_loop3A_958, %parallel_loop3A_958 : vector<16xf32>
          %parallel_loop3A_961 = arith.addf %parallel_loop3A_893, %parallel_loop3A_960 : vector<16xf32>
          %parallel_loop3A_962 = arith.constant 6 : i32
          %parallel_loop3A_963 = arith.addi %parallel_loop3A_93, %parallel_loop3A_962 : i32
          %parallel_loop3A_964 = arith.constant 16 : i32
          %parallel_loop3A_965 = arith.muli %parallel_loop3A_879, %parallel_loop3A_964 : i32
          %parallel_loop3A_966 = arith.index_cast %parallel_loop3A_963 : i32 to index
          %parallel_loop3A_967 = arith.index_cast %parallel_loop3A_965 : i32 to index
          %parallel_loop3A_968 = tpu.vector_load %arg11[%parallel_loop3A_966, %parallel_loop3A_967] {strides = array<i32>} : memref<32x768xf32, #tpu.memory_space<vmem>>, vector<1x16xf32>,
          %parallel_loop3A_969 = vector.shape_cast %parallel_loop3A_968 : vector<1x16xf32> to vector<16xf32>
          %parallel_loop3A_970 = arith.addf %parallel_loop3A_886, %parallel_loop3A_969 : vector<16xf32>
          %parallel_loop3A_971 = arith.mulf %parallel_loop3A_969, %parallel_loop3A_969 : vector<16xf32>
          %parallel_loop3A_972 = arith.addf %parallel_loop3A_894, %parallel_loop3A_971 : vector<16xf32>
          %parallel_loop3A_973 = arith.constant 7 : i32
          %parallel_loop3A_974 = arith.addi %parallel_loop3A_93, %parallel_loop3A_973 : i32
          %parallel_loop3A_975 = arith.constant 16 : i32
          %parallel_loop3A_976 = arith.muli %parallel_loop3A_879, %parallel_loop3A_975 : i32
          %parallel_loop3A_977 = arith.index_cast %parallel_loop3A_974 : i32 to index
          %parallel_loop3A_978 = arith.index_cast %parallel_loop3A_976 : i32 to index
          %parallel_loop3A_979 = tpu.vector_load %arg11[%parallel_loop3A_977, %parallel_loop3A_978] {strides = array<i32>} : memref<32x768xf32, #tpu.memory_space<vmem>>, vector<1x16xf32>,
          %parallel_loop3A_980 = vector.shape_cast %parallel_loop3A_979 : vector<1x16xf32> to vector<16xf32>
          %parallel_loop3A_981 = arith.addf %parallel_loop3A_887, %parallel_loop3A_980 : vector<16xf32>
          %parallel_loop3A_982 = arith.mulf %parallel_loop3A_980, %parallel_loop3A_980 : vector<16xf32>
          %parallel_loop3A_983 = arith.addf %parallel_loop3A_895, %parallel_loop3A_982 : vector<16xf32>
          scf.yield %parallel_loop3A_904, %parallel_loop3A_915, %parallel_loop3A_926, %parallel_loop3A_937, %parallel_loop3A_948, %parallel_loop3A_959, %parallel_loop3A_970, %parallel_loop3A_981, %parallel_loop3A_906, %parallel_loop3A_917, %parallel_loop3A_928, %parallel_loop3A_939, %parallel_loop3A_950, %parallel_loop3A_961, %parallel_loop3A_972, %parallel_loop3A_983 : vector<16xf32>, vector<16xf32>, vector<16xf32>, vector<16xf32>, vector<16xf32>, vector<16xf32>, vector<16xf32>, vector<16xf32>, vector<16xf32>, vector<16xf32>, vector<16xf32>, vector<16xf32>, vector<16xf32>, vector<16xf32>, vector<16xf32>, vector<16xf32>
        } {sc.loop_unroll_factor = 4 : i64, sc.parallel_access}
        %parallel_loop3A_130 = tpu.iota {dimensions = array<i32: 0>} : vector<16xi32>
        %parallel_loop3A_131 = arith.constant 8 : i32
        %parallel_loop3A_132 = vector.broadcast %parallel_loop3A_131 : i32 to vector<16xi32>
        %parallel_loop3A_133 = arith.andi %parallel_loop3A_130, %parallel_loop3A_132 : vector<16xi32>
        %parallel_loop3A_134 = arith.constant 0 : i32
        %parallel_loop3A_135 = vector.broadcast %parallel_loop3A_134 : i32 to vector<16xi32>
        %parallel_loop3A_136 = arith.cmpi eq, %parallel_loop3A_133, %parallel_loop3A_135 : vector<16xi32>
        %parallel_loop3A_137 = arith.constant 8 : i32
        %parallel_loop3A_138 = vector.broadcast %parallel_loop3A_137 : i32 to vector<16xi32>
        %parallel_loop3A_139 = arith.xori %parallel_loop3A_130, %parallel_loop3A_138 : vector<16xi32>
        %parallel_loop3A_140 = arith.constant 0 : i32
        %parallel_loop3A_141 = vector.broadcast %parallel_loop3A_140 : i32 to vector<16xi32>
        %parallel_loop3A_142 = arith.cmpi slt, %parallel_loop3A_139, %parallel_loop3A_141 : vector<16xi32>
        %parallel_loop3A_143 = arith.constant 16 : i32
        %parallel_loop3A_144 = vector.broadcast %parallel_loop3A_143 : i32 to vector<16xi32>
        %parallel_loop3A_145 = arith.addi %parallel_loop3A_139, %parallel_loop3A_144 : vector<16xi32>
        %parallel_loop3A_146 = arith.select %parallel_loop3A_142, %parallel_loop3A_145, %parallel_loop3A_139 : vector<16xi1>, vector<16xi32>
        %parallel_loop3A_147 = vector.shape_cast %parallel_loop3A_146 : vector<16xi32> to vector<16x1xi32>
        %parallel_loop3A_148 = vector.shape_cast %parallel_loop3A_147 : vector<16x1xi32> to vector<16xi32>
        %parallel_loop3A_149 = tpu.dynamic_gather %parallel_loop3A_129#0[%parallel_loop3A_148] in [0] : vector<16xf32>, vector<16xi32> -> vector<16xf32>
        %parallel_loop3A_150 = arith.addf %parallel_loop3A_129#0, %parallel_loop3A_149 : vector<16xf32>
        %parallel_loop3A_151 = arith.constant 8 : i32
        %parallel_loop3A_152 = vector.broadcast %parallel_loop3A_151 : i32 to vector<16xi32>
        %parallel_loop3A_153 = arith.xori %parallel_loop3A_130, %parallel_loop3A_152 : vector<16xi32>
        %parallel_loop3A_154 = arith.constant 0 : i32
        %parallel_loop3A_155 = vector.broadcast %parallel_loop3A_154 : i32 to vector<16xi32>
        %parallel_loop3A_156 = arith.cmpi slt, %parallel_loop3A_153, %parallel_loop3A_155 : vector<16xi32>
        %parallel_loop3A_157 = arith.constant 16 : i32
        %parallel_loop3A_158 = vector.broadcast %parallel_loop3A_157 : i32 to vector<16xi32>
        %parallel_loop3A_159 = arith.addi %parallel_loop3A_153, %parallel_loop3A_158 : vector<16xi32>
        %parallel_loop3A_160 = arith.select %parallel_loop3A_156, %parallel_loop3A_159, %parallel_loop3A_153 : vector<16xi1>, vector<16xi32>
        %parallel_loop3A_161 = vector.shape_cast %parallel_loop3A_160 : vector<16xi32> to vector<16x1xi32>
        %parallel_loop3A_162 = vector.shape_cast %parallel_loop3A_161 : vector<16x1xi32> to vector<16xi32>
        %parallel_loop3A_163 = tpu.dynamic_gather %parallel_loop3A_129#1[%parallel_loop3A_162] in [0] : vector<16xf32>, vector<16xi32> -> vector<16xf32>
        %parallel_loop3A_164 = arith.addf %parallel_loop3A_129#1, %parallel_loop3A_163 : vector<16xf32>
        %parallel_loop3A_165 = arith.select %parallel_loop3A_136, %parallel_loop3A_150, %parallel_loop3A_164 : vector<16xi1>, vector<16xf32>
        %parallel_loop3A_166 = arith.constant 8 : i32
        %parallel_loop3A_167 = vector.broadcast %parallel_loop3A_166 : i32 to vector<16xi32>
        %parallel_loop3A_168 = arith.andi %parallel_loop3A_130, %parallel_loop3A_167 : vector<16xi32>
        %parallel_loop3A_169 = arith.constant 0 : i32
        %parallel_loop3A_170 = vector.broadcast %parallel_loop3A_169 : i32 to vector<16xi32>
        %parallel_loop3A_171 = arith.cmpi eq, %parallel_loop3A_168, %parallel_loop3A_170 : vector<16xi32>
        %parallel_loop3A_172 = arith.constant 8 : i32
        %parallel_loop3A_173 = vector.broadcast %parallel_loop3A_172 : i32 to vector<16xi32>
        %parallel_loop3A_174 = arith.xori %parallel_loop3A_130, %parallel_loop3A_173 : vector<16xi32>
        %parallel_loop3A_175 = arith.constant 0 : i32
        %parallel_loop3A_176 = vector.broadcast %parallel_loop3A_175 : i32 to vector<16xi32>
        %parallel_loop3A_177 = arith.cmpi slt, %parallel_loop3A_174, %parallel_loop3A_176 : vector<16xi32>
        %parallel_loop3A_178 = arith.constant 16 : i32
        %parallel_loop3A_179 = vector.broadcast %parallel_loop3A_178 : i32 to vector<16xi32>
        %parallel_loop3A_180 = arith.addi %parallel_loop3A_174, %parallel_loop3A_179 : vector<16xi32>
        %parallel_loop3A_181 = arith.select %parallel_loop3A_177, %parallel_loop3A_180, %parallel_loop3A_174 : vector<16xi1>, vector<16xi32>
        %parallel_loop3A_182 = vector.shape_cast %parallel_loop3A_181 : vector<16xi32> to vector<16x1xi32>
        %parallel_loop3A_183 = vector.shape_cast %parallel_loop3A_182 : vector<16x1xi32> to vector<16xi32>
        %parallel_loop3A_184 = tpu.dynamic_gather %parallel_loop3A_129#2[%parallel_loop3A_183] in [0] : vector<16xf32>, vector<16xi32> -> vector<16xf32>
        %parallel_loop3A_185 = arith.addf %parallel_loop3A_129#2, %parallel_loop3A_184 : vector<16xf32>
        %parallel_loop3A_186 = arith.constant 8 : i32
        %parallel_loop3A_187 = vector.broadcast %parallel_loop3A_186 : i32 to vector<16xi32>
        %parallel_loop3A_188 = arith.xori %parallel_loop3A_130, %parallel_loop3A_187 : vector<16xi32>
        %parallel_loop3A_189 = arith.constant 0 : i32
        %parallel_loop3A_190 = vector.broadcast %parallel_loop3A_189 : i32 to vector<16xi32>
        %parallel_loop3A_191 = arith.cmpi slt, %parallel_loop3A_188, %parallel_loop3A_190 : vector<16xi32>
        %parallel_loop3A_192 = arith.constant 16 : i32
        %parallel_loop3A_193 = vector.broadcast %parallel_loop3A_192 : i32 to vector<16xi32>
        %parallel_loop3A_194 = arith.addi %parallel_loop3A_188, %parallel_loop3A_193 : vector<16xi32>
        %parallel_loop3A_195 = arith.select %parallel_loop3A_191, %parallel_loop3A_194, %parallel_loop3A_188 : vector<16xi1>, vector<16xi32>
        %parallel_loop3A_196 = vector.shape_cast %parallel_loop3A_195 : vector<16xi32> to vector<16x1xi32>
        %parallel_loop3A_197 = vector.shape_cast %parallel_loop3A_196 : vector<16x1xi32> to vector<16xi32>
        %parallel_loop3A_198 = tpu.dynamic_gather %parallel_loop3A_129#3[%parallel_loop3A_197] in [0] : vector<16xf32>, vector<16xi32> -> vector<16xf32>
        %parallel_loop3A_199 = arith.addf %parallel_loop3A_129#3, %parallel_loop3A_198 : vector<16xf32>
        %parallel_loop3A_200 = arith.select %parallel_loop3A_171, %parallel_loop3A_185, %parallel_loop3A_199 : vector<16xi1>, vector<16xf32>
        %parallel_loop3A_201 = arith.constant 8 : i32
        %parallel_loop3A_202 = vector.broadcast %parallel_loop3A_201 : i32 to vector<16xi32>
        %parallel_loop3A_203 = arith.andi %parallel_loop3A_130, %parallel_loop3A_202 : vector<16xi32>
        %parallel_loop3A_204 = arith.constant 0 : i32
        %parallel_loop3A_205 = vector.broadcast %parallel_loop3A_204 : i32 to vector<16xi32>
        %parallel_loop3A_206 = arith.cmpi eq, %parallel_loop3A_203, %parallel_loop3A_205 : vector<16xi32>
        %parallel_loop3A_207 = arith.constant 8 : i32
        %parallel_loop3A_208 = vector.broadcast %parallel_loop3A_207 : i32 to vector<16xi32>
        %parallel_loop3A_209 = arith.xori %parallel_loop3A_130, %parallel_loop3A_208 : vector<16xi32>
        %parallel_loop3A_210 = arith.constant 0 : i32
        %parallel_loop3A_211 = vector.broadcast %parallel_loop3A_210 : i32 to vector<16xi32>
        %parallel_loop3A_212 = arith.cmpi slt, %parallel_loop3A_209, %parallel_loop3A_211 : vector<16xi32>
        %parallel_loop3A_213 = arith.constant 16 : i32
        %parallel_loop3A_214 = vector.broadcast %parallel_loop3A_213 : i32 to vector<16xi32>
        %parallel_loop3A_215 = arith.addi %parallel_loop3A_209, %parallel_loop3A_214 : vector<16xi32>
        %parallel_loop3A_216 = arith.select %parallel_loop3A_212, %parallel_loop3A_215, %parallel_loop3A_209 : vector<16xi1>, vector<16xi32>
        %parallel_loop3A_217 = vector.shape_cast %parallel_loop3A_216 : vector<16xi32> to vector<16x1xi32>
        %parallel_loop3A_218 = vector.shape_cast %parallel_loop3A_217 : vector<16x1xi32> to vector<16xi32>
        %parallel_loop3A_219 = tpu.dynamic_gather %parallel_loop3A_129#4[%parallel_loop3A_218] in [0] : vector<16xf32>, vector<16xi32> -> vector<16xf32>
        %parallel_loop3A_220 = arith.addf %parallel_loop3A_129#4, %parallel_loop3A_219 : vector<16xf32>
        %parallel_loop3A_221 = arith.constant 8 : i32
        %parallel_loop3A_222 = vector.broadcast %parallel_loop3A_221 : i32 to vector<16xi32>
        %parallel_loop3A_223 = arith.xori %parallel_loop3A_130, %parallel_loop3A_222 : vector<16xi32>
        %parallel_loop3A_224 = arith.constant 0 : i32
        %parallel_loop3A_225 = vector.broadcast %parallel_loop3A_224 : i32 to vector<16xi32>
        %parallel_loop3A_226 = arith.cmpi slt, %parallel_loop3A_223, %parallel_loop3A_225 : vector<16xi32>
        %parallel_loop3A_227 = arith.constant 16 : i32
        %parallel_loop3A_228 = vector.broadcast %parallel_loop3A_227 : i32 to vector<16xi32>
        %parallel_loop3A_229 = arith.addi %parallel_loop3A_223, %parallel_loop3A_228 : vector<16xi32>
        %parallel_loop3A_230 = arith.select %parallel_loop3A_226, %parallel_loop3A_229, %parallel_loop3A_223 : vector<16xi1>, vector<16xi32>
        %parallel_loop3A_231 = vector.shape_cast %parallel_loop3A_230 : vector<16xi32> to vector<16x1xi32>
        %parallel_loop3A_232 = vector.shape_cast %parallel_loop3A_231 : vector<16x1xi32> to vector<16xi32>
        %parallel_loop3A_233 = tpu.dynamic_gather %parallel_loop3A_129#5[%parallel_loop3A_232] in [0] : vector<16xf32>, vector<16xi32> -> vector<16xf32>
        %parallel_loop3A_234 = arith.addf %parallel_loop3A_129#5, %parallel_loop3A_233 : vector<16xf32>
        %parallel_loop3A_235 = arith.select %parallel_loop3A_206, %parallel_loop3A_220, %parallel_loop3A_234 : vector<16xi1>, vector<16xf32>
        %parallel_loop3A_236 = arith.constant 8 : i32
        %parallel_loop3A_237 = vector.broadcast %parallel_loop3A_236 : i32 to vector<16xi32>
        %parallel_loop3A_238 = arith.andi %parallel_loop3A_130, %parallel_loop3A_237 : vector<16xi32>
        %parallel_loop3A_239 = arith.constant 0 : i32
        %parallel_loop3A_240 = vector.broadcast %parallel_loop3A_239 : i32 to vector<16xi32>
        %parallel_loop3A_241 = arith.cmpi eq, %parallel_loop3A_238, %parallel_loop3A_240 : vector<16xi32>
        %parallel_loop3A_242 = arith.constant 8 : i32
        %parallel_loop3A_243 = vector.broadcast %parallel_loop3A_242 : i32 to vector<16xi32>
        %parallel_loop3A_244 = arith.xori %parallel_loop3A_130, %parallel_loop3A_243 : vector<16xi32>
        %parallel_loop3A_245 = arith.constant 0 : i32
        %parallel_loop3A_246 = vector.broadcast %parallel_loop3A_245 : i32 to vector<16xi32>
        %parallel_loop3A_247 = arith.cmpi slt, %parallel_loop3A_244, %parallel_loop3A_246 : vector<16xi32>
        %parallel_loop3A_248 = arith.constant 16 : i32
        %parallel_loop3A_249 = vector.broadcast %parallel_loop3A_248 : i32 to vector<16xi32>
        %parallel_loop3A_250 = arith.addi %parallel_loop3A_244, %parallel_loop3A_249 : vector<16xi32>
        %parallel_loop3A_251 = arith.select %parallel_loop3A_247, %parallel_loop3A_250, %parallel_loop3A_244 : vector<16xi1>, vector<16xi32>
        %parallel_loop3A_252 = vector.shape_cast %parallel_loop3A_251 : vector<16xi32> to vector<16x1xi32>
        %parallel_loop3A_253 = vector.shape_cast %parallel_loop3A_252 : vector<16x1xi32> to vector<16xi32>
        %parallel_loop3A_254 = tpu.dynamic_gather %parallel_loop3A_129#6[%parallel_loop3A_253] in [0] : vector<16xf32>, vector<16xi32> -> vector<16xf32>
        %parallel_loop3A_255 = arith.addf %parallel_loop3A_129#6, %parallel_loop3A_254 : vector<16xf32>
        %parallel_loop3A_256 = arith.constant 8 : i32
        %parallel_loop3A_257 = vector.broadcast %parallel_loop3A_256 : i32 to vector<16xi32>
        %parallel_loop3A_258 = arith.xori %parallel_loop3A_130, %parallel_loop3A_257 : vector<16xi32>
        %parallel_loop3A_259 = arith.constant 0 : i32
        %parallel_loop3A_260 = vector.broadcast %parallel_loop3A_259 : i32 to vector<16xi32>
        %parallel_loop3A_261 = arith.cmpi slt, %parallel_loop3A_258, %parallel_loop3A_260 : vector<16xi32>
        %parallel_loop3A_262 = arith.constant 16 : i32
        %parallel_loop3A_263 = vector.broadcast %parallel_loop3A_262 : i32 to vector<16xi32>
        %parallel_loop3A_264 = arith.addi %parallel_loop3A_258, %parallel_loop3A_263 : vector<16xi32>
        %parallel_loop3A_265 = arith.select %parallel_loop3A_261, %parallel_loop3A_264, %parallel_loop3A_258 : vector<16xi1>, vector<16xi32>
        %parallel_loop3A_266 = vector.shape_cast %parallel_loop3A_265 : vector<16xi32> to vector<16x1xi32>
        %parallel_loop3A_267 = vector.shape_cast %parallel_loop3A_266 : vector<16x1xi32> to vector<16xi32>
        %parallel_loop3A_268 = tpu.dynamic_gather %parallel_loop3A_129#7[%parallel_loop3A_267] in [0] : vector<16xf32>, vector<16xi32> -> vector<16xf32>
        %parallel_loop3A_269 = arith.addf %parallel_loop3A_129#7, %parallel_loop3A_268 : vector<16xf32>
        %parallel_loop3A_270 = arith.select %parallel_loop3A_241, %parallel_loop3A_255, %parallel_loop3A_269 : vector<16xi1>, vector<16xf32>
        %parallel_loop3A_271 = arith.constant 4 : i32
        %parallel_loop3A_272 = vector.broadcast %parallel_loop3A_271 : i32 to vector<16xi32>
        %parallel_loop3A_273 = arith.andi %parallel_loop3A_130, %parallel_loop3A_272 : vector<16xi32>
        %parallel_loop3A_274 = arith.constant 0 : i32
        %parallel_loop3A_275 = vector.broadcast %parallel_loop3A_274 : i32 to vector<16xi32>
        %parallel_loop3A_276 = arith.cmpi eq, %parallel_loop3A_273, %parallel_loop3A_275 : vector<16xi32>
        %parallel_loop3A_277 = arith.constant 4 : i32
        %parallel_loop3A_278 = vector.broadcast %parallel_loop3A_277 : i32 to vector<16xi32>
        %parallel_loop3A_279 = arith.xori %parallel_loop3A_130, %parallel_loop3A_278 : vector<16xi32>
        %parallel_loop3A_280 = arith.constant 0 : i32
        %parallel_loop3A_281 = vector.broadcast %parallel_loop3A_280 : i32 to vector<16xi32>
        %parallel_loop3A_282 = arith.cmpi slt, %parallel_loop3A_279, %parallel_loop3A_281 : vector<16xi32>
        %parallel_loop3A_283 = arith.constant 16 : i32
        %parallel_loop3A_284 = vector.broadcast %parallel_loop3A_283 : i32 to vector<16xi32>
        %parallel_loop3A_285 = arith.addi %parallel_loop3A_279, %parallel_loop3A_284 : vector<16xi32>
        %parallel_loop3A_286 = arith.select %parallel_loop3A_282, %parallel_loop3A_285, %parallel_loop3A_279 : vector<16xi1>, vector<16xi32>
        %parallel_loop3A_287 = vector.shape_cast %parallel_loop3A_286 : vector<16xi32> to vector<16x1xi32>
        %parallel_loop3A_288 = vector.shape_cast %parallel_loop3A_287 : vector<16x1xi32> to vector<16xi32>
        %parallel_loop3A_289 = tpu.dynamic_gather %parallel_loop3A_165[%parallel_loop3A_288] in [0] : vector<16xf32>, vector<16xi32> -> vector<16xf32>
        %parallel_loop3A_290 = arith.addf %parallel_loop3A_165, %parallel_loop3A_289 : vector<16xf32>
        %parallel_loop3A_291 = arith.constant 4 : i32
        %parallel_loop3A_292 = vector.broadcast %parallel_loop3A_291 : i32 to vector<16xi32>
        %parallel_loop3A_293 = arith.xori %parallel_loop3A_130, %parallel_loop3A_292 : vector<16xi32>
        %parallel_loop3A_294 = arith.constant 0 : i32
        %parallel_loop3A_295 = vector.broadcast %parallel_loop3A_294 : i32 to vector<16xi32>
        %parallel_loop3A_296 = arith.cmpi slt, %parallel_loop3A_293, %parallel_loop3A_295 : vector<16xi32>
        %parallel_loop3A_297 = arith.constant 16 : i32
        %parallel_loop3A_298 = vector.broadcast %parallel_loop3A_297 : i32 to vector<16xi32>
        %parallel_loop3A_299 = arith.addi %parallel_loop3A_293, %parallel_loop3A_298 : vector<16xi32>
        %parallel_loop3A_300 = arith.select %parallel_loop3A_296, %parallel_loop3A_299, %parallel_loop3A_293 : vector<16xi1>, vector<16xi32>
        %parallel_loop3A_301 = vector.shape_cast %parallel_loop3A_300 : vector<16xi32> to vector<16x1xi32>
        %parallel_loop3A_302 = vector.shape_cast %parallel_loop3A_301 : vector<16x1xi32> to vector<16xi32>
        %parallel_loop3A_303 = tpu.dynamic_gather %parallel_loop3A_200[%parallel_loop3A_302] in [0] : vector<16xf32>, vector<16xi32> -> vector<16xf32>
        %parallel_loop3A_304 = arith.addf %parallel_loop3A_200, %parallel_loop3A_303 : vector<16xf32>
        %parallel_loop3A_305 = arith.select %parallel_loop3A_276, %parallel_loop3A_290, %parallel_loop3A_304 : vector<16xi1>, vector<16xf32>
        %parallel_loop3A_306 = arith.constant 4 : i32
        %parallel_loop3A_307 = vector.broadcast %parallel_loop3A_306 : i32 to vector<16xi32>
        %parallel_loop3A_308 = arith.andi %parallel_loop3A_130, %parallel_loop3A_307 : vector<16xi32>
        %parallel_loop3A_309 = arith.constant 0 : i32
        %parallel_loop3A_310 = vector.broadcast %parallel_loop3A_309 : i32 to vector<16xi32>
        %parallel_loop3A_311 = arith.cmpi eq, %parallel_loop3A_308, %parallel_loop3A_310 : vector<16xi32>
        %parallel_loop3A_312 = arith.constant 4 : i32
        %parallel_loop3A_313 = vector.broadcast %parallel_loop3A_312 : i32 to vector<16xi32>
        %parallel_loop3A_314 = arith.xori %parallel_loop3A_130, %parallel_loop3A_313 : vector<16xi32>
        %parallel_loop3A_315 = arith.constant 0 : i32
        %parallel_loop3A_316 = vector.broadcast %parallel_loop3A_315 : i32 to vector<16xi32>
        %parallel_loop3A_317 = arith.cmpi slt, %parallel_loop3A_314, %parallel_loop3A_316 : vector<16xi32>
        %parallel_loop3A_318 = arith.constant 16 : i32
        %parallel_loop3A_319 = vector.broadcast %parallel_loop3A_318 : i32 to vector<16xi32>
        %parallel_loop3A_320 = arith.addi %parallel_loop3A_314, %parallel_loop3A_319 : vector<16xi32>
        %parallel_loop3A_321 = arith.select %parallel_loop3A_317, %parallel_loop3A_320, %parallel_loop3A_314 : vector<16xi1>, vector<16xi32>
        %parallel_loop3A_322 = vector.shape_cast %parallel_loop3A_321 : vector<16xi32> to vector<16x1xi32>
        %parallel_loop3A_323 = vector.shape_cast %parallel_loop3A_322 : vector<16x1xi32> to vector<16xi32>
        %parallel_loop3A_324 = tpu.dynamic_gather %parallel_loop3A_235[%parallel_loop3A_323] in [0] : vector<16xf32>, vector<16xi32> -> vector<16xf32>
        %parallel_loop3A_325 = arith.addf %parallel_loop3A_235, %parallel_loop3A_324 : vector<16xf32>
        %parallel_loop3A_326 = arith.constant 4 : i32
        %parallel_loop3A_327 = vector.broadcast %parallel_loop3A_326 : i32 to vector<16xi32>
        %parallel_loop3A_328 = arith.xori %parallel_loop3A_130, %parallel_loop3A_327 : vector<16xi32>
        %parallel_loop3A_329 = arith.constant 0 : i32
        %parallel_loop3A_330 = vector.broadcast %parallel_loop3A_329 : i32 to vector<16xi32>
        %parallel_loop3A_331 = arith.cmpi slt, %parallel_loop3A_328, %parallel_loop3A_330 : vector<16xi32>
        %parallel_loop3A_332 = arith.constant 16 : i32
        %parallel_loop3A_333 = vector.broadcast %parallel_loop3A_332 : i32 to vector<16xi32>
        %parallel_loop3A_334 = arith.addi %parallel_loop3A_328, %parallel_loop3A_333 : vector<16xi32>
        %parallel_loop3A_335 = arith.select %parallel_loop3A_331, %parallel_loop3A_334, %parallel_loop3A_328 : vector<16xi1>, vector<16xi32>
        %parallel_loop3A_336 = vector.shape_cast %parallel_loop3A_335 : vector<16xi32> to vector<16x1xi32>
        %parallel_loop3A_337 = vector.shape_cast %parallel_loop3A_336 : vector<16x1xi32> to vector<16xi32>
        %parallel_loop3A_338 = tpu.dynamic_gather %parallel_loop3A_270[%parallel_loop3A_337] in [0] : vector<16xf32>, vector<16xi32> -> vector<16xf32>
        %parallel_loop3A_339 = arith.addf %parallel_loop3A_270, %parallel_loop3A_338 : vector<16xf32>
        %parallel_loop3A_340 = arith.select %parallel_loop3A_311, %parallel_loop3A_325, %parallel_loop3A_339 : vector<16xi1>, vector<16xf32>
        %parallel_loop3A_341 = arith.constant 2 : i32
        %parallel_loop3A_342 = vector.broadcast %parallel_loop3A_341 : i32 to vector<16xi32>
        %parallel_loop3A_343 = arith.andi %parallel_loop3A_130, %parallel_loop3A_342 : vector<16xi32>
        %parallel_loop3A_344 = arith.constant 0 : i32
        %parallel_loop3A_345 = vector.broadcast %parallel_loop3A_344 : i32 to vector<16xi32>
        %parallel_loop3A_346 = arith.cmpi eq, %parallel_loop3A_343, %parallel_loop3A_345 : vector<16xi32>
        %parallel_loop3A_347 = arith.constant 2 : i32
        %parallel_loop3A_348 = vector.broadcast %parallel_loop3A_347 : i32 to vector<16xi32>
        %parallel_loop3A_349 = arith.xori %parallel_loop3A_130, %parallel_loop3A_348 : vector<16xi32>
        %parallel_loop3A_350 = arith.constant 0 : i32
        %parallel_loop3A_351 = vector.broadcast %parallel_loop3A_350 : i32 to vector<16xi32>
        %parallel_loop3A_352 = arith.cmpi slt, %parallel_loop3A_349, %parallel_loop3A_351 : vector<16xi32>
        %parallel_loop3A_353 = arith.constant 16 : i32
        %parallel_loop3A_354 = vector.broadcast %parallel_loop3A_353 : i32 to vector<16xi32>
        %parallel_loop3A_355 = arith.addi %parallel_loop3A_349, %parallel_loop3A_354 : vector<16xi32>
        %parallel_loop3A_356 = arith.select %parallel_loop3A_352, %parallel_loop3A_355, %parallel_loop3A_349 : vector<16xi1>, vector<16xi32>
        %parallel_loop3A_357 = vector.shape_cast %parallel_loop3A_356 : vector<16xi32> to vector<16x1xi32>
        %parallel_loop3A_358 = vector.shape_cast %parallel_loop3A_357 : vector<16x1xi32> to vector<16xi32>
        %parallel_loop3A_359 = tpu.dynamic_gather %parallel_loop3A_305[%parallel_loop3A_358] in [0] : vector<16xf32>, vector<16xi32> -> vector<16xf32>
        %parallel_loop3A_360 = arith.addf %parallel_loop3A_305, %parallel_loop3A_359 : vector<16xf32>
        %parallel_loop3A_361 = arith.constant 2 : i32
        %parallel_loop3A_362 = vector.broadcast %parallel_loop3A_361 : i32 to vector<16xi32>
        %parallel_loop3A_363 = arith.xori %parallel_loop3A_130, %parallel_loop3A_362 : vector<16xi32>
        %parallel_loop3A_364 = arith.constant 0 : i32
        %parallel_loop3A_365 = vector.broadcast %parallel_loop3A_364 : i32 to vector<16xi32>
        %parallel_loop3A_366 = arith.cmpi slt, %parallel_loop3A_363, %parallel_loop3A_365 : vector<16xi32>
        %parallel_loop3A_367 = arith.constant 16 : i32
        %parallel_loop3A_368 = vector.broadcast %parallel_loop3A_367 : i32 to vector<16xi32>
        %parallel_loop3A_369 = arith.addi %parallel_loop3A_363, %parallel_loop3A_368 : vector<16xi32>
        %parallel_loop3A_370 = arith.select %parallel_loop3A_366, %parallel_loop3A_369, %parallel_loop3A_363 : vector<16xi1>, vector<16xi32>
        %parallel_loop3A_371 = vector.shape_cast %parallel_loop3A_370 : vector<16xi32> to vector<16x1xi32>
        %parallel_loop3A_372 = vector.shape_cast %parallel_loop3A_371 : vector<16x1xi32> to vector<16xi32>
        %parallel_loop3A_373 = tpu.dynamic_gather %parallel_loop3A_340[%parallel_loop3A_372] in [0] : vector<16xf32>, vector<16xi32> -> vector<16xf32>
        %parallel_loop3A_374 = arith.addf %parallel_loop3A_340, %parallel_loop3A_373 : vector<16xf32>
        %parallel_loop3A_375 = arith.select %parallel_loop3A_346, %parallel_loop3A_360, %parallel_loop3A_374 : vector<16xi1>, vector<16xf32>
        %parallel_loop3A_376 = arith.constant 1 : i32
        %parallel_loop3A_377 = vector.broadcast %parallel_loop3A_376 : i32 to vector<16xi32>
        %parallel_loop3A_378 = arith.xori %parallel_loop3A_130, %parallel_loop3A_377 : vector<16xi32>
        %parallel_loop3A_379 = arith.constant 0 : i32
        %parallel_loop3A_380 = vector.broadcast %parallel_loop3A_379 : i32 to vector<16xi32>
        %parallel_loop3A_381 = arith.cmpi slt, %parallel_loop3A_378, %parallel_loop3A_380 : vector<16xi32>
        %parallel_loop3A_382 = arith.constant 16 : i32
        %parallel_loop3A_383 = vector.broadcast %parallel_loop3A_382 : i32 to vector<16xi32>
        %parallel_loop3A_384 = arith.addi %parallel_loop3A_378, %parallel_loop3A_383 : vector<16xi32>
        %parallel_loop3A_385 = arith.select %parallel_loop3A_381, %parallel_loop3A_384, %parallel_loop3A_378 : vector<16xi1>, vector<16xi32>
        %parallel_loop3A_386 = vector.shape_cast %parallel_loop3A_385 : vector<16xi32> to vector<16x1xi32>
        %parallel_loop3A_387 = vector.shape_cast %parallel_loop3A_386 : vector<16x1xi32> to vector<16xi32>
        %parallel_loop3A_388 = tpu.dynamic_gather %parallel_loop3A_375[%parallel_loop3A_387] in [0] : vector<16xf32>, vector<16xi32> -> vector<16xf32>
        %parallel_loop3A_389 = arith.addf %parallel_loop3A_375, %parallel_loop3A_388 : vector<16xf32>
        %parallel_loop3A_390 = tpu.iota {dimensions = array<i32: 0>} : vector<16xi32>
        %parallel_loop3A_391 = arith.constant 8 : i32
        %parallel_loop3A_392 = vector.broadcast %parallel_loop3A_391 : i32 to vector<16xi32>
        %parallel_loop3A_393 = arith.andi %parallel_loop3A_390, %parallel_loop3A_392 : vector<16xi32>
        %parallel_loop3A_394 = arith.constant 0 : i32
        %parallel_loop3A_395 = vector.broadcast %parallel_loop3A_394 : i32 to vector<16xi32>
        %parallel_loop3A_396 = arith.cmpi eq, %parallel_loop3A_393, %parallel_loop3A_395 : vector<16xi32>
        %parallel_loop3A_397 = arith.constant 8 : i32
        %parallel_loop3A_398 = vector.broadcast %parallel_loop3A_397 : i32 to vector<16xi32>
        %parallel_loop3A_399 = arith.xori %parallel_loop3A_390, %parallel_loop3A_398 : vector<16xi32>
        %parallel_loop3A_400 = arith.constant 0 : i32
        %parallel_loop3A_401 = vector.broadcast %parallel_loop3A_400 : i32 to vector<16xi32>
        %parallel_loop3A_402 = arith.cmpi slt, %parallel_loop3A_399, %parallel_loop3A_401 : vector<16xi32>
        %parallel_loop3A_403 = arith.constant 16 : i32
        %parallel_loop3A_404 = vector.broadcast %parallel_loop3A_403 : i32 to vector<16xi32>
        %parallel_loop3A_405 = arith.addi %parallel_loop3A_399, %parallel_loop3A_404 : vector<16xi32>
        %parallel_loop3A_406 = arith.select %parallel_loop3A_402, %parallel_loop3A_405, %parallel_loop3A_399 : vector<16xi1>, vector<16xi32>
        %parallel_loop3A_407 = vector.shape_cast %parallel_loop3A_406 : vector<16xi32> to vector<16x1xi32>
        %parallel_loop3A_408 = vector.shape_cast %parallel_loop3A_407 : vector<16x1xi32> to vector<16xi32>
        %parallel_loop3A_409 = tpu.dynamic_gather %parallel_loop3A_129#8[%parallel_loop3A_408] in [0] : vector<16xf32>, vector<16xi32> -> vector<16xf32>
        %parallel_loop3A_410 = arith.addf %parallel_loop3A_129#8, %parallel_loop3A_409 : vector<16xf32>
        %parallel_loop3A_411 = arith.constant 8 : i32
        %parallel_loop3A_412 = vector.broadcast %parallel_loop3A_411 : i32 to vector<16xi32>
        %parallel_loop3A_413 = arith.xori %parallel_loop3A_390, %parallel_loop3A_412 : vector<16xi32>
        %parallel_loop3A_414 = arith.constant 0 : i32
        %parallel_loop3A_415 = vector.broadcast %parallel_loop3A_414 : i32 to vector<16xi32>
        %parallel_loop3A_416 = arith.cmpi slt, %parallel_loop3A_413, %parallel_loop3A_415 : vector<16xi32>
        %parallel_loop3A_417 = arith.constant 16 : i32
        %parallel_loop3A_418 = vector.broadcast %parallel_loop3A_417 : i32 to vector<16xi32>
        %parallel_loop3A_419 = arith.addi %parallel_loop3A_413, %parallel_loop3A_418 : vector<16xi32>
        %parallel_loop3A_420 = arith.select %parallel_loop3A_416, %parallel_loop3A_419, %parallel_loop3A_413 : vector<16xi1>, vector<16xi32>
        %parallel_loop3A_421 = vector.shape_cast %parallel_loop3A_420 : vector<16xi32> to vector<16x1xi32>
        %parallel_loop3A_422 = vector.shape_cast %parallel_loop3A_421 : vector<16x1xi32> to vector<16xi32>
        %parallel_loop3A_423 = tpu.dynamic_gather %parallel_loop3A_129#9[%parallel_loop3A_422] in [0] : vector<16xf32>, vector<16xi32> -> vector<16xf32>
        %parallel_loop3A_424 = arith.addf %parallel_loop3A_129#9, %parallel_loop3A_423 : vector<16xf32>
        %parallel_loop3A_425 = arith.select %parallel_loop3A_396, %parallel_loop3A_410, %parallel_loop3A_424 : vector<16xi1>, vector<16xf32>
        %parallel_loop3A_426 = arith.constant 8 : i32
        %parallel_loop3A_427 = vector.broadcast %parallel_loop3A_426 : i32 to vector<16xi32>
        %parallel_loop3A_428 = arith.andi %parallel_loop3A_390, %parallel_loop3A_427 : vector<16xi32>
        %parallel_loop3A_429 = arith.constant 0 : i32
        %parallel_loop3A_430 = vector.broadcast %parallel_loop3A_429 : i32 to vector<16xi32>
        %parallel_loop3A_431 = arith.cmpi eq, %parallel_loop3A_428, %parallel_loop3A_430 : vector<16xi32>
        %parallel_loop3A_432 = arith.constant 8 : i32
        %parallel_loop3A_433 = vector.broadcast %parallel_loop3A_432 : i32 to vector<16xi32>
        %parallel_loop3A_434 = arith.xori %parallel_loop3A_390, %parallel_loop3A_433 : vector<16xi32>
        %parallel_loop3A_435 = arith.constant 0 : i32
        %parallel_loop3A_436 = vector.broadcast %parallel_loop3A_435 : i32 to vector<16xi32>
        %parallel_loop3A_437 = arith.cmpi slt, %parallel_loop3A_434, %parallel_loop3A_436 : vector<16xi32>
        %parallel_loop3A_438 = arith.constant 16 : i32
        %parallel_loop3A_439 = vector.broadcast %parallel_loop3A_438 : i32 to vector<16xi32>
        %parallel_loop3A_440 = arith.addi %parallel_loop3A_434, %parallel_loop3A_439 : vector<16xi32>
        %parallel_loop3A_441 = arith.select %parallel_loop3A_437, %parallel_loop3A_440, %parallel_loop3A_434 : vector<16xi1>, vector<16xi32>
        %parallel_loop3A_442 = vector.shape_cast %parallel_loop3A_441 : vector<16xi32> to vector<16x1xi32>
        %parallel_loop3A_443 = vector.shape_cast %parallel_loop3A_442 : vector<16x1xi32> to vector<16xi32>
        %parallel_loop3A_444 = tpu.dynamic_gather %parallel_loop3A_129#10[%parallel_loop3A_443] in [0] : vector<16xf32>, vector<16xi32> -> vector<16xf32>
        %parallel_loop3A_445 = arith.addf %parallel_loop3A_129#10, %parallel_loop3A_444 : vector<16xf32>
        %parallel_loop3A_446 = arith.constant 8 : i32
        %parallel_loop3A_447 = vector.broadcast %parallel_loop3A_446 : i32 to vector<16xi32>
        %parallel_loop3A_448 = arith.xori %parallel_loop3A_390, %parallel_loop3A_447 : vector<16xi32>
        %parallel_loop3A_449 = arith.constant 0 : i32
        %parallel_loop3A_450 = vector.broadcast %parallel_loop3A_449 : i32 to vector<16xi32>
        %parallel_loop3A_451 = arith.cmpi slt, %parallel_loop3A_448, %parallel_loop3A_450 : vector<16xi32>
        %parallel_loop3A_452 = arith.constant 16 : i32
        %parallel_loop3A_453 = vector.broadcast %parallel_loop3A_452 : i32 to vector<16xi32>
        %parallel_loop3A_454 = arith.addi %parallel_loop3A_448, %parallel_loop3A_453 : vector<16xi32>
        %parallel_loop3A_455 = arith.select %parallel_loop3A_451, %parallel_loop3A_454, %parallel_loop3A_448 : vector<16xi1>, vector<16xi32>
        %parallel_loop3A_456 = vector.shape_cast %parallel_loop3A_455 : vector<16xi32> to vector<16x1xi32>
        %parallel_loop3A_457 = vector.shape_cast %parallel_loop3A_456 : vector<16x1xi32> to vector<16xi32>
        %parallel_loop3A_458 = tpu.dynamic_gather %parallel_loop3A_129#11[%parallel_loop3A_457] in [0] : vector<16xf32>, vector<16xi32> -> vector<16xf32>
        %parallel_loop3A_459 = arith.addf %parallel_loop3A_129#11, %parallel_loop3A_458 : vector<16xf32>
        %parallel_loop3A_460 = arith.select %parallel_loop3A_431, %parallel_loop3A_445, %parallel_loop3A_459 : vector<16xi1>, vector<16xf32>
        %parallel_loop3A_461 = arith.constant 8 : i32
        %parallel_loop3A_462 = vector.broadcast %parallel_loop3A_461 : i32 to vector<16xi32>
        %parallel_loop3A_463 = arith.andi %parallel_loop3A_390, %parallel_loop3A_462 : vector<16xi32>
        %parallel_loop3A_464 = arith.constant 0 : i32
        %parallel_loop3A_465 = vector.broadcast %parallel_loop3A_464 : i32 to vector<16xi32>
        %parallel_loop3A_466 = arith.cmpi eq, %parallel_loop3A_463, %parallel_loop3A_465 : vector<16xi32>
        %parallel_loop3A_467 = arith.constant 8 : i32
        %parallel_loop3A_468 = vector.broadcast %parallel_loop3A_467 : i32 to vector<16xi32>
        %parallel_loop3A_469 = arith.xori %parallel_loop3A_390, %parallel_loop3A_468 : vector<16xi32>
        %parallel_loop3A_470 = arith.constant 0 : i32
        %parallel_loop3A_471 = vector.broadcast %parallel_loop3A_470 : i32 to vector<16xi32>
        %parallel_loop3A_472 = arith.cmpi slt, %parallel_loop3A_469, %parallel_loop3A_471 : vector<16xi32>
        %parallel_loop3A_473 = arith.constant 16 : i32
        %parallel_loop3A_474 = vector.broadcast %parallel_loop3A_473 : i32 to vector<16xi32>
        %parallel_loop3A_475 = arith.addi %parallel_loop3A_469, %parallel_loop3A_474 : vector<16xi32>
        %parallel_loop3A_476 = arith.select %parallel_loop3A_472, %parallel_loop3A_475, %parallel_loop3A_469 : vector<16xi1>, vector<16xi32>
        %parallel_loop3A_477 = vector.shape_cast %parallel_loop3A_476 : vector<16xi32> to vector<16x1xi32>
        %parallel_loop3A_478 = vector.shape_cast %parallel_loop3A_477 : vector<16x1xi32> to vector<16xi32>
        %parallel_loop3A_479 = tpu.dynamic_gather %parallel_loop3A_129#12[%parallel_loop3A_478] in [0] : vector<16xf32>, vector<16xi32> -> vector<16xf32>
        %parallel_loop3A_480 = arith.addf %parallel_loop3A_129#12, %parallel_loop3A_479 : vector<16xf32>
        %parallel_loop3A_481 = arith.constant 8 : i32
        %parallel_loop3A_482 = vector.broadcast %parallel_loop3A_481 : i32 to vector<16xi32>
        %parallel_loop3A_483 = arith.xori %parallel_loop3A_390, %parallel_loop3A_482 : vector<16xi32>
        %parallel_loop3A_484 = arith.constant 0 : i32
        %parallel_loop3A_485 = vector.broadcast %parallel_loop3A_484 : i32 to vector<16xi32>
        %parallel_loop3A_486 = arith.cmpi slt, %parallel_loop3A_483, %parallel_loop3A_485 : vector<16xi32>
        %parallel_loop3A_487 = arith.constant 16 : i32
        %parallel_loop3A_488 = vector.broadcast %parallel_loop3A_487 : i32 to vector<16xi32>
        %parallel_loop3A_489 = arith.addi %parallel_loop3A_483, %parallel_loop3A_488 : vector<16xi32>
        %parallel_loop3A_490 = arith.select %parallel_loop3A_486, %parallel_loop3A_489, %parallel_loop3A_483 : vector<16xi1>, vector<16xi32>
        %parallel_loop3A_491 = vector.shape_cast %parallel_loop3A_490 : vector<16xi32> to vector<16x1xi32>
        %parallel_loop3A_492 = vector.shape_cast %parallel_loop3A_491 : vector<16x1xi32> to vector<16xi32>
        %parallel_loop3A_493 = tpu.dynamic_gather %parallel_loop3A_129#13[%parallel_loop3A_492] in [0] : vector<16xf32>, vector<16xi32> -> vector<16xf32>
        %parallel_loop3A_494 = arith.addf %parallel_loop3A_129#13, %parallel_loop3A_493 : vector<16xf32>
        %parallel_loop3A_495 = arith.select %parallel_loop3A_466, %parallel_loop3A_480, %parallel_loop3A_494 : vector<16xi1>, vector<16xf32>
        %parallel_loop3A_496 = arith.constant 8 : i32
        %parallel_loop3A_497 = vector.broadcast %parallel_loop3A_496 : i32 to vector<16xi32>
        %parallel_loop3A_498 = arith.andi %parallel_loop3A_390, %parallel_loop3A_497 : vector<16xi32>
        %parallel_loop3A_499 = arith.constant 0 : i32
        %parallel_loop3A_500 = vector.broadcast %parallel_loop3A_499 : i32 to vector<16xi32>
        %parallel_loop3A_501 = arith.cmpi eq, %parallel_loop3A_498, %parallel_loop3A_500 : vector<16xi32>
        %parallel_loop3A_502 = arith.constant 8 : i32
        %parallel_loop3A_503 = vector.broadcast %parallel_loop3A_502 : i32 to vector<16xi32>
        %parallel_loop3A_504 = arith.xori %parallel_loop3A_390, %parallel_loop3A_503 : vector<16xi32>
        %parallel_loop3A_505 = arith.constant 0 : i32
        %parallel_loop3A_506 = vector.broadcast %parallel_loop3A_505 : i32 to vector<16xi32>
        %parallel_loop3A_507 = arith.cmpi slt, %parallel_loop3A_504, %parallel_loop3A_506 : vector<16xi32>
        %parallel_loop3A_508 = arith.constant 16 : i32
        %parallel_loop3A_509 = vector.broadcast %parallel_loop3A_508 : i32 to vector<16xi32>
        %parallel_loop3A_510 = arith.addi %parallel_loop3A_504, %parallel_loop3A_509 : vector<16xi32>
        %parallel_loop3A_511 = arith.select %parallel_loop3A_507, %parallel_loop3A_510, %parallel_loop3A_504 : vector<16xi1>, vector<16xi32>
        %parallel_loop3A_512 = vector.shape_cast %parallel_loop3A_511 : vector<16xi32> to vector<16x1xi32>
        %parallel_loop3A_513 = vector.shape_cast %parallel_loop3A_512 : vector<16x1xi32> to vector<16xi32>
        %parallel_loop3A_514 = tpu.dynamic_gather %parallel_loop3A_129#14[%parallel_loop3A_513] in [0] : vector<16xf32>, vector<16xi32> -> vector<16xf32>
        %parallel_loop3A_515 = arith.addf %parallel_loop3A_129#14, %parallel_loop3A_514 : vector<16xf32>
        %parallel_loop3A_516 = arith.constant 8 : i32
        %parallel_loop3A_517 = vector.broadcast %parallel_loop3A_516 : i32 to vector<16xi32>
        %parallel_loop3A_518 = arith.xori %parallel_loop3A_390, %parallel_loop3A_517 : vector<16xi32>
        %parallel_loop3A_519 = arith.constant 0 : i32
        %parallel_loop3A_520 = vector.broadcast %parallel_loop3A_519 : i32 to vector<16xi32>
        %parallel_loop3A_521 = arith.cmpi slt, %parallel_loop3A_518, %parallel_loop3A_520 : vector<16xi32>
        %parallel_loop3A_522 = arith.constant 16 : i32
        %parallel_loop3A_523 = vector.broadcast %parallel_loop3A_522 : i32 to vector<16xi32>
        %parallel_loop3A_524 = arith.addi %parallel_loop3A_518, %parallel_loop3A_523 : vector<16xi32>
        %parallel_loop3A_525 = arith.select %parallel_loop3A_521, %parallel_loop3A_524, %parallel_loop3A_518 : vector<16xi1>, vector<16xi32>
        %parallel_loop3A_526 = vector.shape_cast %parallel_loop3A_525 : vector<16xi32> to vector<16x1xi32>
        %parallel_loop3A_527 = vector.shape_cast %parallel_loop3A_526 : vector<16x1xi32> to vector<16xi32>
        %parallel_loop3A_528 = tpu.dynamic_gather %parallel_loop3A_129#15[%parallel_loop3A_527] in [0] : vector<16xf32>, vector<16xi32> -> vector<16xf32>
        %parallel_loop3A_529 = arith.addf %parallel_loop3A_129#15, %parallel_loop3A_528 : vector<16xf32>
        %parallel_loop3A_530 = arith.select %parallel_loop3A_501, %parallel_loop3A_515, %parallel_loop3A_529 : vector<16xi1>, vector<16xf32>
        %parallel_loop3A_531 = arith.constant 4 : i32
        %parallel_loop3A_532 = vector.broadcast %parallel_loop3A_531 : i32 to vector<16xi32>
        %parallel_loop3A_533 = arith.andi %parallel_loop3A_390, %parallel_loop3A_532 : vector<16xi32>
        %parallel_loop3A_534 = arith.constant 0 : i32
        %parallel_loop3A_535 = vector.broadcast %parallel_loop3A_534 : i32 to vector<16xi32>
        %parallel_loop3A_536 = arith.cmpi eq, %parallel_loop3A_533, %parallel_loop3A_535 : vector<16xi32>
        %parallel_loop3A_537 = arith.constant 4 : i32
        %parallel_loop3A_538 = vector.broadcast %parallel_loop3A_537 : i32 to vector<16xi32>
        %parallel_loop3A_539 = arith.xori %parallel_loop3A_390, %parallel_loop3A_538 : vector<16xi32>
        %parallel_loop3A_540 = arith.constant 0 : i32
        %parallel_loop3A_541 = vector.broadcast %parallel_loop3A_540 : i32 to vector<16xi32>
        %parallel_loop3A_542 = arith.cmpi slt, %parallel_loop3A_539, %parallel_loop3A_541 : vector<16xi32>
        %parallel_loop3A_543 = arith.constant 16 : i32
        %parallel_loop3A_544 = vector.broadcast %parallel_loop3A_543 : i32 to vector<16xi32>
        %parallel_loop3A_545 = arith.addi %parallel_loop3A_539, %parallel_loop3A_544 : vector<16xi32>
        %parallel_loop3A_546 = arith.select %parallel_loop3A_542, %parallel_loop3A_545, %parallel_loop3A_539 : vector<16xi1>, vector<16xi32>
        %parallel_loop3A_547 = vector.shape_cast %parallel_loop3A_546 : vector<16xi32> to vector<16x1xi32>
        %parallel_loop3A_548 = vector.shape_cast %parallel_loop3A_547 : vector<16x1xi32> to vector<16xi32>
        %parallel_loop3A_549 = tpu.dynamic_gather %parallel_loop3A_425[%parallel_loop3A_548] in [0] : vector<16xf32>, vector<16xi32> -> vector<16xf32>
        %parallel_loop3A_550 = arith.addf %parallel_loop3A_425, %parallel_loop3A_549 : vector<16xf32>
        %parallel_loop3A_551 = arith.constant 4 : i32
        %parallel_loop3A_552 = vector.broadcast %parallel_loop3A_551 : i32 to vector<16xi32>
        %parallel_loop3A_553 = arith.xori %parallel_loop3A_390, %parallel_loop3A_552 : vector<16xi32>
        %parallel_loop3A_554 = arith.constant 0 : i32
        %parallel_loop3A_555 = vector.broadcast %parallel_loop3A_554 : i32 to vector<16xi32>
        %parallel_loop3A_556 = arith.cmpi slt, %parallel_loop3A_553, %parallel_loop3A_555 : vector<16xi32>
        %parallel_loop3A_557 = arith.constant 16 : i32
        %parallel_loop3A_558 = vector.broadcast %parallel_loop3A_557 : i32 to vector<16xi32>
        %parallel_loop3A_559 = arith.addi %parallel_loop3A_553, %parallel_loop3A_558 : vector<16xi32>
        %parallel_loop3A_560 = arith.select %parallel_loop3A_556, %parallel_loop3A_559, %parallel_loop3A_553 : vector<16xi1>, vector<16xi32>
        %parallel_loop3A_561 = vector.shape_cast %parallel_loop3A_560 : vector<16xi32> to vector<16x1xi32>
        %parallel_loop3A_562 = vector.shape_cast %parallel_loop3A_561 : vector<16x1xi32> to vector<16xi32>
        %parallel_loop3A_563 = tpu.dynamic_gather %parallel_loop3A_460[%parallel_loop3A_562] in [0] : vector<16xf32>, vector<16xi32> -> vector<16xf32>
        %parallel_loop3A_564 = arith.addf %parallel_loop3A_460, %parallel_loop3A_563 : vector<16xf32>
        %parallel_loop3A_565 = arith.select %parallel_loop3A_536, %parallel_loop3A_550, %parallel_loop3A_564 : vector<16xi1>, vector<16xf32>
        %parallel_loop3A_566 = arith.constant 4 : i32
        %parallel_loop3A_567 = vector.broadcast %parallel_loop3A_566 : i32 to vector<16xi32>
        %parallel_loop3A_568 = arith.andi %parallel_loop3A_390, %parallel_loop3A_567 : vector<16xi32>
        %parallel_loop3A_569 = arith.constant 0 : i32
        %parallel_loop3A_570 = vector.broadcast %parallel_loop3A_569 : i32 to vector<16xi32>
        %parallel_loop3A_571 = arith.cmpi eq, %parallel_loop3A_568, %parallel_loop3A_570 : vector<16xi32>
        %parallel_loop3A_572 = arith.constant 4 : i32
        %parallel_loop3A_573 = vector.broadcast %parallel_loop3A_572 : i32 to vector<16xi32>
        %parallel_loop3A_574 = arith.xori %parallel_loop3A_390, %parallel_loop3A_573 : vector<16xi32>
        %parallel_loop3A_575 = arith.constant 0 : i32
        %parallel_loop3A_576 = vector.broadcast %parallel_loop3A_575 : i32 to vector<16xi32>
        %parallel_loop3A_577 = arith.cmpi slt, %parallel_loop3A_574, %parallel_loop3A_576 : vector<16xi32>
        %parallel_loop3A_578 = arith.constant 16 : i32
        %parallel_loop3A_579 = vector.broadcast %parallel_loop3A_578 : i32 to vector<16xi32>
        %parallel_loop3A_580 = arith.addi %parallel_loop3A_574, %parallel_loop3A_579 : vector<16xi32>
        %parallel_loop3A_581 = arith.select %parallel_loop3A_577, %parallel_loop3A_580, %parallel_loop3A_574 : vector<16xi1>, vector<16xi32>
        %parallel_loop3A_582 = vector.shape_cast %parallel_loop3A_581 : vector<16xi32> to vector<16x1xi32>
        %parallel_loop3A_583 = vector.shape_cast %parallel_loop3A_582 : vector<16x1xi32> to vector<16xi32>
        %parallel_loop3A_584 = tpu.dynamic_gather %parallel_loop3A_495[%parallel_loop3A_583] in [0] : vector<16xf32>, vector<16xi32> -> vector<16xf32>
        %parallel_loop3A_585 = arith.addf %parallel_loop3A_495, %parallel_loop3A_584 : vector<16xf32>
        %parallel_loop3A_586 = arith.constant 4 : i32
        %parallel_loop3A_587 = vector.broadcast %parallel_loop3A_586 : i32 to vector<16xi32>
        %parallel_loop3A_588 = arith.xori %parallel_loop3A_390, %parallel_loop3A_587 : vector<16xi32>
        %parallel_loop3A_589 = arith.constant 0 : i32
        %parallel_loop3A_590 = vector.broadcast %parallel_loop3A_589 : i32 to vector<16xi32>
        %parallel_loop3A_591 = arith.cmpi slt, %parallel_loop3A_588, %parallel_loop3A_590 : vector<16xi32>
        %parallel_loop3A_592 = arith.constant 16 : i32
        %parallel_loop3A_593 = vector.broadcast %parallel_loop3A_592 : i32 to vector<16xi32>
        %parallel_loop3A_594 = arith.addi %parallel_loop3A_588, %parallel_loop3A_593 : vector<16xi32>
        %parallel_loop3A_595 = arith.select %parallel_loop3A_591, %parallel_loop3A_594, %parallel_loop3A_588 : vector<16xi1>, vector<16xi32>
        %parallel_loop3A_596 = vector.shape_cast %parallel_loop3A_595 : vector<16xi32> to vector<16x1xi32>
        %parallel_loop3A_597 = vector.shape_cast %parallel_loop3A_596 : vector<16x1xi32> to vector<16xi32>
        %parallel_loop3A_598 = tpu.dynamic_gather %parallel_loop3A_530[%parallel_loop3A_597] in [0] : vector<16xf32>, vector<16xi32> -> vector<16xf32>
        %parallel_loop3A_599 = arith.addf %parallel_loop3A_530, %parallel_loop3A_598 : vector<16xf32>
        %parallel_loop3A_600 = arith.select %parallel_loop3A_571, %parallel_loop3A_585, %parallel_loop3A_599 : vector<16xi1>, vector<16xf32>
        %parallel_loop3A_601 = arith.constant 2 : i32
        %parallel_loop3A_602 = vector.broadcast %parallel_loop3A_601 : i32 to vector<16xi32>
        %parallel_loop3A_603 = arith.andi %parallel_loop3A_390, %parallel_loop3A_602 : vector<16xi32>
        %parallel_loop3A_604 = arith.constant 0 : i32
        %parallel_loop3A_605 = vector.broadcast %parallel_loop3A_604 : i32 to vector<16xi32>
        %parallel_loop3A_606 = arith.cmpi eq, %parallel_loop3A_603, %parallel_loop3A_605 : vector<16xi32>
        %parallel_loop3A_607 = arith.constant 2 : i32
        %parallel_loop3A_608 = vector.broadcast %parallel_loop3A_607 : i32 to vector<16xi32>
        %parallel_loop3A_609 = arith.xori %parallel_loop3A_390, %parallel_loop3A_608 : vector<16xi32>
        %parallel_loop3A_610 = arith.constant 0 : i32
        %parallel_loop3A_611 = vector.broadcast %parallel_loop3A_610 : i32 to vector<16xi32>
        %parallel_loop3A_612 = arith.cmpi slt, %parallel_loop3A_609, %parallel_loop3A_611 : vector<16xi32>
        %parallel_loop3A_613 = arith.constant 16 : i32
        %parallel_loop3A_614 = vector.broadcast %parallel_loop3A_613 : i32 to vector<16xi32>
        %parallel_loop3A_615 = arith.addi %parallel_loop3A_609, %parallel_loop3A_614 : vector<16xi32>
        %parallel_loop3A_616 = arith.select %parallel_loop3A_612, %parallel_loop3A_615, %parallel_loop3A_609 : vector<16xi1>, vector<16xi32>
        %parallel_loop3A_617 = vector.shape_cast %parallel_loop3A_616 : vector<16xi32> to vector<16x1xi32>
        %parallel_loop3A_618 = vector.shape_cast %parallel_loop3A_617 : vector<16x1xi32> to vector<16xi32>
        %parallel_loop3A_619 = tpu.dynamic_gather %parallel_loop3A_565[%parallel_loop3A_618] in [0] : vector<16xf32>, vector<16xi32> -> vector<16xf32>
        %parallel_loop3A_620 = arith.addf %parallel_loop3A_565, %parallel_loop3A_619 : vector<16xf32>
        %parallel_loop3A_621 = arith.constant 2 : i32
        %parallel_loop3A_622 = vector.broadcast %parallel_loop3A_621 : i32 to vector<16xi32>
        %parallel_loop3A_623 = arith.xori %parallel_loop3A_390, %parallel_loop3A_622 : vector<16xi32>
        %parallel_loop3A_624 = arith.constant 0 : i32
        %parallel_loop3A_625 = vector.broadcast %parallel_loop3A_624 : i32 to vector<16xi32>
        %parallel_loop3A_626 = arith.cmpi slt, %parallel_loop3A_623, %parallel_loop3A_625 : vector<16xi32>
        %parallel_loop3A_627 = arith.constant 16 : i32
        %parallel_loop3A_628 = vector.broadcast %parallel_loop3A_627 : i32 to vector<16xi32>
        %parallel_loop3A_629 = arith.addi %parallel_loop3A_623, %parallel_loop3A_628 : vector<16xi32>
        %parallel_loop3A_630 = arith.select %parallel_loop3A_626, %parallel_loop3A_629, %parallel_loop3A_623 : vector<16xi1>, vector<16xi32>
        %parallel_loop3A_631 = vector.shape_cast %parallel_loop3A_630 : vector<16xi32> to vector<16x1xi32>
        %parallel_loop3A_632 = vector.shape_cast %parallel_loop3A_631 : vector<16x1xi32> to vector<16xi32>
        %parallel_loop3A_633 = tpu.dynamic_gather %parallel_loop3A_600[%parallel_loop3A_632] in [0] : vector<16xf32>, vector<16xi32> -> vector<16xf32>
        %parallel_loop3A_634 = arith.addf %parallel_loop3A_600, %parallel_loop3A_633 : vector<16xf32>
        %parallel_loop3A_635 = arith.select %parallel_loop3A_606, %parallel_loop3A_620, %parallel_loop3A_634 : vector<16xi1>, vector<16xf32>
        %parallel_loop3A_636 = arith.constant 1 : i32
        %parallel_loop3A_637 = vector.broadcast %parallel_loop3A_636 : i32 to vector<16xi32>
        %parallel_loop3A_638 = arith.xori %parallel_loop3A_390, %parallel_loop3A_637 : vector<16xi32>
        %parallel_loop3A_639 = arith.constant 0 : i32
        %parallel_loop3A_640 = vector.broadcast %parallel_loop3A_639 : i32 to vector<16xi32>
        %parallel_loop3A_641 = arith.cmpi slt, %parallel_loop3A_638, %parallel_loop3A_640 : vector<16xi32>
        %parallel_loop3A_642 = arith.constant 16 : i32
        %parallel_loop3A_643 = vector.broadcast %parallel_loop3A_642 : i32 to vector<16xi32>
        %parallel_loop3A_644 = arith.addi %parallel_loop3A_638, %parallel_loop3A_643 : vector<16xi32>
        %parallel_loop3A_645 = arith.select %parallel_loop3A_641, %parallel_loop3A_644, %parallel_loop3A_638 : vector<16xi1>, vector<16xi32>
        %parallel_loop3A_646 = vector.shape_cast %parallel_loop3A_645 : vector<16xi32> to vector<16x1xi32>
        %parallel_loop3A_647 = vector.shape_cast %parallel_loop3A_646 : vector<16x1xi32> to vector<16xi32>
        %parallel_loop3A_648 = tpu.dynamic_gather %parallel_loop3A_635[%parallel_loop3A_647] in [0] : vector<16xf32>, vector<16xi32> -> vector<16xf32>
        %parallel_loop3A_649 = arith.addf %parallel_loop3A_635, %parallel_loop3A_648 : vector<16xf32>
        %parallel_loop3A_650 = arith.constant 0.00130208337 : f32
        %parallel_loop3A_651 = vector.broadcast %parallel_loop3A_650 : f32 to vector<16xf32>
        %parallel_loop3A_652 = arith.mulf %parallel_loop3A_389, %parallel_loop3A_651 : vector<16xf32>
        %parallel_loop3A_653 = arith.constant 0.00130208337 : f32
        %parallel_loop3A_654 = vector.broadcast %parallel_loop3A_653 : f32 to vector<16xf32>
        %parallel_loop3A_655 = arith.mulf %parallel_loop3A_649, %parallel_loop3A_654 : vector<16xf32>
        %parallel_loop3A_656 = arith.mulf %parallel_loop3A_652, %parallel_loop3A_652 : vector<16xf32>
        %parallel_loop3A_657 = arith.subf %parallel_loop3A_655, %parallel_loop3A_656 : vector<16xf32>
        %parallel_loop3A_658 = arith.constant 9.99999974E-6 : f32
        %parallel_loop3A_659 = vector.broadcast %parallel_loop3A_658 : f32 to vector<16xf32>
        %parallel_loop3A_660 = arith.addf %parallel_loop3A_657, %parallel_loop3A_659 : vector<16xf32>
        %parallel_loop3A_661 = tpu.bitcast %parallel_loop3A_660 : vector<16xf32> -> vector<16xi32>
        %parallel_loop3A_662 = arith.constant 1597463007 : i32
        %parallel_loop3A_663 = vector.broadcast %parallel_loop3A_662 : i32 to vector<16xi32>
        %parallel_loop3A_664 = arith.constant 1 : i32
        %parallel_loop3A_665 = vector.broadcast %parallel_loop3A_664 : i32 to vector<16xi32>
        %parallel_loop3A_666 = arith.shrsi %parallel_loop3A_661, %parallel_loop3A_665 : vector<16xi32>
        %parallel_loop3A_667 = arith.subi %parallel_loop3A_663, %parallel_loop3A_666 : vector<16xi32>
        %parallel_loop3A_668 = tpu.bitcast %parallel_loop3A_667 : vector<16xi32> -> vector<16xf32>
        %parallel_loop3A_669 = arith.constant 5.000000e-01 : f32
        %parallel_loop3A_670 = vector.broadcast %parallel_loop3A_669 : f32 to vector<16xf32>
        %parallel_loop3A_671 = arith.mulf %parallel_loop3A_670, %parallel_loop3A_660 : vector<16xf32>
        %parallel_loop3A_672 = arith.mulf %parallel_loop3A_671, %parallel_loop3A_668 : vector<16xf32>
        %parallel_loop3A_673 = arith.mulf %parallel_loop3A_672, %parallel_loop3A_668 : vector<16xf32>
        %parallel_loop3A_674 = arith.constant 1.500000e+00 : f32
        %parallel_loop3A_675 = vector.broadcast %parallel_loop3A_674 : f32 to vector<16xf32>
        %parallel_loop3A_676 = arith.subf %parallel_loop3A_675, %parallel_loop3A_673 : vector<16xf32>
        %parallel_loop3A_677 = arith.mulf %parallel_loop3A_668, %parallel_loop3A_676 : vector<16xf32>
        %parallel_loop3A_678 = arith.constant 5.000000e-01 : f32
        %parallel_loop3A_679 = vector.broadcast %parallel_loop3A_678 : f32 to vector<16xf32>
        %parallel_loop3A_680 = arith.mulf %parallel_loop3A_679, %parallel_loop3A_660 : vector<16xf32>
        %parallel_loop3A_681 = arith.mulf %parallel_loop3A_680, %parallel_loop3A_677 : vector<16xf32>
        %parallel_loop3A_682 = arith.mulf %parallel_loop3A_681, %parallel_loop3A_677 : vector<16xf32>
        %parallel_loop3A_683 = arith.constant 1.500000e+00 : f32
        %parallel_loop3A_684 = vector.broadcast %parallel_loop3A_683 : f32 to vector<16xf32>
        %parallel_loop3A_685 = arith.subf %parallel_loop3A_684, %parallel_loop3A_682 : vector<16xf32>
        %parallel_loop3A_686 = arith.mulf %parallel_loop3A_677, %parallel_loop3A_685 : vector<16xf32>
        %parallel_loop3A_687 = arith.constant 5.000000e-01 : f32
        %parallel_loop3A_688 = vector.broadcast %parallel_loop3A_687 : f32 to vector<16xf32>
        %parallel_loop3A_689 = arith.mulf %parallel_loop3A_688, %parallel_loop3A_660 : vector<16xf32>
        %parallel_loop3A_690 = arith.mulf %parallel_loop3A_689, %parallel_loop3A_686 : vector<16xf32>
        %parallel_loop3A_691 = arith.mulf %parallel_loop3A_690, %parallel_loop3A_686 : vector<16xf32>
        %parallel_loop3A_692 = arith.constant 1.500000e+00 : f32
        %parallel_loop3A_693 = vector.broadcast %parallel_loop3A_692 : f32 to vector<16xf32>
        %parallel_loop3A_694 = arith.subf %parallel_loop3A_693, %parallel_loop3A_691 : vector<16xf32>
        %parallel_loop3A_695 = arith.mulf %parallel_loop3A_686, %parallel_loop3A_694 : vector<16xf32>
        %parallel_loop3A_696 = arith.constant 0.000000e+00 : f32
        %parallel_loop3A_697 = vector.broadcast %parallel_loop3A_696 : f32 to vector<16xf32>
        %parallel_loop3A_698 = arith.subf %parallel_loop3A_697, %parallel_loop3A_652 : vector<16xf32>
        %parallel_loop3A_699 = arith.mulf %parallel_loop3A_698, %parallel_loop3A_695 : vector<16xf32>
        %parallel_loop3A_700 = arith.constant 0 : i32
        %parallel_loop3A_701 = vector.broadcast %parallel_loop3A_700 : i32 to vector<16xi32>
        %parallel_loop3A_702 = arith.constant 0 : i32
        %parallel_loop3A_703 = vector.broadcast %parallel_loop3A_702 : i32 to vector<16xi32>
        %parallel_loop3A_704 = arith.cmpi slt, %parallel_loop3A_701, %parallel_loop3A_703 : vector<16xi32>
        %parallel_loop3A_705 = arith.constant 16 : i32
        %parallel_loop3A_706 = vector.broadcast %parallel_loop3A_705 : i32 to vector<16xi32>
        %parallel_loop3A_707 = arith.addi %parallel_loop3A_701, %parallel_loop3A_706 : vector<16xi32>
        %parallel_loop3A_708 = arith.select %parallel_loop3A_704, %parallel_loop3A_707, %parallel_loop3A_701 : vector<16xi1>, vector<16xi32>
        %parallel_loop3A_709 = vector.shape_cast %parallel_loop3A_708 : vector<16xi32> to vector<16x1xi32>
        %parallel_loop3A_710 = vector.shape_cast %parallel_loop3A_709 : vector<16x1xi32> to vector<16xi32>
        %parallel_loop3A_711 = tpu.dynamic_gather %parallel_loop3A_695[%parallel_loop3A_710] in [0] : vector<16xf32>, vector<16xi32> -> vector<16xf32>
        %parallel_loop3A_712 = arith.constant 0 : i32
        %parallel_loop3A_713 = vector.broadcast %parallel_loop3A_712 : i32 to vector<16xi32>
        %parallel_loop3A_714 = arith.cmpi slt, %parallel_loop3A_701, %parallel_loop3A_713 : vector<16xi32>
        %parallel_loop3A_715 = arith.constant 16 : i32
        %parallel_loop3A_716 = vector.broadcast %parallel_loop3A_715 : i32 to vector<16xi32>
        %parallel_loop3A_717 = arith.addi %parallel_loop3A_701, %parallel_loop3A_716 : vector<16xi32>
        %parallel_loop3A_718 = arith.select %parallel_loop3A_714, %parallel_loop3A_717, %parallel_loop3A_701 : vector<16xi1>, vector<16xi32>
        %parallel_loop3A_719 = vector.shape_cast %parallel_loop3A_718 : vector<16xi32> to vector<16x1xi32>
        %parallel_loop3A_720 = vector.shape_cast %parallel_loop3A_719 : vector<16x1xi32> to vector<16xi32>
        %parallel_loop3A_721 = tpu.dynamic_gather %parallel_loop3A_699[%parallel_loop3A_720] in [0] : vector<16xf32>, vector<16xi32> -> vector<16xf32>
        %parallel_loop3A_722 = arith.constant 8 : i32
        %parallel_loop3A_723 = vector.broadcast %parallel_loop3A_722 : i32 to vector<16xi32>
        %parallel_loop3A_724 = arith.constant 0 : i32
        %parallel_loop3A_725 = vector.broadcast %parallel_loop3A_724 : i32 to vector<16xi32>
        %parallel_loop3A_726 = arith.cmpi slt, %parallel_loop3A_723, %parallel_loop3A_725 : vector<16xi32>
        %parallel_loop3A_727 = arith.constant 16 : i32
        %parallel_loop3A_728 = vector.broadcast %parallel_loop3A_727 : i32 to vector<16xi32>
        %parallel_loop3A_729 = arith.addi %parallel_loop3A_723, %parallel_loop3A_728 : vector<16xi32>
        %parallel_loop3A_730 = arith.select %parallel_loop3A_726, %parallel_loop3A_729, %parallel_loop3A_723 : vector<16xi1>, vector<16xi32>
        %parallel_loop3A_731 = vector.shape_cast %parallel_loop3A_730 : vector<16xi32> to vector<16x1xi32>
        %parallel_loop3A_732 = vector.shape_cast %parallel_loop3A_731 : vector<16x1xi32> to vector<16xi32>
        %parallel_loop3A_733 = tpu.dynamic_gather %parallel_loop3A_695[%parallel_loop3A_732] in [0] : vector<16xf32>, vector<16xi32> -> vector<16xf32>
        %parallel_loop3A_734 = arith.constant 0 : i32
        %parallel_loop3A_735 = vector.broadcast %parallel_loop3A_734 : i32 to vector<16xi32>
        %parallel_loop3A_736 = arith.cmpi slt, %parallel_loop3A_723, %parallel_loop3A_735 : vector<16xi32>
        %parallel_loop3A_737 = arith.constant 16 : i32
        %parallel_loop3A_738 = vector.broadcast %parallel_loop3A_737 : i32 to vector<16xi32>
        %parallel_loop3A_739 = arith.addi %parallel_loop3A_723, %parallel_loop3A_738 : vector<16xi32>
        %parallel_loop3A_740 = arith.select %parallel_loop3A_736, %parallel_loop3A_739, %parallel_loop3A_723 : vector<16xi1>, vector<16xi32>
        %parallel_loop3A_741 = vector.shape_cast %parallel_loop3A_740 : vector<16xi32> to vector<16x1xi32>
        %parallel_loop3A_742 = vector.shape_cast %parallel_loop3A_741 : vector<16x1xi32> to vector<16xi32>
        %parallel_loop3A_743 = tpu.dynamic_gather %parallel_loop3A_699[%parallel_loop3A_742] in [0] : vector<16xf32>, vector<16xi32> -> vector<16xf32>
        %parallel_loop3A_744 = arith.constant 4 : i32
        %parallel_loop3A_745 = vector.broadcast %parallel_loop3A_744 : i32 to vector<16xi32>
        %parallel_loop3A_746 = arith.constant 0 : i32
        %parallel_loop3A_747 = vector.broadcast %parallel_loop3A_746 : i32 to vector<16xi32>
        %parallel_loop3A_748 = arith.cmpi slt, %parallel_loop3A_745, %parallel_loop3A_747 : vector<16xi32>
        %parallel_loop3A_749 = arith.constant 16 : i32
        %parallel_loop3A_750 = vector.broadcast %parallel_loop3A_749 : i32 to vector<16xi32>
        %parallel_loop3A_751 = arith.addi %parallel_loop3A_745, %parallel_loop3A_750 : vector<16xi32>
        %parallel_loop3A_752 = arith.select %parallel_loop3A_748, %parallel_loop3A_751, %parallel_loop3A_745 : vector<16xi1>, vector<16xi32>
        %parallel_loop3A_753 = vector.shape_cast %parallel_loop3A_752 : vector<16xi32> to vector<16x1xi32>
        %parallel_loop3A_754 = vector.shape_cast %parallel_loop3A_753 : vector<16x1xi32> to vector<16xi32>
        %parallel_loop3A_755 = tpu.dynamic_gather %parallel_loop3A_695[%parallel_loop3A_754] in [0] : vector<16xf32>, vector<16xi32> -> vector<16xf32>
        %parallel_loop3A_756 = arith.constant 0 : i32
        %parallel_loop3A_757 = vector.broadcast %parallel_loop3A_756 : i32 to vector<16xi32>
        %parallel_loop3A_758 = arith.cmpi slt, %parallel_loop3A_745, %parallel_loop3A_757 : vector<16xi32>
        %parallel_loop3A_759 = arith.constant 16 : i32
        %parallel_loop3A_760 = vector.broadcast %parallel_loop3A_759 : i32 to vector<16xi32>
        %parallel_loop3A_761 = arith.addi %parallel_loop3A_745, %parallel_loop3A_760 : vector<16xi32>
        %parallel_loop3A_762 = arith.select %parallel_loop3A_758, %parallel_loop3A_761, %parallel_loop3A_745 : vector<16xi1>, vector<16xi32>
        %parallel_loop3A_763 = vector.shape_cast %parallel_loop3A_762 : vector<16xi32> to vector<16x1xi32>
        %parallel_loop3A_764 = vector.shape_cast %parallel_loop3A_763 : vector<16x1xi32> to vector<16xi32>
        %parallel_loop3A_765 = tpu.dynamic_gather %parallel_loop3A_699[%parallel_loop3A_764] in [0] : vector<16xf32>, vector<16xi32> -> vector<16xf32>
        %parallel_loop3A_766 = arith.constant 12 : i32
        %parallel_loop3A_767 = vector.broadcast %parallel_loop3A_766 : i32 to vector<16xi32>
        %parallel_loop3A_768 = arith.constant 0 : i32
        %parallel_loop3A_769 = vector.broadcast %parallel_loop3A_768 : i32 to vector<16xi32>
        %parallel_loop3A_770 = arith.cmpi slt, %parallel_loop3A_767, %parallel_loop3A_769 : vector<16xi32>
        %parallel_loop3A_771 = arith.constant 16 : i32
        %parallel_loop3A_772 = vector.broadcast %parallel_loop3A_771 : i32 to vector<16xi32>
        %parallel_loop3A_773 = arith.addi %parallel_loop3A_767, %parallel_loop3A_772 : vector<16xi32>
        %parallel_loop3A_774 = arith.select %parallel_loop3A_770, %parallel_loop3A_773, %parallel_loop3A_767 : vector<16xi1>, vector<16xi32>
        %parallel_loop3A_775 = vector.shape_cast %parallel_loop3A_774 : vector<16xi32> to vector<16x1xi32>
        %parallel_loop3A_776 = vector.shape_cast %parallel_loop3A_775 : vector<16x1xi32> to vector<16xi32>
        %parallel_loop3A_777 = tpu.dynamic_gather %parallel_loop3A_695[%parallel_loop3A_776] in [0] : vector<16xf32>, vector<16xi32> -> vector<16xf32>
        %parallel_loop3A_778 = arith.constant 0 : i32
        %parallel_loop3A_779 = vector.broadcast %parallel_loop3A_778 : i32 to vector<16xi32>
        %parallel_loop3A_780 = arith.cmpi slt, %parallel_loop3A_767, %parallel_loop3A_779 : vector<16xi32>
        %parallel_loop3A_781 = arith.constant 16 : i32
        %parallel_loop3A_782 = vector.broadcast %parallel_loop3A_781 : i32 to vector<16xi32>
        %parallel_loop3A_783 = arith.addi %parallel_loop3A_767, %parallel_loop3A_782 : vector<16xi32>
        %parallel_loop3A_784 = arith.select %parallel_loop3A_780, %parallel_loop3A_783, %parallel_loop3A_767 : vector<16xi1>, vector<16xi32>
        %parallel_loop3A_785 = vector.shape_cast %parallel_loop3A_784 : vector<16xi32> to vector<16x1xi32>
        %parallel_loop3A_786 = vector.shape_cast %parallel_loop3A_785 : vector<16x1xi32> to vector<16xi32>
        %parallel_loop3A_787 = tpu.dynamic_gather %parallel_loop3A_699[%parallel_loop3A_786] in [0] : vector<16xf32>, vector<16xi32> -> vector<16xf32>
        %parallel_loop3A_788 = arith.constant 2 : i32
        %parallel_loop3A_789 = vector.broadcast %parallel_loop3A_788 : i32 to vector<16xi32>
        %parallel_loop3A_790 = arith.constant 0 : i32
        %parallel_loop3A_791 = vector.broadcast %parallel_loop3A_790 : i32 to vector<16xi32>
        %parallel_loop3A_792 = arith.cmpi slt, %parallel_loop3A_789, %parallel_loop3A_791 : vector<16xi32>
        %parallel_loop3A_793 = arith.constant 16 : i32
        %parallel_loop3A_794 = vector.broadcast %parallel_loop3A_793 : i32 to vector<16xi32>
        %parallel_loop3A_795 = arith.addi %parallel_loop3A_789, %parallel_loop3A_794 : vector<16xi32>
        %parallel_loop3A_796 = arith.select %parallel_loop3A_792, %parallel_loop3A_795, %parallel_loop3A_789 : vector<16xi1>, vector<16xi32>
        %parallel_loop3A_797 = vector.shape_cast %parallel_loop3A_796 : vector<16xi32> to vector<16x1xi32>
        %parallel_loop3A_798 = vector.shape_cast %parallel_loop3A_797 : vector<16x1xi32> to vector<16xi32>
        %parallel_loop3A_799 = tpu.dynamic_gather %parallel_loop3A_695[%parallel_loop3A_798] in [0] : vector<16xf32>, vector<16xi32> -> vector<16xf32>
        %parallel_loop3A_800 = arith.constant 0 : i32
        %parallel_loop3A_801 = vector.broadcast %parallel_loop3A_800 : i32 to vector<16xi32>
        %parallel_loop3A_802 = arith.cmpi slt, %parallel_loop3A_789, %parallel_loop3A_801 : vector<16xi32>
        %parallel_loop3A_803 = arith.constant 16 : i32
        %parallel_loop3A_804 = vector.broadcast %parallel_loop3A_803 : i32 to vector<16xi32>
        %parallel_loop3A_805 = arith.addi %parallel_loop3A_789, %parallel_loop3A_804 : vector<16xi32>
        %parallel_loop3A_806 = arith.select %parallel_loop3A_802, %parallel_loop3A_805, %parallel_loop3A_789 : vector<16xi1>, vector<16xi32>
        %parallel_loop3A_807 = vector.shape_cast %parallel_loop3A_806 : vector<16xi32> to vector<16x1xi32>
        %parallel_loop3A_808 = vector.shape_cast %parallel_loop3A_807 : vector<16x1xi32> to vector<16xi32>
        %parallel_loop3A_809 = tpu.dynamic_gather %parallel_loop3A_699[%parallel_loop3A_808] in [0] : vector<16xf32>, vector<16xi32> -> vector<16xf32>
        %parallel_loop3A_810 = arith.constant 10 : i32
        %parallel_loop3A_811 = vector.broadcast %parallel_loop3A_810 : i32 to vector<16xi32>
        %parallel_loop3A_812 = arith.constant 0 : i32
        %parallel_loop3A_813 = vector.broadcast %parallel_loop3A_812 : i32 to vector<16xi32>
        %parallel_loop3A_814 = arith.cmpi slt, %parallel_loop3A_811, %parallel_loop3A_813 : vector<16xi32>
        %parallel_loop3A_815 = arith.constant 16 : i32
        %parallel_loop3A_816 = vector.broadcast %parallel_loop3A_815 : i32 to vector<16xi32>
        %parallel_loop3A_817 = arith.addi %parallel_loop3A_811, %parallel_loop3A_816 : vector<16xi32>
        %parallel_loop3A_818 = arith.select %parallel_loop3A_814, %parallel_loop3A_817, %parallel_loop3A_811 : vector<16xi1>, vector<16xi32>
        %parallel_loop3A_819 = vector.shape_cast %parallel_loop3A_818 : vector<16xi32> to vector<16x1xi32>
        %parallel_loop3A_820 = vector.shape_cast %parallel_loop3A_819 : vector<16x1xi32> to vector<16xi32>
        %parallel_loop3A_821 = tpu.dynamic_gather %parallel_loop3A_695[%parallel_loop3A_820] in [0] : vector<16xf32>, vector<16xi32> -> vector<16xf32>
        %parallel_loop3A_822 = arith.constant 0 : i32
        %parallel_loop3A_823 = vector.broadcast %parallel_loop3A_822 : i32 to vector<16xi32>
        %parallel_loop3A_824 = arith.cmpi slt, %parallel_loop3A_811, %parallel_loop3A_823 : vector<16xi32>
        %parallel_loop3A_825 = arith.constant 16 : i32
        %parallel_loop3A_826 = vector.broadcast %parallel_loop3A_825 : i32 to vector<16xi32>
        %parallel_loop3A_827 = arith.addi %parallel_loop3A_811, %parallel_loop3A_826 : vector<16xi32>
        %parallel_loop3A_828 = arith.select %parallel_loop3A_824, %parallel_loop3A_827, %parallel_loop3A_811 : vector<16xi1>, vector<16xi32>
        %parallel_loop3A_829 = vector.shape_cast %parallel_loop3A_828 : vector<16xi32> to vector<16x1xi32>
        %parallel_loop3A_830 = vector.shape_cast %parallel_loop3A_829 : vector<16x1xi32> to vector<16xi32>
        %parallel_loop3A_831 = tpu.dynamic_gather %parallel_loop3A_699[%parallel_loop3A_830] in [0] : vector<16xf32>, vector<16xi32> -> vector<16xf32>
        %parallel_loop3A_832 = arith.constant 6 : i32
        %parallel_loop3A_833 = vector.broadcast %parallel_loop3A_832 : i32 to vector<16xi32>
        %parallel_loop3A_834 = arith.constant 0 : i32
        %parallel_loop3A_835 = vector.broadcast %parallel_loop3A_834 : i32 to vector<16xi32>
        %parallel_loop3A_836 = arith.cmpi slt, %parallel_loop3A_833, %parallel_loop3A_835 : vector<16xi32>
        %parallel_loop3A_837 = arith.constant 16 : i32
        %parallel_loop3A_838 = vector.broadcast %parallel_loop3A_837 : i32 to vector<16xi32>
        %parallel_loop3A_839 = arith.addi %parallel_loop3A_833, %parallel_loop3A_838 : vector<16xi32>
        %parallel_loop3A_840 = arith.select %parallel_loop3A_836, %parallel_loop3A_839, %parallel_loop3A_833 : vector<16xi1>, vector<16xi32>
        %parallel_loop3A_841 = vector.shape_cast %parallel_loop3A_840 : vector<16xi32> to vector<16x1xi32>
        %parallel_loop3A_842 = vector.shape_cast %parallel_loop3A_841 : vector<16x1xi32> to vector<16xi32>
        %parallel_loop3A_843 = tpu.dynamic_gather %parallel_loop3A_695[%parallel_loop3A_842] in [0] : vector<16xf32>, vector<16xi32> -> vector<16xf32>
        %parallel_loop3A_844 = arith.constant 0 : i32
        %parallel_loop3A_845 = vector.broadcast %parallel_loop3A_844 : i32 to vector<16xi32>
        %parallel_loop3A_846 = arith.cmpi slt, %parallel_loop3A_833, %parallel_loop3A_845 : vector<16xi32>
        %parallel_loop3A_847 = arith.constant 16 : i32
        %parallel_loop3A_848 = vector.broadcast %parallel_loop3A_847 : i32 to vector<16xi32>
        %parallel_loop3A_849 = arith.addi %parallel_loop3A_833, %parallel_loop3A_848 : vector<16xi32>
        %parallel_loop3A_850 = arith.select %parallel_loop3A_846, %parallel_loop3A_849, %parallel_loop3A_833 : vector<16xi1>, vector<16xi32>
        %parallel_loop3A_851 = vector.shape_cast %parallel_loop3A_850 : vector<16xi32> to vector<16x1xi32>
        %parallel_loop3A_852 = vector.shape_cast %parallel_loop3A_851 : vector<16x1xi32> to vector<16xi32>
        %parallel_loop3A_853 = tpu.dynamic_gather %parallel_loop3A_699[%parallel_loop3A_852] in [0] : vector<16xf32>, vector<16xi32> -> vector<16xf32>
        %parallel_loop3A_854 = arith.constant 14 : i32
        %parallel_loop3A_855 = vector.broadcast %parallel_loop3A_854 : i32 to vector<16xi32>
        %parallel_loop3A_856 = arith.constant 0 : i32
        %parallel_loop3A_857 = vector.broadcast %parallel_loop3A_856 : i32 to vector<16xi32>
        %parallel_loop3A_858 = arith.cmpi slt, %parallel_loop3A_855, %parallel_loop3A_857 : vector<16xi32>
        %parallel_loop3A_859 = arith.constant 16 : i32
        %parallel_loop3A_860 = vector.broadcast %parallel_loop3A_859 : i32 to vector<16xi32>
        %parallel_loop3A_861 = arith.addi %parallel_loop3A_855, %parallel_loop3A_860 : vector<16xi32>
        %parallel_loop3A_862 = arith.select %parallel_loop3A_858, %parallel_loop3A_861, %parallel_loop3A_855 : vector<16xi1>, vector<16xi32>
        %parallel_loop3A_863 = vector.shape_cast %parallel_loop3A_862 : vector<16xi32> to vector<16x1xi32>
        %parallel_loop3A_864 = vector.shape_cast %parallel_loop3A_863 : vector<16x1xi32> to vector<16xi32>
        %parallel_loop3A_865 = tpu.dynamic_gather %parallel_loop3A_695[%parallel_loop3A_864] in [0] : vector<16xf32>, vector<16xi32> -> vector<16xf32>
        %parallel_loop3A_866 = arith.constant 0 : i32
        %parallel_loop3A_867 = vector.broadcast %parallel_loop3A_866 : i32 to vector<16xi32>
        %parallel_loop3A_868 = arith.cmpi slt, %parallel_loop3A_855, %parallel_loop3A_867 : vector<16xi32>
        %parallel_loop3A_869 = arith.constant 16 : i32
        %parallel_loop3A_870 = vector.broadcast %parallel_loop3A_869 : i32 to vector<16xi32>
        %parallel_loop3A_871 = arith.addi %parallel_loop3A_855, %parallel_loop3A_870 : vector<16xi32>
        %parallel_loop3A_872 = arith.select %parallel_loop3A_868, %parallel_loop3A_871, %parallel_loop3A_855 : vector<16xi1>, vector<16xi32>
        %parallel_loop3A_873 = vector.shape_cast %parallel_loop3A_872 : vector<16xi32> to vector<16x1xi32>
        %parallel_loop3A_874 = vector.shape_cast %parallel_loop3A_873 : vector<16x1xi32> to vector<16xi32>
        %parallel_loop3A_875 = tpu.dynamic_gather %parallel_loop3A_699[%parallel_loop3A_874] in [0] : vector<16xf32>, vector<16xi32> -> vector<16xf32>
        %parallel_loop3A_876 = arith.constant 0 : i32
        %parallel_loop3A_877 = arith.constant 48 : i32
        %parallel_loop3A_878 = arith.constant 1 : i32
        scf.for %parallel_loop3A_879 = %parallel_loop3A_876 to %parallel_loop3A_877 step %parallel_loop3A_878  : i32 {
          %parallel_loop3A_880 = arith.constant 16 : i32
          %parallel_loop3A_881 = arith.muli %parallel_loop3A_879, %parallel_loop3A_880 : i32
          %parallel_loop3A_882 = arith.index_cast %parallel_loop3A_881 : i32 to index
          %parallel_loop3A_883 = tpu.vector_load %arg8[%parallel_loop3A_882] {strides = array<i32>} : memref<768xf32, #tpu.memory_space<vmem>>, vector<16xf32>,
          %parallel_loop3A_884 = vector.shape_cast %parallel_loop3A_883 : vector<16xf32> to vector<16xf32>
          %parallel_loop3A_885 = arith.index_cast %parallel_loop3A_881 : i32 to index
          %parallel_loop3A_886 = tpu.vector_load %arg9[%parallel_loop3A_885] {strides = array<i32>} : memref<768xf32, #tpu.memory_space<vmem>>, vector<16xf32>,
          %parallel_loop3A_887 = vector.shape_cast %parallel_loop3A_886 : vector<16xf32> to vector<16xf32>
          %parallel_loop3A_888 = arith.constant 0 : i32
          %parallel_loop3A_889 = arith.addi %parallel_loop3A_93, %parallel_loop3A_888 : i32
          %parallel_loop3A_890 = arith.index_cast %parallel_loop3A_889 : i32 to index
          %parallel_loop3A_891 = arith.index_cast %parallel_loop3A_881 : i32 to index
          %parallel_loop3A_892 = tpu.vector_load %arg11[%parallel_loop3A_890, %parallel_loop3A_891] {strides = array<i32>} : memref<32x768xf32, #tpu.memory_space<vmem>>, vector<1x16xf32>,
          %parallel_loop3A_893 = vector.shape_cast %parallel_loop3A_892 : vector<1x16xf32> to vector<16xf32>
          %parallel_loop3A_894 = arith.mulf %parallel_loop3A_893, %parallel_loop3A_711 : vector<16xf32>
          %parallel_loop3A_895 = arith.addf %parallel_loop3A_894, %parallel_loop3A_721 : vector<16xf32>
          %parallel_loop3A_896 = arith.mulf %parallel_loop3A_895, %parallel_loop3A_884 : vector<16xf32>
          %parallel_loop3A_897 = arith.addf %parallel_loop3A_896, %parallel_loop3A_887 : vector<16xf32>
          %parallel_loop3A_898 = arith.constant 0 : i32
          %parallel_loop3A_899 = arith.addi %parallel_loop3A_93, %parallel_loop3A_898 : i32
          %parallel_loop3A_900 = arith.index_cast %parallel_loop3A_899 : i32 to index
          %parallel_loop3A_901 = arith.index_cast %parallel_loop3A_881 : i32 to index
          %parallel_loop3A_902 = tpu.vector_load %arg13[%parallel_loop3A_900, %parallel_loop3A_901] {strides = array<i32>} : memref<32x768xf32, #tpu.memory_space<vmem>>, vector<1x16xf32>,
          %parallel_loop3A_903 = vector.shape_cast %parallel_loop3A_902 : vector<1x16xf32> to vector<16xf32>
          %parallel_loop3A_904 = vector.shape_cast %parallel_loop3A_897 : vector<16xf32> to vector<1x16xf32>
          tpu.vector_store %arg13[%parallel_loop3A_900, %parallel_loop3A_901], %parallel_loop3A_904 {strides = array<i32>} : memref<32x768xf32, #tpu.memory_space<vmem>>, vector<1x16xf32>,
          %parallel_loop3A_905 = arith.constant 1 : i32
          %parallel_loop3A_906 = arith.addi %parallel_loop3A_93, %parallel_loop3A_905 : i32
          %parallel_loop3A_907 = arith.index_cast %parallel_loop3A_906 : i32 to index
          %parallel_loop3A_908 = arith.index_cast %parallel_loop3A_881 : i32 to index
          %parallel_loop3A_909 = tpu.vector_load %arg11[%parallel_loop3A_907, %parallel_loop3A_908] {strides = array<i32>} : memref<32x768xf32, #tpu.memory_space<vmem>>, vector<1x16xf32>,
          %parallel_loop3A_910 = vector.shape_cast %parallel_loop3A_909 : vector<1x16xf32> to vector<16xf32>
          %parallel_loop3A_911 = arith.mulf %parallel_loop3A_910, %parallel_loop3A_733 : vector<16xf32>
          %parallel_loop3A_912 = arith.addf %parallel_loop3A_911, %parallel_loop3A_743 : vector<16xf32>
          %parallel_loop3A_913 = arith.mulf %parallel_loop3A_912, %parallel_loop3A_884 : vector<16xf32>
          %parallel_loop3A_914 = arith.addf %parallel_loop3A_913, %parallel_loop3A_887 : vector<16xf32>
          %parallel_loop3A_915 = arith.constant 1 : i32
          %parallel_loop3A_916 = arith.addi %parallel_loop3A_93, %parallel_loop3A_915 : i32
          %parallel_loop3A_917 = arith.index_cast %parallel_loop3A_916 : i32 to index
          %parallel_loop3A_918 = arith.index_cast %parallel_loop3A_881 : i32 to index
          %parallel_loop3A_919 = tpu.vector_load %arg13[%parallel_loop3A_917, %parallel_loop3A_918] {strides = array<i32>} : memref<32x768xf32, #tpu.memory_space<vmem>>, vector<1x16xf32>,
          %parallel_loop3A_920 = vector.shape_cast %parallel_loop3A_919 : vector<1x16xf32> to vector<16xf32>
          %parallel_loop3A_921 = vector.shape_cast %parallel_loop3A_914 : vector<16xf32> to vector<1x16xf32>
          tpu.vector_store %arg13[%parallel_loop3A_917, %parallel_loop3A_918], %parallel_loop3A_921 {strides = array<i32>} : memref<32x768xf32, #tpu.memory_space<vmem>>, vector<1x16xf32>,
          %parallel_loop3A_922 = arith.constant 2 : i32
          %parallel_loop3A_923 = arith.addi %parallel_loop3A_93, %parallel_loop3A_922 : i32
          %parallel_loop3A_924 = arith.index_cast %parallel_loop3A_923 : i32 to index
          %parallel_loop3A_925 = arith.index_cast %parallel_loop3A_881 : i32 to index
          %parallel_loop3A_926 = tpu.vector_load %arg11[%parallel_loop3A_924, %parallel_loop3A_925] {strides = array<i32>} : memref<32x768xf32, #tpu.memory_space<vmem>>, vector<1x16xf32>,
          %parallel_loop3A_927 = vector.shape_cast %parallel_loop3A_926 : vector<1x16xf32> to vector<16xf32>
          %parallel_loop3A_928 = arith.mulf %parallel_loop3A_927, %parallel_loop3A_755 : vector<16xf32>
          %parallel_loop3A_929 = arith.addf %parallel_loop3A_928, %parallel_loop3A_765 : vector<16xf32>
          %parallel_loop3A_930 = arith.mulf %parallel_loop3A_929, %parallel_loop3A_884 : vector<16xf32>
          %parallel_loop3A_931 = arith.addf %parallel_loop3A_930, %parallel_loop3A_887 : vector<16xf32>
          %parallel_loop3A_932 = arith.constant 2 : i32
          %parallel_loop3A_933 = arith.addi %parallel_loop3A_93, %parallel_loop3A_932 : i32
          %parallel_loop3A_934 = arith.index_cast %parallel_loop3A_933 : i32 to index
          %parallel_loop3A_935 = arith.index_cast %parallel_loop3A_881 : i32 to index
          %parallel_loop3A_936 = tpu.vector_load %arg13[%parallel_loop3A_934, %parallel_loop3A_935] {strides = array<i32>} : memref<32x768xf32, #tpu.memory_space<vmem>>, vector<1x16xf32>,
          %parallel_loop3A_937 = vector.shape_cast %parallel_loop3A_936 : vector<1x16xf32> to vector<16xf32>
          %parallel_loop3A_938 = vector.shape_cast %parallel_loop3A_931 : vector<16xf32> to vector<1x16xf32>
          tpu.vector_store %arg13[%parallel_loop3A_934, %parallel_loop3A_935], %parallel_loop3A_938 {strides = array<i32>} : memref<32x768xf32, #tpu.memory_space<vmem>>, vector<1x16xf32>,
          %parallel_loop3A_939 = arith.constant 3 : i32
          %parallel_loop3A_940 = arith.addi %parallel_loop3A_93, %parallel_loop3A_939 : i32
          %parallel_loop3A_941 = arith.index_cast %parallel_loop3A_940 : i32 to index
          %parallel_loop3A_942 = arith.index_cast %parallel_loop3A_881 : i32 to index
          %parallel_loop3A_943 = tpu.vector_load %arg11[%parallel_loop3A_941, %parallel_loop3A_942] {strides = array<i32>} : memref<32x768xf32, #tpu.memory_space<vmem>>, vector<1x16xf32>,
          %parallel_loop3A_944 = vector.shape_cast %parallel_loop3A_943 : vector<1x16xf32> to vector<16xf32>
          %parallel_loop3A_945 = arith.mulf %parallel_loop3A_944, %parallel_loop3A_777 : vector<16xf32>
          %parallel_loop3A_946 = arith.addf %parallel_loop3A_945, %parallel_loop3A_787 : vector<16xf32>
          %parallel_loop3A_947 = arith.mulf %parallel_loop3A_946, %parallel_loop3A_884 : vector<16xf32>
          %parallel_loop3A_948 = arith.addf %parallel_loop3A_947, %parallel_loop3A_887 : vector<16xf32>
          %parallel_loop3A_949 = arith.constant 3 : i32
          %parallel_loop3A_950 = arith.addi %parallel_loop3A_93, %parallel_loop3A_949 : i32
          %parallel_loop3A_951 = arith.index_cast %parallel_loop3A_950 : i32 to index
          %parallel_loop3A_952 = arith.index_cast %parallel_loop3A_881 : i32 to index
          %parallel_loop3A_953 = tpu.vector_load %arg13[%parallel_loop3A_951, %parallel_loop3A_952] {strides = array<i32>} : memref<32x768xf32, #tpu.memory_space<vmem>>, vector<1x16xf32>,
          %parallel_loop3A_954 = vector.shape_cast %parallel_loop3A_953 : vector<1x16xf32> to vector<16xf32>
          %parallel_loop3A_955 = vector.shape_cast %parallel_loop3A_948 : vector<16xf32> to vector<1x16xf32>
          tpu.vector_store %arg13[%parallel_loop3A_951, %parallel_loop3A_952], %parallel_loop3A_955 {strides = array<i32>} : memref<32x768xf32, #tpu.memory_space<vmem>>, vector<1x16xf32>,
          %parallel_loop3A_956 = arith.constant 4 : i32
          %parallel_loop3A_957 = arith.addi %parallel_loop3A_93, %parallel_loop3A_956 : i32
          %parallel_loop3A_958 = arith.index_cast %parallel_loop3A_957 : i32 to index
          %parallel_loop3A_959 = arith.index_cast %parallel_loop3A_881 : i32 to index
          %parallel_loop3A_960 = tpu.vector_load %arg11[%parallel_loop3A_958, %parallel_loop3A_959] {strides = array<i32>} : memref<32x768xf32, #tpu.memory_space<vmem>>, vector<1x16xf32>,
          %parallel_loop3A_961 = vector.shape_cast %parallel_loop3A_960 : vector<1x16xf32> to vector<16xf32>
          %parallel_loop3A_962 = arith.mulf %parallel_loop3A_961, %parallel_loop3A_799 : vector<16xf32>
          %parallel_loop3A_963 = arith.addf %parallel_loop3A_962, %parallel_loop3A_809 : vector<16xf32>
          %parallel_loop3A_964 = arith.mulf %parallel_loop3A_963, %parallel_loop3A_884 : vector<16xf32>
          %parallel_loop3A_965 = arith.addf %parallel_loop3A_964, %parallel_loop3A_887 : vector<16xf32>
          %parallel_loop3A_966 = arith.constant 4 : i32
          %parallel_loop3A_967 = arith.addi %parallel_loop3A_93, %parallel_loop3A_966 : i32
          %parallel_loop3A_968 = arith.index_cast %parallel_loop3A_967 : i32 to index
          %parallel_loop3A_969 = arith.index_cast %parallel_loop3A_881 : i32 to index
          %parallel_loop3A_970 = tpu.vector_load %arg13[%parallel_loop3A_968, %parallel_loop3A_969] {strides = array<i32>} : memref<32x768xf32, #tpu.memory_space<vmem>>, vector<1x16xf32>,
          %parallel_loop3A_971 = vector.shape_cast %parallel_loop3A_970 : vector<1x16xf32> to vector<16xf32>
          %parallel_loop3A_972 = vector.shape_cast %parallel_loop3A_965 : vector<16xf32> to vector<1x16xf32>
          tpu.vector_store %arg13[%parallel_loop3A_968, %parallel_loop3A_969], %parallel_loop3A_972 {strides = array<i32>} : memref<32x768xf32, #tpu.memory_space<vmem>>, vector<1x16xf32>,
          %parallel_loop3A_973 = arith.constant 5 : i32
          %parallel_loop3A_974 = arith.addi %parallel_loop3A_93, %parallel_loop3A_973 : i32
          %parallel_loop3A_975 = arith.index_cast %parallel_loop3A_974 : i32 to index
          %parallel_loop3A_976 = arith.index_cast %parallel_loop3A_881 : i32 to index
          %parallel_loop3A_977 = tpu.vector_load %arg11[%parallel_loop3A_975, %parallel_loop3A_976] {strides = array<i32>} : memref<32x768xf32, #tpu.memory_space<vmem>>, vector<1x16xf32>,
          %parallel_loop3A_978 = vector.shape_cast %parallel_loop3A_977 : vector<1x16xf32> to vector<16xf32>
          %parallel_loop3A_979 = arith.mulf %parallel_loop3A_978, %parallel_loop3A_821 : vector<16xf32>
          %parallel_loop3A_980 = arith.addf %parallel_loop3A_979, %parallel_loop3A_831 : vector<16xf32>
          %parallel_loop3A_981 = arith.mulf %parallel_loop3A_980, %parallel_loop3A_884 : vector<16xf32>
          %parallel_loop3A_982 = arith.addf %parallel_loop3A_981, %parallel_loop3A_887 : vector<16xf32>
          %parallel_loop3A_983 = arith.constant 5 : i32
          %parallel_loop3A_984 = arith.addi %parallel_loop3A_93, %parallel_loop3A_983 : i32
          %parallel_loop3A_985 = arith.index_cast %parallel_loop3A_984 : i32 to index
          %parallel_loop3A_986 = arith.index_cast %parallel_loop3A_881 : i32 to index
          %parallel_loop3A_987 = tpu.vector_load %arg13[%parallel_loop3A_985, %parallel_loop3A_986] {strides = array<i32>} : memref<32x768xf32, #tpu.memory_space<vmem>>, vector<1x16xf32>,
          %parallel_loop3A_988 = vector.shape_cast %parallel_loop3A_987 : vector<1x16xf32> to vector<16xf32>
          %parallel_loop3A_989 = vector.shape_cast %parallel_loop3A_982 : vector<16xf32> to vector<1x16xf32>
          tpu.vector_store %arg13[%parallel_loop3A_985, %parallel_loop3A_986], %parallel_loop3A_989 {strides = array<i32>} : memref<32x768xf32, #tpu.memory_space<vmem>>, vector<1x16xf32>,
          %parallel_loop3A_990 = arith.constant 6 : i32
          %parallel_loop3A_991 = arith.addi %parallel_loop3A_93, %parallel_loop3A_990 : i32
          %parallel_loop3A_992 = arith.index_cast %parallel_loop3A_991 : i32 to index
          %parallel_loop3A_993 = arith.index_cast %parallel_loop3A_881 : i32 to index
          %parallel_loop3A_994 = tpu.vector_load %arg11[%parallel_loop3A_992, %parallel_loop3A_993] {strides = array<i32>} : memref<32x768xf32, #tpu.memory_space<vmem>>, vector<1x16xf32>,
          %parallel_loop3A_995 = vector.shape_cast %parallel_loop3A_994 : vector<1x16xf32> to vector<16xf32>
          %parallel_loop3A_996 = arith.mulf %parallel_loop3A_995, %parallel_loop3A_843 : vector<16xf32>
          %parallel_loop3A_997 = arith.addf %parallel_loop3A_996, %parallel_loop3A_853 : vector<16xf32>
          %parallel_loop3A_998 = arith.mulf %parallel_loop3A_997, %parallel_loop3A_884 : vector<16xf32>
          %parallel_loop3A_999 = arith.addf %parallel_loop3A_998, %parallel_loop3A_887 : vector<16xf32>
          %parallel_loop3A_1000 = arith.constant 6 : i32
          %parallel_loop3A_1001 = arith.addi %parallel_loop3A_93, %parallel_loop3A_1000 : i32
          %parallel_loop3A_1002 = arith.index_cast %parallel_loop3A_1001 : i32 to index
          %parallel_loop3A_1003 = arith.index_cast %parallel_loop3A_881 : i32 to index
          %parallel_loop3A_1004 = tpu.vector_load %arg13[%parallel_loop3A_1002, %parallel_loop3A_1003] {strides = array<i32>} : memref<32x768xf32, #tpu.memory_space<vmem>>, vector<1x16xf32>,
          %parallel_loop3A_1005 = vector.shape_cast %parallel_loop3A_1004 : vector<1x16xf32> to vector<16xf32>
          %parallel_loop3A_1006 = vector.shape_cast %parallel_loop3A_999 : vector<16xf32> to vector<1x16xf32>
          tpu.vector_store %arg13[%parallel_loop3A_1002, %parallel_loop3A_1003], %parallel_loop3A_1006 {strides = array<i32>} : memref<32x768xf32, #tpu.memory_space<vmem>>, vector<1x16xf32>,
          %parallel_loop3A_1007 = arith.constant 7 : i32
          %parallel_loop3A_1008 = arith.addi %parallel_loop3A_93, %parallel_loop3A_1007 : i32
          %parallel_loop3A_1009 = arith.index_cast %parallel_loop3A_1008 : i32 to index
          %parallel_loop3A_1010 = arith.index_cast %parallel_loop3A_881 : i32 to index
          %parallel_loop3A_1011 = tpu.vector_load %arg11[%parallel_loop3A_1009, %parallel_loop3A_1010] {strides = array<i32>} : memref<32x768xf32, #tpu.memory_space<vmem>>, vector<1x16xf32>,
          %parallel_loop3A_1012 = vector.shape_cast %parallel_loop3A_1011 : vector<1x16xf32> to vector<16xf32>
          %parallel_loop3A_1013 = arith.mulf %parallel_loop3A_1012, %parallel_loop3A_865 : vector<16xf32>
          %parallel_loop3A_1014 = arith.addf %parallel_loop3A_1013, %parallel_loop3A_875 : vector<16xf32>
          %parallel_loop3A_1015 = arith.mulf %parallel_loop3A_1014, %parallel_loop3A_884 : vector<16xf32>
          %parallel_loop3A_1016 = arith.addf %parallel_loop3A_1015, %parallel_loop3A_887 : vector<16xf32>
          %parallel_loop3A_1017 = arith.constant 7 : i32
          %parallel_loop3A_1018 = arith.addi %parallel_loop3A_93, %parallel_loop3A_1017 : i32
          %parallel_loop3A_1019 = arith.index_cast %parallel_loop3A_1018 : i32 to index
          %parallel_loop3A_1020 = arith.index_cast %parallel_loop3A_881 : i32 to index
          %parallel_loop3A_1021 = tpu.vector_load %arg13[%parallel_loop3A_1019, %parallel_loop3A_1020] {strides = array<i32>} : memref<32x768xf32, #tpu.memory_space<vmem>>, vector<1x16xf32>,
          %parallel_loop3A_1022 = vector.shape_cast %parallel_loop3A_1021 : vector<1x16xf32> to vector<16xf32>
          %parallel_loop3A_1023 = vector.shape_cast %parallel_loop3A_1016 : vector<16xf32> to vector<1x16xf32>
          tpu.vector_store %arg13[%parallel_loop3A_1019, %parallel_loop3A_1020], %parallel_loop3A_1023 {strides = array<i32>} : memref<32x768xf32, #tpu.memory_space<vmem>>, vector<1x16xf32>,
        } {sc.loop_unroll_factor = 4 : i64, sc.parallel_access}
      } {sc.loop_unroll_factor = 1 : i64, sc.parallel_access}
      %mul3A_78 = arith.constant 32 : i32
      %mul3A_79 = arith.muli %add3A_63, %mul3A_78 : i32
      %add3A_80 = arith.addi %mul3A_2, %mul3A_79 : i32
      %dma_start3A_81 = arith.constant 0 : i32
      %dma_start3A_82 = tpu.memref_slice %arg6[%add3A_80, %dma_start3A_81] : memref<32768x768xf32, #tpu.memory_space<hbm>> -> memref<32x768xf32, #tpu.memory_space<hbm>>
      %dma_start3A_83 = arith.constant 0 : i32
      %dma_start3A_84 = tpu.memref_slice %arg6[%add3A_80, %dma_start3A_83] : memref<32768x768xf32, #tpu.memory_space<hbm>> -> memref<32x768xf32, #tpu.memory_space<hbm>>
      tpu.enqueue_dma source(%arg13 : memref<32x768xf32, #tpu.memory_space<vmem>>) target(%dma_start3A_84 : memref<32x768xf32, #tpu.memory_space<hbm>>) target_semaphore(%arg17 : memref<!tpu.dma_semaphore, #tpu.memory_space<semaphore_mem>>)
      %lt3A_85 = arith.constant 15 : i32
      %lt3A_86 = arith.cmpi slt, %scan3A_33, %lt3A_85 : i32
      %convert_element_type3A_87 = arith.extui %lt3A_86 : i1 to i32
      %cond3A_88 = arith.constant 0 : i32
      %cond3A_89 = arith.cmpi ne, %convert_element_type3A_87, %cond3A_88 : i32
      scf.if %cond3A_89 {
        %add3A_91 = arith.constant 2 : i32
        %add3A_92 = arith.addi %add3A_63, %add3A_91 : i32
        %dma_start3A_93 = arith.constant 0 : i32
        %dma_start3A_94 = tpu.memref_slice %arg7[%add3A_92, %dma_start3A_93] : memref<32x32xi32, #tpu.memory_space<vmem>> -> memref<1x32xi32, #tpu.memory_space<vmem>>
        %dma_start3A_95 = tpu.memref_squeeze %dma_start3A_94 : memref<1x32xi32, #tpu.memory_space<vmem>> -> memref<32xi32, #tpu.memory_space<vmem>>
        %dma_start3A_96 = arith.constant 0 : i32
        %dma_start3A_97 = arith.constant 0 : i32
        %dma_start3A_98 = tpu.memref_slice %arg3[%dma_start3A_96, %dma_start3A_97] : memref<100000x768xf32, #tpu.memory_space<hbm>> -> memref<100000x768xf32, #tpu.memory_space<hbm>>
        tpu.enqueue_indirect_dma source(%dma_start3A_98 : memref<100000x768xf32, #tpu.memory_space<hbm>>) target(%arg11 : memref<32x768xf32, #tpu.memory_space<vmem>>) offsets(%dma_start3A_95 : memref<32xi32, #tpu.memory_space<vmem>>) semaphore(%arg15 : memref<!tpu.dma_semaphore, #tpu.memory_space<semaphore_mem>>)
      } else {
      }
      %scan3A_90 = arith.constant 0 : i32
      scf.yield %scan3A_90 : i32
    }
    %scan3A_21 = arith.constant 16 : i32
    %dma_wait3A = arith.constant 0 : i32
    %dma_wait3A_22 = arith.constant 0 : i32
    %dma_wait3A_23 = tpu.memref_slice %arg3[%dma_wait3A, %dma_wait3A_22] : memref<100000x768xf32, #tpu.memory_space<hbm>> -> memref<32x768xf32, #tpu.memory_space<hbm>>
    %dma_wait3A_24 = arith.constant 0 : i32
    %dma_wait3A_25 = arith.constant 0 : i32
    %dma_wait3A_26 = tpu.memref_slice %arg3[%dma_wait3A_24, %dma_wait3A_25] : memref<100000x768xf32, #tpu.memory_space<hbm>> -> memref<32x768xf32, #tpu.memory_space<hbm>>
    tpu.wait_dma2 semaphore(%arg16 : memref<!tpu.dma_semaphore, #tpu.memory_space<semaphore_mem>>) src(%dma_wait3A_26 : memref<32x768xf32, #tpu.memory_space<hbm>>) dst(%arg12 : memref<32x768xf32, #tpu.memory_space<vmem>>)
    %dma_wait3A_27 = arith.constant 0 : i32
    %dma_wait3A_28 = arith.constant 0 : i32
    %dma_wait3A_29 = tpu.memref_slice %arg3[%dma_wait3A_27, %dma_wait3A_28] : memref<100000x768xf32, #tpu.memory_space<hbm>> -> memref<32x768xf32, #tpu.memory_space<hbm>>
    %dma_wait3A_30 = arith.constant 0 : i32
    %dma_wait3A_31 = arith.constant 0 : i32
    %dma_wait3A_32 = tpu.memref_slice %arg3[%dma_wait3A_30, %dma_wait3A_31] : memref<100000x768xf32, #tpu.memory_space<hbm>> -> memref<32x768xf32, #tpu.memory_space<hbm>>
    tpu.wait_dma2 semaphore(%arg17 : memref<!tpu.dma_semaphore, #tpu.memory_space<semaphore_mem>>) src(%dma_wait3A_32 : memref<32x768xf32, #tpu.memory_space<hbm>>) dst(%arg13 : memref<32x768xf32, #tpu.memory_space<vmem>>)
    return
  }
}

</mosaic_0001>

<sc_bundles>
// kernel: kernel.3.cloned.1.call-start
scs
__scs_entry_jumppad:
0x0: {  	(pc) =	sbr.rel $0x88, $3  }
0x1: {  	(tag) =	ssettag $0x0;
	lr =	simm.s32 $0x1  }
0x2: {  	[smem:$0x3F9D] =	sst lr;
	_ =	strace $0xD0000000  }
0x3: {  	_ = 	snop  }
0x4: {  	_ = 	snop  }
0x5: {  	_ = 	snop  }
0x6: {  	_ = 	snop  }
0x7: {  	_ = 	snop  }
__scs_overlays_trampoline_lowered:
0x8: {  	[smem:$0x3FAC] =	sst s0  }
0x9: {  	[smem:$0x3FAD] =	sst s1  }
0xa: {  	[smem:$0x3FAE] =	sst s2  }
0xb: {  	[smem:$0x3FAF] =	sst s3  }
0xc: {  	[smem:$0x3FB0] =	sst s4  }
0xd: {  	[smem:$0x3FB1] =	sst s5  }
0xe: {  	[smem:$0x3FB2] =	sst s6  }
0xf: {  	[smem:$0x3FB3] =	sst s7  }
0x10: {  	[smem:$0x3FB4] =	sst s8  }
0x11: {  	[smem:$0x3FB5] =	sst s9;
	s0 =	simm.s32 @!p0 $0x0  }
0x12: {  	s1 =	sld [smem:$0x3F9B];
	s0 =	simm.s32 @p0 $0x1  }
0x13: {  	[smem:$0x3FB6] =	sst s0;
	s0 =	simm.s32 @!p1 $0x0  }
0x14: {  	s2 =	sld [smem:$0x3F9A];
	s0 =	simm.s32 @p1 $0x1  }
0x15: {  	[smem:$0x3FB7] =	sst s0;
	s0 =	simm.s32 @!p2 $0x0  }
0x16: {  	s3 =	sld [smem:$0x3FDB];
	s0 =	simm.s32 @p2 $0x1  }
0x17: {  	s4 =	simm.s32 $0x1BF5;
	[smem:$0x3FB9] =	sst s0  }
0x18: {  	s0 =	sld [smem:$0x3F9C];
	_ =	swait.ge [sflag:s4], $0x0  }
0x19: {  	s7 =	sld [smem:$0x3F9D]  }
0x1a: {  	s8 =	sadd.s32 $0xFFFFE003, lr  }
0x1b: {  	s9 =	sadd.s32 $0xFFFFFEF7, lr;
	s5 =	simm.s32 $0xFFFFFFFF;
	p2 =	slt.u32 s8, $0xFFFFF086  }
0x1c: {  	p1 =	slt.u32 s9, $0xF7A;
	s5 =	simm.s32 @!p2 $0x0  }
0x1d: {  	s5 =	simm.s32 @p1 $0x1;
	p0 =	seq.s32 s7, s2  }
0x1e: {  	s7 =	smul.u32 @!p0 $0xF7A, s2;
	p2 =	seq.s32 @!p0 s5, $0x0  }
0x1f: {  	s9 =	smul.u32 $0xF7A, s1;
	s8 =	simm.s32 @!p0 $0x1BF5;
	p2 =	por !p2, p0  }
0x20: {  	[sflag:s8] =	ssyncset.s32 @!p0 $0xFFFFF086;
	s6 =	sadd.s32 @!p0 s3, s7;
	s7 =	simm.s32 @!p0 $0x108  }
0x21: {  	s3 =	sadd.s32 s3, s9;
	s6 =	sadd.s32 @!p0 $0x88, s6;
	s7 =	simm.s32 @p2 $0x1082  }
0x22: {  	[simem:s7], [sflag:s8] =	dma.local @!p0 [hbm:s6], $0xF7A  }
0x23: {  	s9 =	sor.u32 $0xD0000000, s2;
	s6 =	simm.s32 $0x108;
	_ =	swait.ge @!p0 [sflag:s8], $0x0  }
0x24: {  	s3 =	sadd.s32 $0x88, s3;
	s6 =	simm.s32 @!p1 $0x1082;
	[sflag:s4] =	ssyncset.s32 $0xFFFFF086  }
0x25: {  	[simem:s6], [sflag:s4] =	dma.local [hbm:s3], $0xF7A  }
0x26: {  	[smem:$0x3F9D] =	sst s1;
	(tag) =	ssettag s2;
	_ =	strace s9  }
0x27: {  	s1 =	sld [smem:$0x3FAD]  }
0x28: {  	s2 =	sld [smem:$0x3FAE]  }
0x29: {  	s4 =	sld [smem:$0x3FB0]  }
0x2a: {  	p0 =	seq.s32 s5, $0x0;
	s5 =	sld [smem:$0x3FB1]  }
0x2b: {  	s6 =	sld [smem:$0x3FB2]  }
0x2c: {  	s7 =	sld [smem:$0x3FB3]  }
0x2d: {  	s3 =	simm.s32 $0x108;
	s8 =	sld [smem:$0x3FB4]  }
0x2e: {  	s3 =	simm.s32 @!p0 $0x1082;
	s9 =	sld [smem:$0x3FB5]  }
0x2f: {  	lr =	sadd.s32 s0, s3;
	s0 =	sld [smem:$0x3FAC]  }
0x30: {  	s3 =	sld [smem:$0x3FAF]  }
0x31: {  	[smem:$0x3FB8] =	sst s10  }
0x32: {  	s10 =	sld [smem:$0x3FB6];
	_ =	sdelay $0x3  }
0x33: {  	p0 =	seq.s32 s10, $0x1;
	s10 =	sld [smem:$0x3FB8];
	_ =	sdelay $0x3  }
0x34: {  	[smem:$0x3FB8] =	sst s10  }
0x35: {  	s10 =	sld [smem:$0x3FB7];
	_ =	sdelay $0x3  }
0x36: {  	p1 =	seq.s32 s10, $0x1;
	s10 =	sld [smem:$0x3FB8];
	_ =	sdelay $0x3  }
0x37: {  	[smem:$0x3FB8] =	sst s10  }
0x38: {  	s10 =	sld [smem:$0x3FB9]  }
0x39: {  	_ = 	snop;
	(pc) =	sbr.ind lr, $3  }
0x3a: {  	_ = 	snop  }
0x3b: {  	_ = 	snop  }
0x3c: {  	p2 =	seq.s32 s10, $0x1;
	s10 =	sld [smem:$0x3FB8]  }
0x3d: {  	_ =	shalt  }
0x3e: {  	_ =	shalt  }
0x3f: {  	_ =	shalt  }
0x40: {  	_ =	shalt  }
0x41: {  	_ =	shalt  }
0x42: {  	_ =	shalt  }
0x43: {  	_ =	shalt  }
0x44: {  	_ =	shalt  }
0x45: {  	_ =	shalt  }
0x46: {  	_ =	shalt  }
0x47: {  	_ =	shalt  }
0x48: {  	_ =	shalt  }
0x49: {  	_ =	shalt  }
0x4a: {  	_ =	shalt  }
0x4b: {  	_ =	shalt  }
0x4c: {  	_ =	shalt  }
0x4d: {  	_ =	shalt  }
0x4e: {  	_ =	shalt  }
0x4f: {  	_ =	shalt  }
0x50: {  	_ =	shalt  }
0x51: {  	_ =	shalt  }
0x52: {  	_ =	shalt  }
0x53: {  	_ =	shalt  }
0x54: {  	_ =	shalt  }
0x55: {  	_ =	shalt  }
0x56: {  	_ =	shalt  }
0x57: {  	_ =	shalt  }
0x58: {  	_ =	shalt  }
0x59: {  	_ =	shalt  }
0x5a: {  	_ =	shalt  }
0x5b: {  	_ =	shalt  }
0x5c: {  	_ =	shalt  }
0x5d: {  	_ =	shalt  }
0x5e: {  	_ =	shalt  }
0x5f: {  	_ =	shalt  }
0x60: {  	_ =	shalt  }
0x61: {  	_ =	shalt  }
0x62: {  	_ =	shalt  }
0x63: {  	_ =	shalt  }
0x64: {  	_ =	shalt  }
0x65: {  	_ =	shalt  }
0x66: {  	_ =	shalt  }
0x67: {  	_ =	shalt  }
0x68: {  	_ =	shalt  }
0x69: {  	_ =	shalt  }
0x6a: {  	_ =	shalt  }
0x6b: {  	_ =	shalt  }
0x6c: {  	_ =	shalt  }
0x6d: {  	_ =	shalt  }
0x6e: {  	_ =	shalt  }
0x6f: {  	_ =	shalt  }
0x70: {  	_ =	shalt  }
0x71: {  	_ =	shalt  }
0x72: {  	_ =	shalt  }
0x73: {  	_ =	shalt  }
0x74: {  	_ =	shalt  }
0x75: {  	_ =	shalt  }
0x76: {  	_ =	shalt  }
0x77: {  	_ =	shalt  }
0x78: {  	_ =	shalt  }
0x79: {  	_ =	shalt  }
0x7a: {  	_ =	shalt  }
0x7b: {  	_ =	shalt  }
0x7c: {  	_ =	shalt  }
0x7d: {  	_ =	shalt  }
0x7e: {  	_ =	shalt  }
0x7f: {  	_ =	shalt  }
0x80: {  	_ =	shalt  }
0x81: {  	_ =	shalt  }
0x82: {  	_ =	shalt  }
0x83: {  	_ =	shalt  }
0x84: {  	_ =	shalt  }
0x85: {  	_ =	shalt  }
0x86: {  	_ =	shalt  }
0x87: {  	_ =	shalt  }
.Lfunc_end0:
.L_simem_size_0:
called_computation_lowered:
.L_overlay_start_0:
0x88: {  	s2 =	sld [smem:$0x3FD9]  }
0x89: {  	s3 =	sld [smem:$0x3FFE];
	_ =	sdelay $0x1  }
0x8a: {  	s1 =	srdreg.scid  }
0x8b: {  	s0 =	sand.u32 $0x1, s1  }
0x8c: {  	s17 =	sshll.u32 s0, $0xA;
	s2 =	sadd.s32 s3, s2  }
0x8d: {  	s2 =	sadd.s32 s2, s17  }
0x8e: {  	[smem:$0x3FC4] =	sst s2  }
0x8f: {  	_ = 	snop  }
0x90: {  	s2 =	sld [smem:$0x3FC8]  }
0x91: {  	s18 =	sld [smem:$0x3FC7]  }
0x92: {  	s4 =	sld [smem:$0x3FC6]  }
0x93: {  	s5 =	sld [smem:$0x3FD0];
	(tm) =	ssettm $0x1  }
0x94: {  	s6 =	sld [smem:$0x3FFB];
	_ =	sdelay $0x3  }
0x95: {  	_ =	strace s6  }
0x96: {  	s6 =	sld [smem:$0x3FFC];
	_ =	sdelay $0x3  }
0x97: {  	_ =	strace s6  }
0x98: {  	s6 =	sld [smem:$0x3FFD];
	_ =	sdelay $0x3  }
0x99: {  	_ =	strace s6  }
0x9a: {  	_ =	strace $0x8FFFFFFF  }
0x9b: {  	s19 =	sld [smem:$0x3FDB];
	_ =	sdelay $0x1  }
0x9c: {  	s7 =	simm.s32 $_scs_section_size  }
0x9d: {  	s8 =	simm.s32 $_size__tile_overlayer_lowered;
	s9 =	simm.s32 $_tile_overlayer_lowered  }
0x9e: {  	s22 =	simm.s32 $0x1BFF;
	s21 =	sshll.u32 s9, $0x1;
	s6 =	sadd.s32 s7, s19  }
0x9f: {  	s10 =	simm.s32 $0x0;
	s20 =	sshll.u32 s8, $0x1;
	s8 =	sadd.s32 s21, s6  }
0xa0: {  	[timem:s10], [sflag:s22] =	dma.local [hbm:s8], s20  }
0xa1: {  	_ =	swait.ge [sflag:s22], s20  }
0xa2: {  	s7 =	ssub.s32 $0x0, s20;
	[sflag:s22] =	ssyncset.done $0x0  }
0xa3: {  	[sflag:s22] =	ssyncadd.s32 s7;
	_ =	sdelay $0x1  }
0xa4: {  	s23 =	simm.s32 $0x1B8B  }
0xa5: {  	_ =	swait.ge [sflag:s23], $0x1  }
0xa6: {  	[sflag:s23] =	ssyncset.done $0x0  }
0xa7: {  	s25 =	simm.s32 $0x1B8E;
	s24 =	sld [smem:$0x3FFE];
	[sflag:s23] =	ssyncadd.s32 $0xFFFFFFFF  }
0xa8: {  	s26 =	simm.s32 $execute0_lowered;
	[smem:$0x3FD2] =	sst s25  }
0xa9: {  	s8 =	sshll.u32 s26, $0x1;
	_ =	strace $0x80000046;
	[dreg:$0x1] =	wrdreg $0xFFFFFFFF  }
0xaa: {  	s28 =	simm.s32 $_size_execute0_lowered;
	s6 =	sadd.s32 s6, s8;
	[dreg:$0x0] =	wrdreg $0x0  }
0xab: {  	s8 =	sshll.u32 s28, $0x1;
	[dreg:$0x2] =	wrdreg s6  }
0xac: {  	[dreg:$0x3] =	wrdreg s8  }
0xad: {  	[dreg:$0x4] =	wrdreg $0xC0  }
0xae: {  	_ =	task [dreg:s10], $0x5FFFF  }
0xaf: {  	[dreg:$0x1] =	wrdreg $0xFFFFFFFF  }
0xb0: {  	[dreg:$0x0] =	wrdreg $0x60  }
0xb1: {  	[dreg:$0x2] =	wrdreg s24  }
0xb2: {  	[dreg:$0x3] =	wrdreg s2  }
0xb3: {  	[dreg:$0x4] =	wrdreg s18  }
0xb4: {  	[dreg:$0x5] =	wrdreg s4  }
0xb5: {  	[dreg:$0x6] =	wrdreg s5  }
0xb6: {  	[dreg:$0x7] =	wrdreg $0x9  }
0xb7: {  	_ =	task.clear_ibuf [dreg:s10], $0x8FFFF;
	_ =	strace $0x90000046  }
0xb8: {  	s29 =	simm.s32 $0x9;
	_ =	strace $0x80000048  }
0xb9: {  	_ =	swait.ge [sflag:s29], $0x1  }
0xba: {  	[sflag:s29] =	ssyncadd.s32 $0xFFFFFFFF  }
0xbb: {  	_ =	strace $0x90000048  }
0xbc: {  	_ =	sfence  }
0xbd: {  	s30 =	sld [smem:$0x0];
	_ =	sdelay $0x2  }
0xbe: {  	s31 =	sshll.u32 s1, $0xD;
	s1 =	sshrl.u32 s1, $0x2  }
0xbf: {  	s3 =	sand.u32 $0x4000, s31;
	s1 =	sadd.s32 s1, s30  }
0xc0: {  	s0 =	sor.u32 s3, s0;
	s1 =	sshll.u32 s1, $0x11  }
0xc1: {  	s0 =	sor.u32 s1, s0  }
0xc2: {  	s0 =	sadd.s32 $0x8F2B, s0  }
0xc3: {  	[sflag:s0] =	ssyncadd.remote.s32 $0x1  }
0xc4: {  	_ =	sfence.sel $0xFFFF  }
0xc5: {  	[dreg:$0x0] =	wrdreg $0xFFFFFFFF;
	(pc) =	sbr.abs _section_cstart, $3  }
0xc6: {  	[dreg:$0x1] =	wrdreg $0xFFFFFFFF  }
0xc7: {  	_ =	task.clear_ibuf [dreg:s10], $0x2FFFF;
	_ =	strace $0x9FFFFFFF  }
0xc8: {  	(tm) =	ssettm $0x7FFFFFFF  }
0xc9: {  	_ =	shalt  }
tec
execute0_lowered:
.L_overlay_start_1:
0x0: {  	(tag) =	ssettag $0x1  }
0x1: {  	v2 =	vlaneseq.u32;
	v1 =	vimm.s32 $0xFEDCBA98;
	v4 =	vimm.s32 $0x76543210  }
0x2: {  	v5 =	vimm.s32 $0xBA98FEDC;
	v6 =	vimm.s32 $0x32107654;
	vm0 =	vmmov $0xffff  }
0x3: {  	vm1 =	vmmov $0xff;
	vm2 =	vcmask $0x2F20;
	vm3 =	vcmask $0xF00  }
0x4: {  	v8 =	vimm.s32 $0x67452301;
	vm4 =	vcmask $0x700;
	v9 =	vimm.s32 $0x4  }
0x5: {  	v10 =	vimm.s32 $0xC;
	v11 =	vimm.s32 $0x2;
	v12 =	vimm.s32 $0xA  }
0x6: {  	v13 =	vimm.s32 $0x6;
	v0 =	vand.u32 $0x7, v2;
	v1 =	vunpack.c.l.s4.s8 v1  }
0x7: {  	v3 =	vshrl.u32 v2, $0x3;
	v4 =	vunpack.c.l.s4.s8 v4;
	v5 =	vunpack.c.l.s4.s8 v5  }
0x8: {  	s0 =	rddreg [dreg:$0x0];
	v6 =	vunpack.c.l.s4.s8 v6;
	vm2 =	vmor vm3, vm2;
	v7 =	vunpack.c.0.s8.s32 v1  }
0x9: {  	s1 =	rddreg [dreg:$0x1];
	v8 =	vunpack.c.l.s4.s8 v8;
	[tilespmem:$0x1FFD0] =	vst v0;
	v0 =	vmul.u32 $0x8, v3;
	v3 =	vunpack.c.0.s8.s32 v4  }
0xa: {  	s7 =	rddreg [dreg:$0x4];
	v5 =	vunpack.c.0.s8.s32 v5;
	v6 =	vunpack.c.0.s8.s32 v6;
	v4 =	vand.u32 $0xF, v7  }
0xb: {  	s2 =	srdreg.scid;
	s3 =	stileid.u32;
	s6 =	simm.s32 $0x0;
	vm3 =	vcmask $0x1710;
	v7 =	vimm.s32 $0xEFCDAB89;
	v3 =	vcombine.low v4, v3  }
0xc: {  	s15 =	simm.s32 $0x1;
	s18 =	simm.s32 $0x2;
	s19 =	simm.s32 $0x4;
	v4 =	vcombine.low v6, v5;
	v5 =	vimm.s32 $0xDCFE98BA;
	v6 =	vimm.s32 $0x54761032  }
0xd: {  	s2 =	sand.u32 $0x1, s2;
	s3 =	sshll.u32 s3, $0x1;
	[smem:$0x7FF] =	sst s6;
	v7 =	vunpack.c.l.s4.s8 v7;
	v5 =	vunpack.c.l.s4.s8 v5;
	v6 =	vunpack.c.l.s4.s8 v6  }
0xe: {  	s9 =	sadd.s32 $0x100, s1;
	s3 =	sor.u32 s2, s3;
	s2 =	ssub.s32 $0x2, s2;
	vm3 =	vmor vm4, vm3;
	vm4 =	vcmask $0x2720;
	v8 =	vunpack.c.0.s8.s32 v8  }
.Ltmp0:
0xf: {  	_ =	strace $0x80000047;
	s4 =	sshll.u32 s3, $0x9;
	v7 =	vunpack.c.0.s8.s32 v7;
	v5 =	vunpack.c.0.s8.s32 v5;
	v6 =	vunpack.c.0.s8.s32 v6;
	(pc) =	sbr.rel .LBB2_1-.Ltmp0, $4  }
0x10: {  	v14 =	vimm.s32 $0xE;
	s5 =	sshrl.u32 s2, $0x1;
	s3 =	sshll.u32 s3, $0xA;
	vm3 =	vmor vm3, vm4;
	vm4 =	vcmask $0x3730;
	s0 =	sadd.s32 s4, s0  }
0x11: {  	[tilespmem:$0x1FFE0] =	vst v0;
	s2 =	ssub.s32 s2, s5;
	[dreg:$0x6] =	wrdreg s3;
	v0 =	vor.u32 $0x8, v2;
	s0 =	sadd.s32 $0x400, s0;
	v5 =	vcombine.low v6, v5;
	v6 =	vcombine.low v8, v7  }
0x12: {  	s10 =	sadd.s32 $0x200, s1;
	vm3 =	vmor vm3, vm4;
	s31 =	smax.u32 s2, $0x1;
	[dreg:$0x7] =	wrdreg s0;
	v4 =	vand.u32 $0xF, v4;
	v7 =	vimm.s32 $0x0  }
0x13: {  	s12 =	sadd.s32 $0xC00, s7;
	[tilespmem:$0x1FFF0] =	vst v0;
	s2 =	simm.s32 $0x0;
	[dreg:$0x8] =	wrdreg s31;
	v8 =	vimm.s32 $0x8;
	v5 =	vand.u32 $0xF, v5;
	v6 =	vand.u32 $0xF, v6  }
.LBB2_20:
0x14: {  	s0 =	simm.s32 $0x3  }
0x15: {  	_ =	swait.ge [sflag:s0], $0x6000  }
0x16: {  	[sflag:s0] =	ssyncset.done $0x0  }
0x17: {  	[sflag:s0] =	ssyncadd.s32 $0xFFFFA000  }
0x18: {  	_ =	swait.ge [sflag:s19], $0x6000  }
0x19: {  	s2 =	rddreg [dreg:$0x9]  }
0x1a: {  	s31 =	rddreg [dreg:$0x8];
	s2 =	sadd.s32 $0x1, s2  }
0x1b: {  	p0 =	sne.s32 s2, s31  }
.Ltmp1:
0x1c: {  	_ = 	snop;
	(pc) =	sbr.rel @!p0 .LBB2_21-.Ltmp1, $3  }
0x1d: {  	_ =	sdelay $0x1  }
0x1e: {  	[sflag:s19] =	ssyncset.done $0x0  }
0x1f: {  	[sflag:s19] =	ssyncadd.s32 $0xFFFFA000  }
.LBB2_1:
0x20: {  	[dreg:$0x9] =	wrdreg s2  }
0x21: {  	s0 =	rddreg [dreg:$0x7];
	s3 =	simm.s32 $0x5  }
0x22: {  	[tilespmem:s6], [sflag:$0x5] =	stream.linear.gather [hbm4b:s0+s6], $0x1000, $0x38;
	[tilespmem:$0x19600] =	vst v63  }
0x23: {  	_ =	swait.ge [sflag:s3], $0x1000  }
0x24: {  	[sflag:s3] =	ssyncset.done $0x0  }
0x25: {  	[sflag:s3] =	ssyncadd.s32 $0xFFFFF000  }
0x26: {  	s26 =	simm.s32 $0x1000;
	s25 =	rddreg [dreg:$0x2]  }
0x27: {  	[tilespmem:s26], [sflag:$0x5] =	stream.linear.gather [hbm4b:s25+s6], $0x300, $0x38;
	[tilespmem:$0x19600] =	vst v63  }
0x28: {  	_ =	swait.ge [sflag:s3], $0x300  }
0x29: {  	[sflag:s3] =	ssyncset.done $0x0  }
0x2a: {  	[sflag:s3] =	ssyncadd.s32 $0xFFFFFD00  }
0x2b: {  	s29 =	simm.s32 $0x1300;
	s28 =	rddreg [dreg:$0x3]  }
0x2c: {  	[tilespmem:s29], [sflag:$0x5] =	stream.linear.gather [hbm4b:s28+s6], $0x300, $0x38;
	[tilespmem:$0x19600] =	vst v63  }
0x2d: {  	_ =	swait.ge [sflag:s3], $0x300  }
0x2e: {  	[sflag:s3] =	ssyncset.done $0x0  }
0x2f: {  	[sflag:s3] =	ssyncadd.s32 $0xFFFFFD00  }
0x30: {  	v15 =	vld [tilespmem:$0x0];
	_ =	sdelay $0x3  }
0x31: {  	v0 =	vld [tilespmem:$0x1FFD0]  }
0x32: {  	v16 =	vshrl.u32 v15, $0x3  }
0x33: {  	v1 =	vld [tilespmem:$0x1FFE0];
	v16 =	vmul.u32 $0x30, v16  }
0x34: {  	v15 =	vand.u32 $0x7, v15  }
0x35: {  	v15 =	vor.u32 v15, v16  }
0x36: {  	v16 =	vperm.xlane v15, v0  }
0x37: {  	v2 =	vld [tilespmem:$0x1FFF0]  }
0x38: {  	v16 =	vadd.s32 v1, v16;
	_ =	sdelay $0x3  }
0x39: {  	s30 =	simm.s32 $0x1600;
	v15 =	vperm.xlane v15, v2  }
0x3a: {  	[tilespmem:s30], [sflag:$0x1] =	stream.indirect_vreg.gather [hbm4b:s1+s6], $0x80, v16, vm0, $0xb8;
	[tilespmem:$0x19600] =	vst v63  }
0x3b: {  	s31 =	simm.s32 $0x1E00;
	v15 =	vadd.s32 v1, v15  }
0x3c: {  	[tilespmem:s31], [sflag:$0x1] =	stream.indirect_vreg.gather [hbm4b:s9+s6], $0x80, v16, vm0, $0xb8;
	[tilespmem:$0x19600] =	vst v63  }
0x3d: {  	s2 =	simm.s32 $0x2600  }
0x3e: {  	[tilespmem:s2], [sflag:$0x1] =	stream.indirect_vreg.gather [hbm4b:s10+s6], $0x80, v16, vm0, $0xb8;
	[tilespmem:$0x19600] =	vst v63  }
0x3f: {  	s3 =	simm.s32 $0x2E00  }
0x40: {  	[tilespmem:s3], [sflag:$0x1] =	stream.indirect_vreg.gather [hbm4b:s1+s6], $0x80, v15, vm0, $0xb8;
	[tilespmem:$0x19600] =	vst v63  }
0x41: {  	s4 =	simm.s32 $0x3600  }
0x42: {  	[tilespmem:s4], [sflag:$0x1] =	stream.indirect_vreg.gather [hbm4b:s9+s6], $0x80, v15, vm0, $0xb8;
	[tilespmem:$0x19600] =	vst v63  }
0x43: {  	s5 =	simm.s32 $0x3E00  }
0x44: {  	[tilespmem:s5], [sflag:$0x1] =	stream.indirect_vreg.gather [hbm4b:s10+s6], $0x80, v15, vm0, $0xb8;
	[tilespmem:$0x19600] =	vst v63  }
0x45: {  	v15 =	vld [tilespmem:$0x10];
	_ =	sdelay $0x4  }
0x46: {  	v61 =	vshrl.u32 v15, $0x3  }
0x47: {  	v16 =	vmul.u32 $0x30, v61  }
0x48: {  	v15 =	vand.u32 $0x7, v15  }
0x49: {  	v15 =	vor.u32 v15, v16  }
0x4a: {  	v16 =	vperm.xlane v15, v0;
	_ =	sdelay $0x1  }
0x4b: {  	v16 =	vadd.s32 v1, v16;
	_ =	sdelay $0x3  }
0x4c: {  	s7 =	simm.s32 $0x4600;
	v15 =	vperm.xlane v15, v2  }
0x4d: {  	[tilespmem:s7], [sflag:$0x1] =	stream.indirect_vreg.gather [hbm4b:s1+s6], $0x80, v16, vm0, $0xb8;
	[tilespmem:$0x19600] =	vst v63  }
0x4e: {  	s8 =	simm.s32 $0x4E00;
	v15 =	vadd.s32 v1, v15  }
0x4f: {  	[tilespmem:s8], [sflag:$0x1] =	stream.indirect_vreg.gather [hbm4b:s9+s6], $0x80, v16, vm0, $0xb8;
	[tilespmem:$0x19600] =	vst v63  }
0x50: {  	s11 =	simm.s32 $0x5600  }
0x51: {  	[tilespmem:s11], [sflag:$0x1] =	stream.indirect_vreg.gather [hbm4b:s10+s6], $0x80, v16, vm0, $0xb8;
	[tilespmem:$0x19600] =	vst v63  }
0x52: {  	s13 =	simm.s32 $0x5E00  }
0x53: {  	[tilespmem:s13], [sflag:$0x1] =	stream.indirect_vreg.gather [hbm4b:s1+s6], $0x80, v15, vm0, $0xb8;
	[tilespmem:$0x19600] =	vst v63  }
0x54: {  	s14 =	simm.s32 $0x6600  }
0x55: {  	[tilespmem:s14], [sflag:$0x1] =	stream.indirect_vreg.gather [hbm4b:s9+s6], $0x80, v15, vm0, $0xb8;
	[tilespmem:$0x19600] =	vst v63  }
0x56: {  	s16 =	simm.s32 $0x6E00  }
0x57: {  	[tilespmem:s16], [sflag:$0x1] =	stream.indirect_vreg.gather [hbm4b:s10+s6], $0x80, v15, vm0, $0xb8;
	[tilespmem:$0x19600] =	vst v63  }
0x58: {  	v15 =	vld [tilespmem:$0x80];
	_ =	sdelay $0x4  }
0x59: {  	v62 =	vshrl.u32 v15, $0x3  }
0x5a: {  	v16 =	vmul.u32 $0x30, v62  }
0x5b: {  	v15 =	vand.u32 $0x7, v15  }
0x5c: {  	v15 =	vor.u32 v15, v16  }
0x5d: {  	v16 =	vperm.xlane v15, v0;
	_ =	sdelay $0x1  }
0x5e: {  	v16 =	vadd.s32 v1, v16;
	_ =	sdelay $0x3  }
0x5f: {  	s17 =	simm.s32 $0x7600;
	v15 =	vperm.xlane v15, v2  }
0x60: {  	[tilespmem:s17], [sflag:$0x2] =	stream.indirect_vreg.gather [hbm4b:s1+s6], $0x80, v16, vm0, $0xb8;
	[tilespmem:$0x19600] =	vst v63  }
0x61: {  	s20 =	simm.s32 $0x7E00;
	v15 =	vadd.s32 v1, v15  }
0x62: {  	[tilespmem:s20], [sflag:$0x2] =	stream.indirect_vreg.gather [hbm4b:s9+s6], $0x80, v16, vm0, $0xb8;
	[tilespmem:$0x19600] =	vst v63  }
0x63: {  	s21 =	simm.s32 $0x8600  }
0x64: {  	[tilespmem:s21], [sflag:$0x2] =	stream.indirect_vreg.gather [hbm4b:s10+s6], $0x80, v16, vm0, $0xb8;
	[tilespmem:$0x19600] =	vst v63  }
0x65: {  	s22 =	simm.s32 $0x8E00  }
0x66: {  	[tilespmem:s22], [sflag:$0x2] =	stream.indirect_vreg.gather [hbm4b:s1+s6], $0x80, v15, vm0, $0xb8;
	[tilespmem:$0x19600] =	vst v63  }
0x67: {  	s23 =	simm.s32 $0x9600  }
0x68: {  	[tilespmem:s23], [sflag:$0x2] =	stream.indirect_vreg.gather [hbm4b:s9+s6], $0x80, v15, vm0, $0xb8;
	[tilespmem:$0x19600] =	vst v63  }
0x69: {  	s24 =	simm.s32 $0x9E00  }
0x6a: {  	[tilespmem:s24], [sflag:$0x2] =	stream.indirect_vreg.gather [hbm4b:s10+s6], $0x80, v15, vm0, $0xb8;
	[tilespmem:$0x19600] =	vst v63  }
0x6b: {  	v15 =	vld [tilespmem:$0x90];
	_ =	sdelay $0x4  }
0x6c: {  	v63 =	vshrl.u32 v15, $0x3  }
0x6d: {  	v16 =	vmul.u32 $0x30, v63  }
0x6e: {  	v15 =	vand.u32 $0x7, v15  }
0x6f: {  	v15 =	vor.u32 v15, v16  }
0x70: {  	v16 =	vperm.xlane v15, v0;
	_ =	sdelay $0x1  }
0x71: {  	v16 =	vadd.s32 v1, v16;
	_ =	sdelay $0x3  }
0x72: {  	s25 =	simm.s32 $0xA600;
	v15 =	vperm.xlane v15, v2  }
0x73: {  	[tilespmem:s25], [sflag:$0x2] =	stream.indirect_vreg.gather [hbm4b:s1+s6], $0x80, v16, vm0, $0xb8;
	[tilespmem:$0x19600] =	vst v63  }
0x74: {  	s26 =	simm.s32 $0xAE00;
	v15 =	vadd.s32 v1, v15  }
0x75: {  	[tilespmem:s26], [sflag:$0x2] =	stream.indirect_vreg.gather [hbm4b:s9+s6], $0x80, v16, vm0, $0xb8;
	[tilespmem:$0x19600] =	vst v63  }
0x76: {  	s28 =	simm.s32 $0xB600  }
0x77: {  	[tilespmem:s28], [sflag:$0x2] =	stream.indirect_vreg.gather [hbm4b:s10+s6], $0x80, v16, vm0, $0xb8;
	[tilespmem:$0x19600] =	vst v63  }
0x78: {  	s29 =	simm.s32 $0xBE00  }
0x79: {  	[tilespmem:s29], [sflag:$0x2] =	stream.indirect_vreg.gather [hbm4b:s1+s6], $0x80, v15, vm0, $0xb8;
	[tilespmem:$0x19600] =	vst v63  }
0x7a: {  	s30 =	simm.s32 $0xC600  }
0x7b: {  	[tilespmem:s30], [sflag:$0x2] =	stream.indirect_vreg.gather [hbm4b:s9+s6], $0x80, v15, vm0, $0xb8;
	[tilespmem:$0x19600] =	vst v63  }
0x7c: {  	s31 =	simm.s32 $0xCE00;
	s21 =	simm.s32 $0x0  }
0x7d: {  	[tilespmem:s31], [sflag:$0x2] =	stream.indirect_vreg.gather [hbm4b:s10+s6], $0x80, v15, vm0, $0xb8;
	[tilespmem:$0x19600] =	vst v63  }
.LBB2_2:
0x7e: {  	_ =	swait.ge [sflag:s15], $0x6000  }
0x7f: {  	p0 =	seq.s32 s21, $0x0;
	[sflag:s15] =	ssyncset.done $0x0  }
0x80: {  	s0 =	simm.s32 @!p0 $0x3;
	[sflag:s15] =	ssyncadd.s32 $0xFFFFA000  }
0x81: {  	_ =	swait.ge @!p0 [sflag:s0], $0x6000  }
0x82: {  	[sflag:s0] =	ssyncset.done @!p0 $0x0  }
0x83: {  	s22 =	simm.s32 $0x0;
	s23 =	simm.s32 $0x0;
	[sflag:s0] =	ssyncadd.s32 @!p0 $0xFFFFA000  }
.LBB2_3:
0x84: {  	s0 =	smul.u32 $0x6000, s23;
	_ =	sdelay $0x1  }
0x85: {  	s0 =	sshra.s32 s0, $0x2  }
0x86: {  	s2 =	sand.u32 $0x1C00, s22;
	s0 =	sadd.s32 $0x1600, s0  }
0x87: {  	s3 =	sand.u32 $0x70, s22;
	s2 =	sadd.s32 s2, s0  }
0x88: {  	s3 =	sadd.s32 s3, s2  }
0x89: {  	v16 =	vld [tilespmem:s3+$0x380]  }
0x8a: {  	v17 =	vld [tilespmem:s3+$0x0]  }
0x8b: {  	v18 =	vld [tilespmem:s3+$0x80]  }
0x8c: {  	v20 =	vld [tilespmem:s3+$0x100]  }
0x8d: {  	s31 =	simm.s32 $0x80;
	v22 =	vld [tilespmem:s3+$0x180]  }
0x8e: {  	v15 =	vimm.f32 $0.0e+00;
	s4 =	simm.s32 $0x10;
	s2 =	sand.u32 $0x1C00, s31;
	v24 =	vld [tilespmem:s3+$0x200];
	v19 =	vmul.f32 v16, v16  }
0x8f: {  	s4 =	sand.u32 $0x70, s4;
	s2 =	sadd.s32 s2, s0;
	v27 =	vld [tilespmem:s3+$0x280];
	v29 =	vadd.f32 v16, v15;
	v26 =	vadd.f32 v17, v15;
	v21 =	vmul.f32 v17, v17  }
0x90: {  	v30 =	vld [tilespmem:s3+$0x300];
	s2 =	sadd.s32 s4, s2;
	v16 =	vadd.f32 v18, v15;
	v23 =	vmul.f32 v18, v18;
	v17 =	vadd.f32 v19, v15  }
0x91: {  	v37 =	vld [tilespmem:s2+$0x380];
	v25 =	vmul.f32 v20, v20;
	v18 =	vadd.f32 v21, v15;
	v19 =	vadd.f32 v20, v15  }
0x92: {  	v34 =	vld [tilespmem:s2+$0x0];
	v28 =	vmul.f32 v22, v22;
	v20 =	vadd.f32 v23, v15;
	v21 =	vadd.f32 v22, v15  }
0x93: {  	v33 =	vld [tilespmem:s2+$0x80];
	v35 =	vmul.f32 v24, v24;
	v22 =	vadd.f32 v25, v15;
	v23 =	vadd.f32 v24, v15  }
0x94: {  	v31 =	vld [tilespmem:s2+$0x100];
	v38 =	vmul.f32 v27, v27;
	v24 =	vadd.f32 v28, v15;
	v25 =	vadd.f32 v27, v15  }
0x95: {  	s3 =	simm.s32 $0x100;
	v32 =	vld [tilespmem:s2+$0x180];
	v36 =	vmul.f32 v30, v30;
	v27 =	vadd.f32 v35, v15;
	v28 =	vadd.f32 v30, v15  }
0x96: {  	s5 =	simm.s32 $0x20;
	s8 =	sand.u32 $0x1C00, s3;
	s4 =	simm.s32 $0x30;
	v35 =	vld [tilespmem:s2+$0x200];
	v29 =	vadd.f32 v37, v29;
	v37 =	vmul.f32 v37, v37;
	v30 =	vadd.f32 v38, v15  }
.LBB2_4:
0x97: {  	p1 =	sne.s32 s4, $0x2F0;
	s5 =	sand.u32 $0x70, s5;
	s8 =	sadd.s32 s8, s0;
	v26 =	vadd.f32 v34, v26;
	v34 =	vmul.f32 v34, v34;
	v38 =	vld [tilespmem:s2+$0x280];
	v15 =	vadd.f32 v36, v15  }
0x98: {  	v16 =	vadd.f32 v33, v16;
	v33 =	vmul.f32 v33, v33;
	v36 =	vld [tilespmem:s2+$0x300];
	s2 =	sadd.s32 s5, s8;
	v17 =	vadd.f32 v37, v17;
	s5 =	smov.u32 s4  }
0x99: {  	v37 =	vld [tilespmem:s2+$0x380];
	v18 =	vadd.f32 v34, v18;
	v19 =	vadd.f32 v31, v19;
	v31 =	vmul.f32 v31, v31  }
.Ltmp2:
0x9a: {  	v34 =	vld [tilespmem:s2+$0x0];
	v20 =	vadd.f32 v33, v20;
	v21 =	vadd.f32 v32, v21;
	v32 =	vmul.f32 v32, v32;
	(pc) =	sbr.rel @p1 .LBB2_4-.Ltmp2, $4  }
0x9b: {  	v33 =	vld [tilespmem:s2+$0x80];
	v22 =	vadd.f32 v31, v22;
	v23 =	vadd.f32 v35, v23;
	v35 =	vmul.f32 v35, v35  }
0x9c: {  	v31 =	vld [tilespmem:s2+$0x100];
	v24 =	vadd.f32 v32, v24;
	v25 =	vadd.f32 v38, v25;
	v38 =	vmul.f32 v38, v38  }
0x9d: {  	s3 =	sadd.s32 $0x80, s3;
	v32 =	vld [tilespmem:s2+$0x180];
	v27 =	vadd.f32 v35, v27;
	v28 =	vadd.f32 v36, v28;
	v36 =	vmul.f32 v36, v36  }
0x9e: {  	s8 =	sand.u32 $0x1C00, s3;
	s4 =	sadd.s32 $0x10, s4;
	v35 =	vld [tilespmem:s2+$0x200];
	v29 =	vadd.f32 v37, v29;
	v37 =	vmul.f32 v37, v37;
	v30 =	vadd.f32 v38, v30  }
0x9f: {  	s3 =	sand.u32 $0x70, s5;
	s0 =	sadd.s32 s8, s0;
	v38 =	vld [tilespmem:s2+$0x280]  }
0xa0: {  	v59 =	vld [tilespmem:s2+$0x300];
	s0 =	sadd.s32 s3, s0  }
0xa1: {  	v26 =	vadd.f32 v34, v26;
	v57 =	vmul.f32 v34, v34;
	v60 =	vld [tilespmem:s0+$0x380]  }
0xa2: {  	v15 =	vadd.f32 v36, v15;
	v16 =	vadd.f32 v33, v16;
	v58 =	vmul.f32 v33, v33;
	v61 =	vld [tilespmem:s0+$0x0]  }
0xa3: {  	v17 =	vadd.f32 v37, v17;
	v19 =	vadd.f32 v31, v19;
	v31 =	vmul.f32 v31, v31;
	v63 =	vld [tilespmem:s0+$0x80]  }
0xa4: {  	v18 =	vadd.f32 v57, v18;
	v40 =	vld [tilespmem:s0+$0x100];
	v20 =	vadd.f32 v58, v20;
	v62 =	vmul.f32 v32, v32  }
0xa5: {  	v42 =	vld [tilespmem:s0+$0x180];
	v21 =	vadd.f32 v32, v21;
	v22 =	vadd.f32 v31, v22  }
0xa6: {  	v43 =	vld [tilespmem:s0+$0x200];
	v23 =	vadd.f32 v35, v23;
	v31 =	vmul.f32 v35, v35;
	v24 =	vadd.f32 v62, v24  }
0xa7: {  	v45 =	vld [tilespmem:s0+$0x280];
	v25 =	vadd.f32 v38, v25;
	v41 =	vmul.f32 v38, v38;
	v28 =	vadd.f32 v59, v28  }
0xa8: {  	v46 =	vld [tilespmem:s0+$0x300];
	v27 =	vadd.f32 v31, v27;
	v31 =	vmul.f32 v59, v59;
	v29 =	vadd.f32 v60, v29  }
0xa9: {  	v37 =	vmul.f32 v60, v60;
	v30 =	vadd.f32 v41, v30;
	v26 =	vadd.f32 v61, v26  }
0xaa: {  	v44 =	vmul.f32 v61, v61;
	v16 =	vadd.f32 v63, v16;
	v19 =	vadd.f32 v40, v19  }
0xab: {  	v47 =	vmul.f32 v40, v40;
	v21 =	vadd.f32 v42, v21;
	v23 =	vadd.f32 v43, v23  }
0xac: {  	v48 =	vmul.f32 v43, v43;
	v15 =	vadd.f32 v31, v15;
	v31 =	vmul.f32 v63, v63  }
0xad: {  	v25 =	vadd.f32 v45, v25;
	v28 =	vadd.f32 v46, v28;
	v33 =	vmul.f32 v46, v46  }
0xae: {  	v17 =	vadd.f32 v37, v17;
	v20 =	vadd.f32 v31, v20;
	v31 =	vmul.f32 v42, v42  }
0xaf: {  	v18 =	vadd.f32 v44, v18;
	v22 =	vadd.f32 v47, v22;
	v49 =	vperm.xlane v26, v3  }
0xb0: {  	v50 =	vperm.xlane v16, v3;
	v24 =	vadd.f32 v31, v24;
	v31 =	vmul.f32 v45, v45  }
0xb1: {  	v27 =	vadd.f32 v48, v27;
	v51 =	vperm.xlane v21, v3;
	v52 =	vperm.xlane v25, v3  }
0xb2: {  	v53 =	vperm.xlane v28, v3;
	v30 =	vadd.f32 v31, v30;
	v31 =	vperm.xlane v19, v3  }
0xb3: {  	v54 =	vperm.xlane v29, v3;
	v26 =	vadd.f32 v49, v26;
	v16 =	vadd.f32 v50, v16  }
0xb4: {  	v21 =	vadd.f32 v51, v21;
	v19 =	vadd.f32 v31, v19;
	v31 =	vperm.xlane v23, v3  }
0xb5: {  	v25 =	vadd.f32 v52, v25;
	v16 =	vsel vm1, v26, v16;
	v26 =	vadd.f32 v53, v28  }
0xb6: {  	v28 =	vadd.f32 v54, v29;
	v23 =	vadd.f32 v31, v23  }
0xb7: {  	v15 =	vadd.f32 v33, v15;
	v19 =	vsel vm1, v19, v21;
	v21 =	vperm.xlane v16, v4  }
0xb8: {  	v23 =	vsel vm1, v23, v25;
	v25 =	vsel vm1, v26, v28;
	v26 =	vperm.xlane v19, v4  }
0xb9: {  	v16 =	vadd.f32 v21, v16;
	v21 =	vperm.xlane v23, v4;
	v28 =	vperm.xlane v25, v4  }
0xba: {  	v29 =	vperm.xlane v20, v3;
	v19 =	vadd.f32 v26, v19;
	v26 =	vperm.xlane v18, v3  }
0xbb: {  	v21 =	vadd.f32 v21, v23;
	v23 =	vadd.f32 v28, v25;
	v25 =	vperm.xlane v22, v3  }
0xbc: {  	v20 =	vadd.f32 v29, v20;
	v18 =	vadd.f32 v26, v18;
	v26 =	vperm.xlane v24, v3  }
0xbd: {  	v28 =	vperm.xlane v30, v3;
	v22 =	vadd.f32 v25, v22;
	v25 =	vperm.xlane v27, v3  }
0xbe: {  	v29 =	vperm.xlane v17, v3;
	v24 =	vadd.f32 v26, v24;
	v26 =	vperm.xlane v15, v3  }
0xbf: {  	v25 =	vadd.f32 v25, v27;
	v27 =	vadd.f32 v28, v30  }
0xc0: {  	v17 =	vadd.f32 v29, v17;
	v15 =	vadd.f32 v26, v15  }
0xc1: {  	v18 =	vsel vm1, v18, v20;
	v20 =	vsel vm1, v22, v24;
	v22 =	vsel vm1, v25, v27  }
0xc2: {  	v24 =	vperm.xlane v20, v4;
	v15 =	vsel vm1, v15, v17;
	v17 =	vperm.xlane v18, v4  }
0xc3: {  	v16 =	vsel vm2, v16, v19;
	v19 =	vperm.xlane v22, v4;
	v25 =	vperm.xlane v15, v4  }
0xc4: {  	v21 =	vsel vm2, v21, v23;
	v17 =	vadd.f32 v17, v18;
	v18 =	vadd.f32 v24, v20  }
0xc5: {  	v20 =	vperm.xlane v16, v5;
	v19 =	vadd.f32 v19, v22;
	v15 =	vadd.f32 v25, v15  }
0xc6: {  	v22 =	vperm.xlane v21, v5  }
0xc7: {  	v16 =	vadd.f32 v20, v16;
	v17 =	vsel vm2, v17, v18;
	v15 =	vsel vm2, v19, v15  }
0xc8: {  	v18 =	vadd.f32 v22, v21;
	v19 =	vperm.xlane v17, v5;
	v20 =	vperm.xlane v15, v5;
	_ =	sdelay $0x1  }
0xc9: {  	v16 =	vsel vm3, v16, v18;
	v17 =	vadd.f32 v19, v17;
	v15 =	vadd.f32 v20, v15  }
0xca: {  	v18 =	vperm.xlane v16, v6  }
0xcb: {  	v15 =	vsel vm3, v17, v15  }
0xcc: {  	v16 =	vadd.f32 v16, v18;
	v17 =	vperm.xlane v15, v6;
	_ =	sdelay $0x1  }
0xcd: {  	v16 =	vmul.f32 $1.302083370e-03, v16;
	v15 =	vadd.f32 v15, v17;
	_ =	sdelay $0x1  }
0xce: {  	v17 =	vmul.f32 v16, v16;
	v15 =	vmul.f32 $1.302083370e-03, v15;
	_ =	sdelay $0x1  }
0xcf: {  	v15 =	vsub.f32 v15, v17;
	_ =	sdelay $0x1  }
0xd0: {  	v15 =	vadd.f32 $9.999999740e-06, v15;
	_ =	sdelay $0x1  }
0xd1: {  	v17 =	vshra.s32 v15, $0x1;
	v15 =	vmul.f32 $5.000000000e-01, v15  }
0xd2: {  	v17 =	vsub.s32 $0x5F3759DF, v17  }
0xd3: {  	v18 =	vmul.f32 v17, v15;
	_ =	sdelay $0x1  }
0xd4: {  	v18 =	vmul.f32 v17, v18;
	_ =	sdelay $0x1  }
0xd5: {  	v18 =	vsub.f32 $1.500000000e+00, v18;
	_ =	sdelay $0x1  }
0xd6: {  	v17 =	vmul.f32 v17, v18;
	_ =	sdelay $0x1  }
0xd7: {  	v18 =	vmul.f32 v17, v15;
	_ =	sdelay $0x1  }
0xd8: {  	v18 =	vmul.f32 v18, v17;
	_ =	sdelay $0x1  }
0xd9: {  	v18 =	vsub.f32 $1.500000000e+00, v18;
	_ =	sdelay $0x1  }
0xda: {  	v17 =	vmul.f32 v18, v17;
	_ =	sdelay $0x1  }
0xdb: {  	s24 =	smul.u32 $0x1800, s23;
	s25 =	simm.s32 $0x0;
	v15 =	vmul.f32 v17, v15  }
0xdc: {  	s4 =	sand.u32 $0x1C00, s25  }
0xdd: {  	s5 =	sand.u32 $0x40, s25;
	s7 =	sadd.s32 s24, s4;
	v15 =	vmul.f32 v15, v17  }
0xde: {  	s13 =	sor.u32 s5, s7  }
0xdf: {  	v55 =	vld [tilespmem:s13+$0x1700];
	v15 =	vsub.f32 $1.500000000e+00, v15  }
0xe0: {  	v56 =	vld [tilespmem:s13+$0x1780]  }
0xe1: {  	s14 =	sor.u32 $0x10, s5;
	v57 =	vld [tilespmem:s13+$0x1800];
	v29 =	vmul.f32 v15, v17;
	v15 =	vsub.f32 $0.0e+00, v16  }
0xe2: {  	s28 =	sor.u32 s14, s7;
	v58 =	vld [tilespmem:s13+$0x1880]  }
0xe3: {  	v39 =	vld [tilespmem:s28+$0x1600];
	v30 =	vmul.f32 v29, v15;
	v15 =	vperm.xlane v29, v7  }
0xe4: {  	v27 =	vld [tilespmem:s13+$0x1600];
	v17 =	vperm.xlane v29, v8;
	v19 =	vperm.xlane v29, v9  }
0xe5: {  	v28 =	vld [tilespmem:s13+$0x1680];
	v21 =	vperm.xlane v29, v10;
	v23 =	vperm.xlane v29, v11  }
0xe6: {  	v60 =	vld [tilespmem:s13+$0x1900];
	v25 =	vperm.xlane v29, v12;
	v16 =	vperm.xlane v30, v7  }
0xe7: {  	v40 =	vld [tilespmem:s28+$0x1680];
	v18 =	vperm.xlane v30, v8;
	v20 =	vperm.xlane v30, v9  }
0xe8: {  	s26 =	simm.s32 $0x1000;
	v41 =	vld [tilespmem:s28+$0x1700];
	v22 =	vperm.xlane v30, v10;
	v24 =	vperm.xlane v30, v11  }
0xe9: {  	v31 =	vld [tilespmem:s26+$0x0];
	v26 =	vperm.xlane v30, v12;
	v59 =	vmul.f32 v27, v15  }
0xea: {  	s29 =	simm.s32 $0x1300;
	v43 =	vld [tilespmem:s28+$0x1800];
	v27 =	vperm.xlane v29, v13;
	v61 =	vmul.f32 v28, v17  }
0xeb: {  	s16 =	sor.u32 $0x20, s5;
	v44 =	vld [tilespmem:s29+$0x0];
	v28 =	vperm.xlane v30, v13;
	v32 =	vmul.f32 v55, v19  }
0xec: {  	s4 =	sor.u32 s16, s7;
	v63 =	vld [tilespmem:s28+$0x1900];
	v33 =	vmul.f32 v56, v21;
	v34 =	vmul.f32 v57, v23;
	v36 =	vadd.f32 v59, v16  }
0xed: {  	v47 =	vld [tilespmem:s4+$0x1880];
	v35 =	vmul.f32 v58, v25;
	v29 =	vperm.xlane v29, v14;
	v38 =	vadd.f32 v61, v18  }
0xee: {  	v48 =	vld [tilespmem:s4+$0x1900];
	v32 =	vadd.f32 v32, v20;
	v33 =	vadd.f32 v33, v22;
	v36 =	vmul.f32 v36, v31  }
0xef: {  	s3 =	sor.u32 $0x30, s5;
	v42 =	vld [tilespmem:s28+$0x1780];
	v37 =	vmul.f32 v60, v27;
	v34 =	vadd.f32 v34, v24;
	v38 =	vmul.f32 v38, v31  }
0xf0: {  	s30 =	sor.u32 s3, s7;
	v49 =	vld [tilespmem:s4+$0x1980];
	v35 =	vadd.f32 v35, v26;
	v32 =	vmul.f32 v32, v31;
	v36 =	vadd.f32 v36, v44  }
0xf1: {  	v52 =	vld [tilespmem:s30+$0x1680];
	v33 =	vmul.f32 v33, v31;
	v34 =	vmul.f32 v34, v31;
	v38 =	vadd.f32 v38, v44  }
0xf2: {  	v45 =	vld [tilespmem:s28+$0x1880];
	v62 =	vadd.f32 v37, v28;
	v35 =	vmul.f32 v35, v31;
	v32 =	vadd.f32 v32, v44;
	[tilespmem:s13+$0xD600] =	vst v36  }
0xf3: {  	v37 =	vmul.f32 v63, v27;
	v63 =	vmul.f32 v48, v27;
	v48 =	vld [tilespmem:s30+$0x1880];
	v33 =	vadd.f32 v33, v44;
	[tilespmem:s13+$0xD680] =	vst v38  }
0xf4: {  	v53 =	vadd.f32 v34, v44;
	v54 =	vmul.f32 v62, v31;
	v55 =	vadd.f32 v35, v44;
	v35 =	vld [tilespmem:s4+$0x1680];
	[tilespmem:s13+$0xD700] =	vst v32  }
0xf5: {  	v30 =	vperm.xlane v30, v14;
	v39 =	vmul.f32 v39, v15;
	v36 =	vld [tilespmem:s4+$0x1600];
	[tilespmem:s13+$0xD780] =	vst v33  }
0xf6: {  	v41 =	vmul.f32 v41, v19;
	v42 =	vmul.f32 v42, v21;
	v38 =	vld [tilespmem:s28+$0x1980];
	[tilespmem:s13+$0xD800] =	vst v53;
	v56 =	vadd.f32 v54, v44  }
0xf7: {  	s11 =	sor.u32 s7, s25;
	v40 =	vmul.f32 v40, v17;
	v43 =	vmul.f32 v43, v23;
	[tilespmem:s13+$0xD880] =	vst v55;
	v33 =	vld [tilespmem:s4+$0x1780]  }
0xf8: {  	s17 =	sor.u32 $0x380, s11;
	v45 =	vmul.f32 v45, v25;
	v58 =	vadd.f32 v41, v20;
	v61 =	vadd.f32 v42, v22;
	v34 =	vld [tilespmem:s4+$0x1700];
	[tilespmem:s13+$0xD900] =	vst v56  }
0xf9: {  	v43 =	vadd.f32 v43, v24;
	v62 =	vmul.f32 v47, v25;
	v47 =	vadd.f32 v63, v28;
	v46 =	vld [tilespmem:s17+$0x1600]  }
0xfa: {  	v32 =	vld [tilespmem:s4+$0x1800];
	v54 =	vadd.f32 v39, v16;
	v55 =	vadd.f32 v40, v18;
	v36 =	vmul.f32 v36, v15  }
0xfb: {  	v40 =	vadd.f32 v45, v26;
	v45 =	vld [tilespmem:s30+$0x1600];
	v53 =	vmul.f32 v49, v29;
	v57 =	vmul.f32 v38, v29  }
0xfc: {  	s20 =	sand.u32 $0x380, s25;
	v59 =	vmul.f32 v35, v17;
	v33 =	vmul.f32 v33, v21;
	v35 =	vadd.f32 v36, v16;
	v36 =	vld [tilespmem:s30+$0x1780]  }
0xfd: {  	s0 =	sor.u32 s20, s14;
	v51 =	vadd.f32 v53, v30;
	v39 =	vadd.f32 v57, v30;
	v57 =	vld [tilespmem:s30+$0x1800]  }
0xfe: {  	v56 =	vmul.f32 v52, v17;
	v41 =	vadd.f32 v33, v22;
	v33 =	vld [tilespmem:s0+$0x1000];
	v60 =	vmul.f32 v46, v29  }
0xff: {  	v34 =	vmul.f32 v34, v19;
	v38 =	vadd.f32 v37, v28;
	v37 =	vadd.f32 v59, v18;
	v46 =	vld [tilespmem:s30+$0x1700]  }
0x100: {  	v32 =	vmul.f32 v32, v23;
	v59 =	vld [tilespmem:s30+$0x1900];
	v45 =	vmul.f32 v45, v15;
	v50 =	vadd.f32 v60, v30  }
0x101: {  	v53 =	vadd.f32 v56, v18;
	v34 =	vadd.f32 v34, v20;
	v60 =	vld [tilespmem:s30+$0x1980]  }
0x102: {  	v42 =	vadd.f32 v32, v24;
	v52 =	vadd.f32 v45, v16;
	v31 =	vmul.f32 v50, v31  }
0x103: {  	s5 =	sor.u32 s20, s16;
	v50 =	vadd.f32 v62, v26;
	v63 =	vmul.f32 v36, v21;
	v32 =	vmul.f32 v57, v23  }
0x104: {  	v56 =	vld [tilespmem:s5+$0x1000];
	v58 =	vmul.f32 v58, v33;
	v62 =	vmul.f32 v46, v19;
	v31 =	vadd.f32 v31, v44  }
0x105: {  	s2 =	sor.u32 s20, s3;
	v57 =	vld [tilespmem:s0+$0x1300];
	v46 =	vmul.f32 v48, v25;
	v49 =	vadd.f32 v63, v22;
	v44 =	vadd.f32 v32, v24  }
0x106: {  	v36 =	vld [tilespmem:s2+$0x1000];
	v48 =	vadd.f32 v62, v20;
	v62 =	vmul.f32 v59, v27;
	v63 =	vmul.f32 v60, v29  }
0x107: {  	v32 =	vld [tilespmem:s5+$0x1300];
	v45 =	vadd.f32 v46, v26;
	v60 =	vmul.f32 v54, v33;
	v59 =	vmul.f32 v55, v33  }
0x108: {  	s31 =	simm.s32 $0x0;
	s0 =	simm.s32 $0x200;
	v55 =	vmul.f32 v61, v33;
	[tilespmem:s17+$0xD600] =	vst v31;
	v31 =	vld [tilespmem:s2+$0x1300];
	v46 =	vadd.f32 v62, v28;
	v54 =	vadd.f32 v63, v30  }
.LBB2_6:
0x109: {  	s2 =	sand.u32 $0x1C00, s0;
	v43 =	vmul.f32 v43, v33;
	v40 =	vmul.f32 v40, v33;
	s25 =	sadd.s32 $0x40, s25  }
0x10a: {  	v38 =	vmul.f32 v38, v33;
	v39 =	vmul.f32 v39, v33;
	s26 =	sadd.s32 $0x40, s26;
	s3 =	sand.u32 $0x40, s25;
	s8 =	sadd.s32 s24, s2;
	v60 =	vadd.f32 v60, v57  }
0x10b: {  	v35 =	vmul.f32 v35, v56;
	v37 =	vmul.f32 v37, v56;
	v59 =	vadd.f32 v59, v57;
	v33 =	vld [tilespmem:s26+$0x0];
	s11 =	sor.u32 s3, s8;
	s2 =	sor.u32 $0x10, s3;
	s17 =	sor.u32 $0x20, s3  }
0x10c: {  	v58 =	vadd.f32 v58, v57;
	s20 =	sor.u32 $0x30, s3;
	v61 =	vld [tilespmem:s11+$0x1600];
	s16 =	sor.u32 s2, s8;
	s14 =	sor.u32 s17, s8;
	[tilespmem:s28+$0xD600] =	vst v60;
	v60 =	vmul.f32 v34, v56;
	v34 =	vmul.f32 v41, v56  }
0x10d: {  	s7 =	sand.u32 $0x380, s25;
	s5 =	sor.u32 s20, s8;
	v41 =	vmul.f32 v50, v56;
	v62 =	vld [tilespmem:s11+$0x1680];
	[tilespmem:s28+$0xD680] =	vst v59;
	v59 =	vadd.f32 v55, v57;
	v55 =	vmul.f32 v42, v56  }
0x10e: {  	v51 =	vmul.f32 v51, v56;
	v43 =	vadd.f32 v43, v57;
	s13 =	sor.u32 s7, s2;
	s3 =	sor.u32 s7, s17;
	s2 =	sor.u32 s7, s20;
	v42 =	vmul.f32 v47, v56;
	v63 =	vld [tilespmem:s11+$0x1700];
	[tilespmem:s28+$0xD700] =	vst v58  }
0x10f: {  	v40 =	vadd.f32 v40, v57;
	v50 =	vmul.f32 v52, v36;
	v47 =	vmul.f32 v53, v36;
	v56 =	vld [tilespmem:s11+$0x1780];
	[tilespmem:s28+$0xD780] =	vst v59  }
0x110: {  	s31 =	sadd.s32 $0x4, s31;
	v38 =	vadd.f32 v38, v57;
	v52 =	vmul.f32 v48, v36;
	v48 =	vmul.f32 v49, v36;
	v58 =	vld [tilespmem:s11+$0x1800];
	[tilespmem:s28+$0xD800] =	vst v43  }
0x111: {  	p1 =	slt.u32 s31, $0x2C;
	v39 =	vadd.f32 v39, v57;
	v49 =	vmul.f32 v44, v36;
	v44 =	vmul.f32 v45, v36;
	v43 =	vld [tilespmem:s11+$0x1880];
	[tilespmem:s28+$0xD880] =	vst v40  }
0x112: {  	s29 =	sadd.s32 $0x40, s29;
	v35 =	vadd.f32 v35, v32;
	v45 =	vmul.f32 v46, v36;
	v40 =	vmul.f32 v61, v15;
	v57 =	vld [tilespmem:s11+$0x1900];
	[tilespmem:s28+$0xD900] =	vst v38  }
0x113: {  	v37 =	vadd.f32 v37, v32;
	v46 =	vmul.f32 v54, v36;
	v38 =	vmul.f32 v62, v17;
	v53 =	vld [tilespmem:s29+$0x0];
	[tilespmem:s28+$0xD980] =	vst v39;
	s28 =	smov.u32 s16  }
0x114: {  	v36 =	vadd.f32 v40, v16;
	v39 =	vmul.f32 v63, v19;
	v40 =	vld [tilespmem:s28+$0x1600];
	[tilespmem:s4+$0xD600] =	vst v35;
	v35 =	vadd.f32 v60, v32  }
0x115: {  	v38 =	vadd.f32 v38, v18;
	v54 =	vmul.f32 v56, v21;
	v56 =	vmul.f32 v58, v23;
	v58 =	vld [tilespmem:s28+$0x1680];
	[tilespmem:s4+$0xD680] =	vst v37  }
0x116: {  	v36 =	vmul.f32 v36, v33;
	v37 =	vadd.f32 v39, v20;
	v39 =	vmul.f32 v43, v25;
	v43 =	vld [tilespmem:s28+$0x1700];
	[tilespmem:s4+$0xD700] =	vst v35  }
0x117: {  	v35 =	vmul.f32 v38, v33;
	v38 =	vadd.f32 v54, v22;
	v54 =	vmul.f32 v57, v27;
	v57 =	vld [tilespmem:s28+$0x1780]  }
0x118: {  	v37 =	vmul.f32 v37, v33;
	v56 =	vadd.f32 v56, v24;
	v36 =	vadd.f32 v36, v53;
	v59 =	vld [tilespmem:s28+$0x1800]  }
0x119: {  	v35 =	vadd.f32 v35, v53;
	v38 =	vmul.f32 v38, v33;
	v39 =	vadd.f32 v39, v26;
	v60 =	vld [tilespmem:s28+$0x1880]  }
0x11a: {  	v54 =	vadd.f32 v54, v28;
	[tilespmem:s11+$0xD600] =	vst v36;
	v36 =	vadd.f32 v37, v53;
	v37 =	vmul.f32 v56, v33;
	v56 =	vld [tilespmem:s28+$0x1900]  }
0x11b: {  	[tilespmem:s11+$0xD680] =	vst v35;
	v35 =	vadd.f32 v38, v53;
	v38 =	vmul.f32 v39, v33;
	v39 =	vmul.f32 v40, v15;
	v40 =	vld [tilespmem:s28+$0x1980]  }
0x11c: {  	[tilespmem:s11+$0xD700] =	vst v36;
	v36 =	vadd.f32 v37, v53;
	v37 =	vmul.f32 v54, v33;
	v54 =	vmul.f32 v58, v17;
	v58 =	vld [tilespmem:s14+$0x1600]  }
0x11d: {  	[tilespmem:s11+$0xD780] =	vst v35;
	v35 =	vadd.f32 v38, v53;
	v38 =	vmul.f32 v43, v19;
	v43 =	vmul.f32 v57, v21;
	v57 =	vld [tilespmem:s14+$0x1680]  }
0x11e: {  	[tilespmem:s11+$0xD800] =	vst v36;
	v36 =	vadd.f32 v37, v53;
	v37 =	vmul.f32 v59, v23;
	v59 =	vmul.f32 v60, v25;
	v60 =	vld [tilespmem:s14+$0x1700]  }
0x11f: {  	s7 =	sor.u32 s8, s25;
	v61 =	vadd.f32 v39, v16;
	v54 =	vadd.f32 v54, v18;
	[tilespmem:s11+$0xD880] =	vst v35;
	v35 =	vmul.f32 v56, v27;
	v56 =	vld [tilespmem:s14+$0x1780]  }
0x120: {  	s8 =	sor.u32 $0x380, s7;
	v62 =	vadd.f32 v38, v20;
	v63 =	vadd.f32 v43, v22;
	[tilespmem:s11+$0xD900] =	vst v36;
	v36 =	vmul.f32 v40, v29;
	v0 =	vld [tilespmem:s14+$0x1800]  }
0x121: {  	v43 =	vadd.f32 v37, v24;
	v40 =	vadd.f32 v59, v26;
	v2 =	vld [tilespmem:s8+$0x1600];
	v37 =	vmul.f32 v58, v15  }
0x122: {  	v38 =	vadd.f32 v35, v28;
	v39 =	vadd.f32 v36, v30;
	v36 =	vmul.f32 v57, v17;
	v57 =	vld [tilespmem:s14+$0x1880]  }
0x123: {  	v35 =	vadd.f32 v37, v16;
	v58 =	vmul.f32 v60, v19;
	v59 =	vld [tilespmem:s14+$0x1900];
	v60 =	vadd.f32 v34, v32  }
0x124: {  	v55 =	vadd.f32 v55, v32;
	v37 =	vadd.f32 v36, v18;
	v36 =	vmul.f32 v56, v21;
	v56 =	vld [tilespmem:s14+$0x1980]  }
0x125: {  	v34 =	vadd.f32 v58, v20;
	v0 =	vmul.f32 v0, v23;
	v58 =	vld [tilespmem:s5+$0x1600];
	[tilespmem:s4+$0xD780] =	vst v60;
	v60 =	vadd.f32 v41, v32  }
0x126: {  	v2 =	vmul.f32 v2, v29;
	v41 =	vadd.f32 v36, v22;
	v36 =	vld [tilespmem:s5+$0x1680];
	[tilespmem:s4+$0xD800] =	vst v55;
	v55 =	vadd.f32 v42, v32  }
0x127: {  	v32 =	vadd.f32 v51, v32;
	v42 =	vadd.f32 v0, v24;
	v0 =	vmul.f32 v57, v25;
	v57 =	vld [tilespmem:s5+$0x1700];
	[tilespmem:s4+$0xD880] =	vst v60  }
0x128: {  	v2 =	vadd.f32 v2, v30;
	v51 =	vmul.f32 v59, v27;
	v59 =	vld [tilespmem:s5+$0x1780];
	[tilespmem:s4+$0xD900] =	vst v55;
	v55 =	vadd.f32 v50, v31  }
0x129: {  	v50 =	vadd.f32 v0, v26;
	v0 =	vmul.f32 v56, v29;
	v60 =	vld [tilespmem:s5+$0x1800];
	[tilespmem:s4+$0xD980] =	vst v32;
	v32 =	vadd.f32 v47, v31;
	s4 =	smov.u32 s14  }
0x12a: {  	v2 =	vmul.f32 v2, v33;
	v47 =	vadd.f32 v51, v28;
	v33 =	vmul.f32 v58, v15;
	v58 =	vld [tilespmem:s5+$0x1880];
	[tilespmem:s30+$0xD600] =	vst v55  }
0x12b: {  	v51 =	vadd.f32 v0, v30;
	v0 =	vmul.f32 v36, v17;
	v55 =	vld [tilespmem:s5+$0x1900];
	[tilespmem:s30+$0xD680] =	vst v32;
	v32 =	vadd.f32 v52, v31  }
0x12c: {  	v2 =	vadd.f32 v2, v53;
	v52 =	vadd.f32 v33, v16;
	v36 =	vmul.f32 v57, v19;
	v1 =	vld [tilespmem:s5+$0x1980]  }
0x12d: {  	v33 =	vld [tilespmem:s13+$0x1000];
	v53 =	vadd.f32 v0, v18;
	v0 =	vmul.f32 v59, v21;
	[tilespmem:s30+$0xD700] =	vst v32;
	v32 =	vadd.f32 v48, v31  }
0x12e: {  	v59 =	vadd.f32 v49, v31;
	[tilespmem:s8+$0xD600] =	vst v2;
	v56 =	vld [tilespmem:s3+$0x1000];
	v48 =	vadd.f32 v36, v20;
	v2 =	vmul.f32 v60, v23  }
.Ltmp3:
0x12f: {  	v36 =	vld [tilespmem:s2+$0x1000];
	v49 =	vadd.f32 v0, v22;
	v0 =	vmul.f32 v58, v25;
	[tilespmem:s30+$0xD780] =	vst v32;
	v58 =	vadd.f32 v44, v31;
	(pc) =	sbr.rel @p1 .LBB2_6-.Ltmp3, $4  }
0x130: {  	v57 =	vld [tilespmem:s13+$0x1300];
	v44 =	vadd.f32 v2, v24;
	v2 =	vmul.f32 v55, v27;
	[tilespmem:s30+$0xD800] =	vst v59;
	v55 =	vadd.f32 v45, v31  }
0x131: {  	v32 =	vld [tilespmem:s3+$0x1300];
	v45 =	vadd.f32 v0, v26;
	v0 =	vmul.f32 v1, v29;
	[tilespmem:s30+$0xD880] =	vst v58;
	v1 =	vadd.f32 v46, v31  }
0x132: {  	v60 =	vmul.f32 v61, v33;
	v59 =	vmul.f32 v54, v33;
	v31 =	vld [tilespmem:s2+$0x1300];
	v46 =	vadd.f32 v2, v28;
	[tilespmem:s30+$0xD900] =	vst v55  }
0x133: {  	s0 =	sadd.s32 $0x200, s0;
	v58 =	vmul.f32 v62, v33;
	v55 =	vmul.f32 v63, v33;
	v54 =	vadd.f32 v0, v30;
	[tilespmem:s30+$0xD980] =	vst v1;
	s30 =	smov.u32 s5  }
0x134: {  	_ = 	snop  }
0x135: {  	v0 =	vadd.f32 v60, v57  }
0x136: {  	v1 =	vadd.f32 v59, v57  }
0x137: {  	v2 =	vmul.f32 v43, v33;
	[tilespmem:s28+$0xD600] =	vst v0;
	v0 =	vadd.f32 v58, v57  }
0x138: {  	v15 =	vmul.f32 v40, v33;
	[tilespmem:s28+$0xD680] =	vst v1;
	v1 =	vadd.f32 v55, v57  }
0x139: {  	v16 =	vmul.f32 v38, v33;
	[tilespmem:s28+$0xD700] =	vst v0;
	v0 =	vadd.f32 v2, v57  }
0x13a: {  	v2 =	vmul.f32 v39, v33;
	[tilespmem:s28+$0xD780] =	vst v1;
	v1 =	vadd.f32 v15, v57  }
0x13b: {  	v15 =	vmul.f32 v35, v56;
	[tilespmem:s28+$0xD800] =	vst v0;
	v0 =	vadd.f32 v16, v57  }
0x13c: {  	v59 =	vmul.f32 v37, v56;
	[tilespmem:s28+$0xD880] =	vst v1;
	v1 =	vadd.f32 v2, v57  }
0x13d: {  	v2 =	vmul.f32 v34, v56;
	[tilespmem:s28+$0xD900] =	vst v0;
	v0 =	vadd.f32 v15, v32  }
0x13e: {  	v15 =	vmul.f32 v41, v56;
	[tilespmem:s28+$0xD980] =	vst v1;
	v1 =	vadd.f32 v59, v32  }
0x13f: {  	v60 =	vmul.f32 v42, v56;
	[tilespmem:s4+$0xD600] =	vst v0;
	v0 =	vadd.f32 v2, v32  }
0x140: {  	v2 =	vmul.f32 v50, v56;
	[tilespmem:s4+$0xD680] =	vst v1;
	v1 =	vadd.f32 v15, v32  }
0x141: {  	v15 =	vmul.f32 v47, v56;
	[tilespmem:s4+$0xD700] =	vst v0;
	v0 =	vadd.f32 v60, v32  }
0x142: {  	v61 =	vmul.f32 v51, v56;
	[tilespmem:s4+$0xD780] =	vst v1;
	v1 =	vadd.f32 v2, v32  }
0x143: {  	v2 =	vmul.f32 v52, v36;
	[tilespmem:s4+$0xD800] =	vst v0;
	v0 =	vadd.f32 v15, v32  }
0x144: {  	v15 =	vmul.f32 v53, v36;
	[tilespmem:s4+$0xD880] =	vst v1;
	v1 =	vadd.f32 v61, v32  }
0x145: {  	v62 =	vmul.f32 v48, v36;
	[tilespmem:s4+$0xD900] =	vst v0;
	v0 =	vadd.f32 v2, v31  }
0x146: {  	v2 =	vmul.f32 v49, v36;
	[tilespmem:s4+$0xD980] =	vst v1;
	v1 =	vadd.f32 v15, v31  }
0x147: {  	v15 =	vmul.f32 v44, v36;
	[tilespmem:s30+$0xD600] =	vst v0;
	v0 =	vadd.f32 v62, v31  }
0x148: {  	v63 =	vmul.f32 v45, v36;
	s23 =	sadd.s32 $0x1, s23;
	[tilespmem:s30+$0xD680] =	vst v1;
	v1 =	vadd.f32 v2, v31  }
0x149: {  	p1 =	sne.s32 s23, $0x4;
	v2 =	vmul.f32 v46, v36;
	[tilespmem:s30+$0xD700] =	vst v0;
	v0 =	vadd.f32 v15, v31  }
.Ltmp4:
0x14a: {  	v15 =	vmul.f32 v54, v36;
	[tilespmem:s30+$0xD780] =	vst v1;
	v1 =	vadd.f32 v63, v31;
	(pc) =	sbr.rel @p1 .LBB2_3-.Ltmp4, $4  }
0x14b: {  	[tilespmem:s30+$0xD800] =	vst v0;
	v0 =	vadd.f32 v2, v31  }
0x14c: {  	[tilespmem:s30+$0xD880] =	vst v1;
	v1 =	vadd.f32 v15, v31  }
0x14d: {  	[tilespmem:s30+$0xD900] =	vst v0  }
0x14e: {  	[tilespmem:s30+$0xD980] =	vst v1  }
0x14f: {  	s0 =	sshll.u32 s21, $0x6;
	s2 =	rddreg [dreg:$0x6]  }
0x150: {  	p1 =	sne.s32 s21, $0xF;
	s0 =	sor.u32 s2, s0  }
.Ltmp5:
0x151: {  	s0 =	sshrl.u32 s0, $0x3;
	(pc) =	sbr.rel @p1 .LBB2_10-.Ltmp5, $4  }
0x152: {  	s22 =	smul.u32 $0x300, s0  }
0x153: {  	s30 =	rddreg [dreg:$0x4]  }
0x154: {  	s31 =	simm.s32 $0xD600;
	s0 =	sadd.s32 s30, s22  }
0x155: {  	[hbm4b:s0+s6] =	stream.linear.scatter [tilespmem:s31], [sflag:$0x3], $0x6000, $0x38;
	[tilespmem:$0x19600] =	vst v63  }
.Ltmp6:
0x156: {  	(pc) =	sbr.rel .LBB2_11-.Ltmp6, $4  }
0x157: {  	_ = 	snop  }
0x158: {  	_ =	swait.ge [sflag:s18], $0x6000  }
0x159: {  	[sflag:s18] =	ssyncset.done $0x0  }
0x15a: {  	[sflag:s18] =	ssyncadd.s32 $0xFFFFA000  }
.LBB2_10:
0x15b: {  	s0 =	sshll.u32 s21, $0x8  }
0x15c: {  	s0 =	sand.u32 $0x3FFFFF00, s0  }
0x15d: {  	v0 =	vld [tilespmem:s0+$0x100];
	_ =	sdelay $0x3  }
0x15e: {  	v2 =	vld [tilespmem:$0x1FFD0]  }
0x15f: {  	v1 =	vshrl.u32 v0, $0x3  }
0x160: {  	v15 =	vld [tilespmem:$0x1FFE0];
	v1 =	vmul.u32 $0x30, v1  }
0x161: {  	v0 =	vand.u32 $0x7, v0  }
0x162: {  	v0 =	vor.u32 v0, v1  }
0x163: {  	v1 =	vperm.xlane v0, v2  }
0x164: {  	v16 =	vld [tilespmem:$0x1FFF0]  }
0x165: {  	v1 =	vadd.s32 v15, v1;
	_ =	sdelay $0x3  }
0x166: {  	s2 =	simm.s32 $0x1600;
	v0 =	vperm.xlane v0, v16  }
0x167: {  	[tilespmem:s2], [sflag:$0x1] =	stream.indirect_vreg.gather [hbm4b:s1+s6], $0x80, v1, vm0, $0xb8;
	[tilespmem:$0x19600] =	vst v63  }
0x168: {  	s16 =	simm.s32 $0x1E00;
	v0 =	vadd.s32 v15, v0  }
0x169: {  	[tilespmem:s16], [sflag:$0x1] =	stream.indirect_vreg.gather [hbm4b:s9+s6], $0x80, v1, vm0, $0xb8;
	[tilespmem:$0x19600] =	vst v63  }
0x16a: {  	s17 =	simm.s32 $0x2600  }
0x16b: {  	[tilespmem:s17], [sflag:$0x1] =	stream.indirect_vreg.gather [hbm4b:s10+s6], $0x80, v1, vm0, $0xb8;
	[tilespmem:$0x19600] =	vst v63  }
0x16c: {  	s20 =	simm.s32 $0x2E00  }
0x16d: {  	[tilespmem:s20], [sflag:$0x1] =	stream.indirect_vreg.gather [hbm4b:s1+s6], $0x80, v0, vm0, $0xb8;
	[tilespmem:$0x19600] =	vst v63  }
0x16e: {  	s23 =	simm.s32 $0x3600  }
0x16f: {  	[tilespmem:s23], [sflag:$0x1] =	stream.indirect_vreg.gather [hbm4b:s9+s6], $0x80, v0, vm0, $0xb8;
	[tilespmem:$0x19600] =	vst v63  }
0x170: {  	s24 =	simm.s32 $0x3E00  }
0x171: {  	[tilespmem:s24], [sflag:$0x1] =	stream.indirect_vreg.gather [hbm4b:s10+s6], $0x80, v0, vm0, $0xb8;
	[tilespmem:$0x19600] =	vst v63  }
0x172: {  	v0 =	vld [tilespmem:s0+$0x110];
	_ =	sdelay $0x4  }
0x173: {  	v1 =	vshrl.u32 v0, $0x3  }
0x174: {  	v1 =	vmul.u32 $0x30, v1  }
0x175: {  	v0 =	vand.u32 $0x7, v0  }
0x176: {  	v0 =	vor.u32 v0, v1  }
0x177: {  	v1 =	vperm.xlane v0, v2;
	_ =	sdelay $0x1  }
0x178: {  	v1 =	vadd.s32 v15, v1;
	_ =	sdelay $0x3  }
0x179: {  	s25 =	simm.s32 $0x4600;
	v0 =	vperm.xlane v0, v16  }
0x17a: {  	[tilespmem:s25], [sflag:$0x1] =	stream.indirect_vreg.gather [hbm4b:s1+s6], $0x80, v1, vm0, $0xb8;
	[tilespmem:$0x19600] =	vst v63  }
0x17b: {  	s26 =	simm.s32 $0x4E00;
	v0 =	vadd.s32 v15, v0  }
0x17c: {  	[tilespmem:s26], [sflag:$0x1] =	stream.indirect_vreg.gather [hbm4b:s9+s6], $0x80, v1, vm0, $0xb8;
	[tilespmem:$0x19600] =	vst v63  }
0x17d: {  	s28 =	simm.s32 $0x5600  }
0x17e: {  	[tilespmem:s28], [sflag:$0x1] =	stream.indirect_vreg.gather [hbm4b:s10+s6], $0x80, v1, vm0, $0xb8;
	[tilespmem:$0x19600] =	vst v63  }
0x17f: {  	s29 =	simm.s32 $0x5E00  }
0x180: {  	[tilespmem:s29], [sflag:$0x1] =	stream.indirect_vreg.gather [hbm4b:s1+s6], $0x80, v0, vm0, $0xb8;
	[tilespmem:$0x19600] =	vst v63  }
0x181: {  	s30 =	simm.s32 $0x6600  }
0x182: {  	[tilespmem:s30], [sflag:$0x1] =	stream.indirect_vreg.gather [hbm4b:s9+s6], $0x80, v0, vm0, $0xb8;
	[tilespmem:$0x19600] =	vst v63  }
.Ltmp7:
0x183: {  	s31 =	simm.s32 $0x6E00;
	(pc) =	sbr.rel @p0 .LBB2_12-.Ltmp7, $4  }
0x184: {  	[tilespmem:s31], [sflag:$0x1] =	stream.indirect_vreg.gather [hbm4b:s10+s6], $0x80, v0, vm0, $0xb8;
	[tilespmem:$0x19600] =	vst v63  }
0x185: {  	_ =	swait.ge [sflag:s18], $0x6000  }
0x186: {  	[sflag:s18] =	ssyncset.done $0x0  }
0x187: {  	[sflag:s18] =	ssyncadd.s32 $0xFFFFA000  }
.LBB2_11:
0x188: {  	_ =	swait.ge [sflag:s19], $0x6000  }
0x189: {  	[sflag:s19] =	ssyncset.done $0x0  }
0x18a: {  	[sflag:s19] =	ssyncadd.s32 $0xFFFFA000  }
.LBB2_12:
0x18b: {  	s23 =	simm.s32 $0x0;
	s24 =	simm.s32 $0x0  }
.LBB2_13:
0x18c: {  	s0 =	smul.u32 $0x6000, s24;
	_ =	sdelay $0x1  }
0x18d: {  	s0 =	sshra.s32 s0, $0x2  }
0x18e: {  	s2 =	sand.u32 $0x1C00, s23;
	s0 =	sadd.s32 $0x7600, s0  }
0x18f: {  	s3 =	sand.u32 $0x70, s23;
	s2 =	sadd.s32 s2, s0  }
0x190: {  	s3 =	sadd.s32 s3, s2  }
0x191: {  	v0 =	vld [tilespmem:s3+$0x380]  }
0x192: {  	v1 =	vld [tilespmem:s3+$0x0]  }
0x193: {  	v2 =	vld [tilespmem:s3+$0x80]  }
0x194: {  	v20 =	vld [tilespmem:s3+$0x100]  }
0x195: {  	v22 =	vld [tilespmem:s3+$0x180]  }
0x196: {  	s31 =	simm.s32 $0x80;
	v24 =	vld [tilespmem:s3+$0x200]  }
0x197: {  	v15 =	vimm.f32 $0.0e+00;
	s4 =	simm.s32 $0x10;
	s2 =	sand.u32 $0x1C00, s31;
	v27 =	vld [tilespmem:s3+$0x280]  }
0x198: {  	s4 =	sand.u32 $0x70, s4;
	s2 =	sadd.s32 s2, s0;
	v29 =	vld [tilespmem:s3+$0x300];
	v17 =	vmul.f32 v0, v0;
	v0 =	vadd.f32 v0, v15  }
0x199: {  	s2 =	sadd.s32 s4, s2;
	v26 =	vadd.f32 v1, v15;
	v1 =	vmul.f32 v1, v1;
	v16 =	vadd.f32 v2, v15  }
0x19a: {  	v30 =	vld [tilespmem:s2+$0x380];
	v2 =	vmul.f32 v2, v2;
	v19 =	vadd.f32 v20, v15;
	v21 =	vadd.f32 v22, v15  }
0x19b: {  	v23 =	vadd.f32 v24, v15;
	v18 =	vadd.f32 v1, v15;
	v1 =	vmul.f32 v20, v20  }
0x19c: {  	v34 =	vld [tilespmem:s2+$0x0];
	v25 =	vadd.f32 v27, v15;
	v20 =	vadd.f32 v2, v15;
	v2 =	vmul.f32 v22, v22  }
0x19d: {  	v33 =	vld [tilespmem:s2+$0x80];
	v28 =	vadd.f32 v29, v15;
	v22 =	vadd.f32 v1, v15  }
0x19e: {  	v31 =	vld [tilespmem:s2+$0x100];
	v1 =	vmul.f32 v24, v24;
	v24 =	vadd.f32 v2, v15;
	v2 =	vmul.f32 v27, v27  }
0x19f: {  	s3 =	simm.s32 $0x100;
	v32 =	vld [tilespmem:s2+$0x180];
	v36 =	vmul.f32 v29, v29;
	v17 =	vadd.f32 v17, v15;
	v29 =	vadd.f32 v30, v0  }
0x1a0: {  	s5 =	simm.s32 $0x20;
	s8 =	sand.u32 $0x1C00, s3;
	s4 =	simm.s32 $0x30;
	v35 =	vld [tilespmem:s2+$0x200];
	v37 =	vmul.f32 v30, v30;
	v27 =	vadd.f32 v1, v15;
	v30 =	vadd.f32 v2, v15  }
.LBB2_14:
0x1a1: {  	p0 =	sne.s32 s4, $0x2F0;
	s5 =	sand.u32 $0x70, s5;
	s7 =	sadd.s32 s8, s0;
	v26 =	vadd.f32 v34, v26;
	v0 =	vmul.f32 v34, v34;
	v1 =	vld [tilespmem:s2+$0x280];
	v15 =	vadd.f32 v36, v15  }
0x1a2: {  	v16 =	vadd.f32 v33, v16;
	v2 =	vmul.f32 v33, v33;
	v36 =	vld [tilespmem:s2+$0x300];
	s2 =	sadd.s32 s5, s7;
	v17 =	vadd.f32 v37, v17;
	s5 =	smov.u32 s4  }
0x1a3: {  	v37 =	vld [tilespmem:s2+$0x380];
	v18 =	vadd.f32 v0, v18;
	v19 =	vadd.f32 v31, v19;
	v0 =	vmul.f32 v31, v31  }
.Ltmp8:
0x1a4: {  	v34 =	vld [tilespmem:s2+$0x0];
	v20 =	vadd.f32 v2, v20;
	v21 =	vadd.f32 v32, v21;
	v2 =	vmul.f32 v32, v32;
	(pc) =	sbr.rel @p0 .LBB2_14-.Ltmp8, $4  }
0x1a5: {  	v33 =	vld [tilespmem:s2+$0x80];
	v22 =	vadd.f32 v0, v22;
	v23 =	vadd.f32 v35, v23;
	v0 =	vmul.f32 v35, v35  }
0x1a6: {  	v31 =	vld [tilespmem:s2+$0x100];
	v24 =	vadd.f32 v2, v24;
	v25 =	vadd.f32 v1, v25;
	v1 =	vmul.f32 v1, v1  }
0x1a7: {  	s3 =	sadd.s32 $0x80, s3;
	v32 =	vld [tilespmem:s2+$0x180];
	v27 =	vadd.f32 v0, v27;
	v28 =	vadd.f32 v36, v28;
	v36 =	vmul.f32 v36, v36  }
0x1a8: {  	s8 =	sand.u32 $0x1C00, s3;
	s4 =	sadd.s32 $0x10, s4;
	v35 =	vld [tilespmem:s2+$0x200];
	v29 =	vadd.f32 v37, v29;
	v37 =	vmul.f32 v37, v37;
	v30 =	vadd.f32 v1, v30  }
0x1a9: {  	s3 =	sand.u32 $0x70, s5;
	s0 =	sadd.s32 s8, s0;
	v2 =	vld [tilespmem:s2+$0x280]  }
0x1aa: {  	v1 =	vmul.f32 v34, v34;
	v51 =	vld [tilespmem:s2+$0x300];
	s0 =	sadd.s32 s3, s0  }
0x1ab: {  	v52 =	vld [tilespmem:s0+$0x380]  }
0x1ac: {  	v1 =	vadd.f32 v1, v18;
	v18 =	vadd.f32 v31, v19;
	v19 =	vmul.f32 v31, v31;
	v31 =	vld [tilespmem:s0+$0x0]  }
0x1ad: {  	v0 =	vadd.f32 v34, v26;
	v15 =	vadd.f32 v36, v15;
	v26 =	vmul.f32 v33, v33;
	v53 =	vld [tilespmem:s0+$0x80]  }
0x1ae: {  	v16 =	vadd.f32 v33, v16;
	v17 =	vadd.f32 v37, v17;
	v54 =	vld [tilespmem:s0+$0x100]  }
0x1af: {  	v55 =	vld [tilespmem:s0+$0x200];
	v20 =	vadd.f32 v26, v20;
	v21 =	vadd.f32 v32, v21;
	v26 =	vmul.f32 v32, v32  }
0x1b0: {  	v56 =	vld [tilespmem:s0+$0x300];
	v19 =	vadd.f32 v19, v22;
	v22 =	vadd.f32 v35, v23;
	v23 =	vmul.f32 v35, v35  }
0x1b1: {  	v24 =	vadd.f32 v26, v24;
	v25 =	vadd.f32 v2, v25;
	v2 =	vmul.f32 v2, v2  }
0x1b2: {  	v26 =	vld [tilespmem:s0+$0x180];
	v23 =	vadd.f32 v23, v27;
	v27 =	vadd.f32 v51, v28;
	v28 =	vmul.f32 v51, v51  }
0x1b3: {  	v29 =	vadd.f32 v52, v29;
	v34 =	vmul.f32 v52, v52;
	v2 =	vadd.f32 v2, v30  }
0x1b4: {  	v0 =	vadd.f32 v31, v0;
	v30 =	vmul.f32 v31, v31;
	v31 =	vld [tilespmem:s0+$0x280];
	v16 =	vadd.f32 v53, v16  }
0x1b5: {  	v18 =	vadd.f32 v54, v18;
	v22 =	vadd.f32 v55, v22;
	v32 =	vmul.f32 v56, v56  }
0x1b6: {  	v15 =	vadd.f32 v28, v15;
	v28 =	vmul.f32 v53, v53;
	v1 =	vadd.f32 v30, v1  }
0x1b7: {  	v30 =	vmul.f32 v54, v54;
	v21 =	vadd.f32 v26, v21;
	v26 =	vmul.f32 v26, v26  }
0x1b8: {  	v27 =	vadd.f32 v56, v27;
	v20 =	vadd.f32 v28, v20;
	v28 =	vmul.f32 v55, v55  }
0x1b9: {  	v19 =	vadd.f32 v30, v19;
	v24 =	vadd.f32 v26, v24;
	v26 =	vmul.f32 v31, v31  }
0x1ba: {  	v30 =	vperm.xlane v16, v3;
	v23 =	vadd.f32 v28, v23;
	v28 =	vperm.xlane v0, v3  }
0x1bb: {  	v25 =	vadd.f32 v31, v25;
	v2 =	vadd.f32 v26, v2;
	v26 =	vperm.xlane v18, v3  }
0x1bc: {  	v17 =	vadd.f32 v34, v17;
	v0 =	vadd.f32 v28, v0;
	v28 =	vperm.xlane v21, v3  }
0x1bd: {  	v16 =	vadd.f32 v30, v16;
	v30 =	vperm.xlane v25, v3;
	v18 =	vadd.f32 v26, v18  }
0x1be: {  	v26 =	vperm.xlane v22, v3;
	v21 =	vadd.f32 v28, v21;
	v28 =	vperm.xlane v27, v3  }
0x1bf: {  	v15 =	vadd.f32 v32, v15;
	v31 =	vperm.xlane v29, v3;
	v25 =	vadd.f32 v30, v25  }
0x1c0: {  	v0 =	vsel vm1, v0, v16;
	v22 =	vadd.f32 v26, v22;
	v16 =	vadd.f32 v28, v27  }
0x1c1: {  	v26 =	vadd.f32 v31, v29;
	v18 =	vsel vm1, v18, v21;
	v21 =	vperm.xlane v0, v4  }
0x1c2: {  	v27 =	vperm.xlane v20, v3;
	v22 =	vsel vm1, v22, v25;
	v25 =	vperm.xlane v18, v4  }
0x1c3: {  	v16 =	vsel vm1, v16, v26;
	v0 =	vadd.f32 v21, v0;
	v21 =	vperm.xlane v22, v4  }
0x1c4: {  	v26 =	vperm.xlane v16, v4;
	v18 =	vadd.f32 v25, v18;
	v25 =	vperm.xlane v1, v3  }
0x1c5: {  	v20 =	vadd.f32 v27, v20;
	v21 =	vadd.f32 v21, v22;
	v22 =	vperm.xlane v19, v3  }
0x1c6: {  	v16 =	vadd.f32 v26, v16;
	v1 =	vadd.f32 v25, v1;
	v25 =	vperm.xlane v24, v3  }
0x1c7: {  	v26 =	vperm.xlane v2, v3;
	v19 =	vadd.f32 v22, v19;
	v22 =	vperm.xlane v23, v3  }
0x1c8: {  	v27 =	vperm.xlane v17, v3;
	v24 =	vadd.f32 v25, v24;
	v25 =	vperm.xlane v15, v3  }
0x1c9: {  	v2 =	vadd.f32 v26, v2;
	v22 =	vadd.f32 v22, v23  }
0x1ca: {  	v17 =	vadd.f32 v27, v17;
	v15 =	vadd.f32 v25, v15  }
0x1cb: {  	v1 =	vsel vm1, v1, v20;
	v19 =	vsel vm1, v19, v24;
	v2 =	vsel vm1, v22, v2  }
0x1cc: {  	v20 =	vperm.xlane v19, v4;
	v15 =	vsel vm1, v15, v17;
	v17 =	vperm.xlane v1, v4  }
0x1cd: {  	v0 =	vsel vm2, v0, v18;
	v18 =	vperm.xlane v2, v4;
	v22 =	vperm.xlane v15, v4  }
0x1ce: {  	v16 =	vsel vm2, v21, v16;
	v1 =	vadd.f32 v17, v1;
	v17 =	vadd.f32 v20, v19  }
0x1cf: {  	v19 =	vperm.xlane v0, v5;
	v2 =	vadd.f32 v18, v2;
	v15 =	vadd.f32 v22, v15  }
0x1d0: {  	v18 =	vperm.xlane v16, v5  }
0x1d1: {  	v0 =	vadd.f32 v19, v0;
	v1 =	vsel vm2, v1, v17;
	v2 =	vsel vm2, v2, v15  }
0x1d2: {  	v15 =	vadd.f32 v18, v16;
	v16 =	vperm.xlane v1, v5;
	v17 =	vperm.xlane v2, v5;
	_ =	sdelay $0x1  }
0x1d3: {  	v0 =	vsel vm3, v0, v15;
	v1 =	vadd.f32 v16, v1;
	v2 =	vadd.f32 v17, v2  }
0x1d4: {  	v15 =	vperm.xlane v0, v6  }
0x1d5: {  	v1 =	vsel vm3, v1, v2  }
0x1d6: {  	v0 =	vadd.f32 v0, v15;
	v2 =	vperm.xlane v1, v6;
	_ =	sdelay $0x1  }
0x1d7: {  	v0 =	vmul.f32 $1.302083370e-03, v0;
	v1 =	vadd.f32 v1, v2;
	_ =	sdelay $0x1  }
0x1d8: {  	v2 =	vmul.f32 v0, v0;
	v1 =	vmul.f32 $1.302083370e-03, v1;
	_ =	sdelay $0x1  }
0x1d9: {  	v1 =	vsub.f32 v1, v2;
	_ =	sdelay $0x1  }
0x1da: {  	v1 =	vadd.f32 $9.999999740e-06, v1;
	_ =	sdelay $0x1  }
0x1db: {  	v2 =	vshra.s32 v1, $0x1;
	v1 =	vmul.f32 $5.000000000e-01, v1  }
0x1dc: {  	v2 =	vsub.s32 $0x5F3759DF, v2  }
0x1dd: {  	v15 =	vmul.f32 v2, v1;
	_ =	sdelay $0x1  }
0x1de: {  	v15 =	vmul.f32 v2, v15;
	_ =	sdelay $0x1  }
0x1df: {  	v15 =	vsub.f32 $1.500000000e+00, v15;
	_ =	sdelay $0x1  }
0x1e0: {  	v2 =	vmul.f32 v2, v15;
	_ =	sdelay $0x1  }
0x1e1: {  	v15 =	vmul.f32 v2, v1;
	_ =	sdelay $0x1  }
0x1e2: {  	v15 =	vmul.f32 v15, v2;
	_ =	sdelay $0x1  }
0x1e3: {  	v15 =	vsub.f32 $1.500000000e+00, v15;
	_ =	sdelay $0x1  }
0x1e4: {  	v2 =	vmul.f32 v15, v2;
	_ =	sdelay $0x1  }
0x1e5: {  	v1 =	vmul.f32 v2, v1  }
0x1e6: {  	s25 =	smul.u32 $0x1800, s24;
	s26 =	simm.s32 $0x0  }
0x1e7: {  	s4 =	sand.u32 $0x1C00, s26;
	v1 =	vmul.f32 v1, v2  }
0x1e8: {  	s30 =	simm.s32 $0x1300;
	s5 =	sand.u32 $0x40, s26;
	s11 =	sadd.s32 s25, s4  }
0x1e9: {  	v36 =	vld [tilespmem:s30+$0x0];
	s13 =	sor.u32 s5, s11;
	v1 =	vsub.f32 $1.500000000e+00, v1  }
0x1ea: {  	s14 =	sor.u32 $0x10, s5;
	v57 =	vld [tilespmem:s13+$0x7880]  }
0x1eb: {  	s4 =	sor.u32 s14, s11;
	v59 =	vld [tilespmem:s13+$0x7900];
	v0 =	vsub.f32 $0.0e+00, v0;
	v1 =	vmul.f32 v1, v2  }
0x1ec: {  	v61 =	vld [tilespmem:s4+$0x7600]  }
0x1ed: {  	v30 =	vld [tilespmem:s13+$0x7780];
	v0 =	vmul.f32 v1, v0;
	v15 =	vperm.xlane v1, v7  }
0x1ee: {  	v27 =	vld [tilespmem:s13+$0x7600];
	v17 =	vperm.xlane v1, v8;
	v19 =	vperm.xlane v1, v9  }
0x1ef: {  	v28 =	vld [tilespmem:s13+$0x7680];
	v21 =	vperm.xlane v1, v10;
	v23 =	vperm.xlane v1, v11  }
0x1f0: {  	v29 =	vld [tilespmem:s13+$0x7700];
	v25 =	vperm.xlane v1, v12;
	v16 =	vperm.xlane v0, v7  }
0x1f1: {  	s28 =	simm.s32 $0x1000;
	v31 =	vld [tilespmem:s13+$0x7800];
	v18 =	vperm.xlane v0, v8;
	v20 =	vperm.xlane v0, v9  }
0x1f2: {  	v2 =	vld [tilespmem:s28+$0x0];
	v22 =	vperm.xlane v0, v10;
	v24 =	vperm.xlane v0, v11  }
0x1f3: {  	v38 =	vld [tilespmem:s4+$0x7680];
	v26 =	vperm.xlane v0, v12;
	v58 =	vmul.f32 v27, v15  }
0x1f4: {  	v39 =	vld [tilespmem:s4+$0x7700];
	v27 =	vperm.xlane v1, v13;
	v60 =	vmul.f32 v28, v17  }
0x1f5: {  	v40 =	vld [tilespmem:s4+$0x7780];
	v28 =	vperm.xlane v0, v13;
	v29 =	vmul.f32 v29, v19;
	v33 =	vadd.f32 v58, v16  }
0x1f6: {  	v41 =	vld [tilespmem:s4+$0x7800];
	v30 =	vmul.f32 v30, v21;
	v31 =	vmul.f32 v31, v23;
	v35 =	vadd.f32 v60, v18  }
0x1f7: {  	s16 =	sor.u32 $0x20, s5;
	v42 =	vld [tilespmem:s4+$0x7880];
	v32 =	vmul.f32 v57, v25;
	v29 =	vadd.f32 v29, v20;
	v33 =	vmul.f32 v33, v2  }
0x1f8: {  	s29 =	sor.u32 s16, s11;
	v63 =	vld [tilespmem:s4+$0x7900];
	v30 =	vadd.f32 v30, v22;
	v34 =	vmul.f32 v59, v27;
	v35 =	vmul.f32 v35, v2  }
0x1f9: {  	v44 =	vld [tilespmem:s29+$0x7700];
	v31 =	vadd.f32 v31, v24;
	v29 =	vmul.f32 v29, v2;
	v33 =	vadd.f32 v33, v36  }
0x1fa: {  	v32 =	vadd.f32 v32, v26;
	v59 =	vld [tilespmem:s29+$0x7680];
	v30 =	vmul.f32 v30, v2;
	v35 =	vadd.f32 v35, v36  }
0x1fb: {  	v46 =	vld [tilespmem:s29+$0x7880];
	v31 =	vmul.f32 v31, v2;
	v62 =	vadd.f32 v34, v28;
	v29 =	vadd.f32 v29, v36;
	[tilespmem:s13+$0x13600] =	vst v33  }
0x1fc: {  	v47 =	vld [tilespmem:s29+$0x7980];
	v32 =	vmul.f32 v32, v2;
	v30 =	vadd.f32 v30, v36;
	[tilespmem:s13+$0x13680] =	vst v35  }
0x1fd: {  	v58 =	vld [tilespmem:s29+$0x7900];
	[tilespmem:s13+$0x13700] =	vst v29;
	v29 =	vadd.f32 v31, v36;
	v31 =	vmul.f32 v62, v2  }
0x1fe: {  	v48 =	vmul.f32 v38, v17;
	v35 =	vld [tilespmem:s4+$0x7980];
	[tilespmem:s13+$0x13780] =	vst v30;
	v30 =	vadd.f32 v32, v36  }
0x1ff: {  	s3 =	sor.u32 $0x30, s5;
	v49 =	vmul.f32 v39, v19;
	v33 =	vld [tilespmem:s29+$0x7600];
	v32 =	vmul.f32 v59, v17;
	[tilespmem:s13+$0x13800] =	vst v29;
	v31 =	vadd.f32 v31, v36  }
0x200: {  	s7 =	sor.u32 s11, s26;
	s31 =	sor.u32 s3, s11;
	v50 =	vmul.f32 v40, v21;
	v29 =	vperm.xlane v1, v14;
	[tilespmem:s13+$0x13880] =	vst v30;
	v1 =	vld [tilespmem:s29+$0x7780]  }
0x201: {  	s17 =	sor.u32 $0x380, s7;
	v51 =	vmul.f32 v41, v23;
	v57 =	vmul.f32 v42, v25;
	v37 =	vadd.f32 v32, v18;
	v32 =	vld [tilespmem:s31+$0x7780];
	[tilespmem:s13+$0x13900] =	vst v31  }
0x202: {  	v54 =	vadd.f32 v48, v18;
	v55 =	vadd.f32 v49, v20;
	v34 =	vmul.f32 v63, v27;
	v45 =	vld [tilespmem:s17+$0x7600]  }
0x203: {  	v43 =	vadd.f32 v51, v24;
	v40 =	vadd.f32 v57, v26;
	v59 =	vmul.f32 v44, v19;
	v31 =	vld [tilespmem:s29+$0x7800]  }
0x204: {  	v48 =	vld [tilespmem:s31+$0x7600];
	v38 =	vadd.f32 v34, v28;
	v30 =	vperm.xlane v0, v14;
	v35 =	vmul.f32 v35, v29  }
0x205: {  	s20 =	sand.u32 $0x380, s26;
	v49 =	vld [tilespmem:s31+$0x7680];
	v0 =	vmul.f32 v61, v15;
	v61 =	vadd.f32 v50, v22;
	v33 =	vmul.f32 v33, v15  }
0x206: {  	s0 =	sor.u32 s20, s14;
	v57 =	vld [tilespmem:s31+$0x7880];
	v34 =	vadd.f32 v59, v20;
	v39 =	vadd.f32 v35, v30  }
0x207: {  	v35 =	vadd.f32 v33, v16;
	v1 =	vmul.f32 v1, v21;
	v33 =	vld [tilespmem:s0+$0x1000];
	v60 =	vmul.f32 v45, v29  }
0x208: {  	v44 =	vld [tilespmem:s31+$0x7700];
	v0 =	vadd.f32 v0, v16;
	v32 =	vmul.f32 v32, v21;
	v31 =	vmul.f32 v31, v23  }
0x209: {  	v63 =	vld [tilespmem:s31+$0x7800];
	v41 =	vadd.f32 v1, v22;
	v1 =	vmul.f32 v46, v25;
	v62 =	vadd.f32 v60, v30  }
0x20a: {  	v42 =	vadd.f32 v31, v24;
	v31 =	vmul.f32 v47, v29;
	v60 =	vmul.f32 v58, v27;
	v58 =	vld [tilespmem:s31+$0x7900]  }
0x20b: {  	v50 =	vadd.f32 v1, v26;
	v1 =	vmul.f32 v48, v15;
	v2 =	vmul.f32 v62, v2;
	v62 =	vld [tilespmem:s31+$0x7980]  }
0x20c: {  	v59 =	vmul.f32 v54, v33;
	v51 =	vadd.f32 v31, v30;
	v31 =	vmul.f32 v49, v17  }
0x20d: {  	s5 =	sor.u32 s20, s16;
	v52 =	vadd.f32 v1, v16;
	v1 =	vmul.f32 v44, v19;
	v49 =	vadd.f32 v32, v22  }
0x20e: {  	v56 =	vld [tilespmem:s5+$0x1000];
	v47 =	vadd.f32 v60, v28;
	v60 =	vmul.f32 v0, v33;
	v53 =	vadd.f32 v31, v18  }
0x20f: {  	v31 =	vmul.f32 v63, v23;
	v63 =	vmul.f32 v57, v25;
	v48 =	vadd.f32 v1, v20;
	v57 =	vld [tilespmem:s0+$0x1300]  }
0x210: {  	s2 =	sor.u32 s20, s3;
	v32 =	vld [tilespmem:s5+$0x1300];
	v2 =	vadd.f32 v2, v36;
	v1 =	vmul.f32 v58, v27;
	v62 =	vmul.f32 v62, v29  }
0x211: {  	v36 =	vld [tilespmem:s2+$0x1000];
	v44 =	vadd.f32 v31, v24;
	v45 =	vadd.f32 v63, v26;
	v58 =	vmul.f32 v55, v33  }
0x212: {  	s5 =	simm.s32 $0x200;
	s0 =	simm.s32 $0x0;
	v31 =	vld [tilespmem:s2+$0x1300];
	v55 =	vmul.f32 v61, v33;
	[tilespmem:s17+$0x13600] =	vst v2;
	v46 =	vadd.f32 v1, v28;
	v54 =	vadd.f32 v62, v30  }
.LBB2_16:
0x213: {  	s2 =	sand.u32 $0x1C00, s5;
	v0 =	vmul.f32 v43, v33;
	v1 =	vmul.f32 v40, v33;
	s26 =	sadd.s32 $0x40, s26  }
0x214: {  	v38 =	vmul.f32 v38, v33;
	v39 =	vmul.f32 v39, v33;
	s28 =	sadd.s32 $0x40, s28;
	s3 =	sand.u32 $0x40, s26;
	s11 =	sadd.s32 s25, s2;
	v2 =	vadd.f32 v60, v57  }
0x215: {  	v35 =	vmul.f32 v35, v56;
	v37 =	vmul.f32 v37, v56;
	v40 =	vadd.f32 v59, v57;
	v33 =	vld [tilespmem:s28+$0x0];
	s17 =	sor.u32 s3, s11;
	s7 =	sor.u32 $0x10, s3;
	s13 =	sor.u32 $0x20, s3  }
0x216: {  	s3 =	sor.u32 $0x30, s3;
	v43 =	vld [tilespmem:s17+$0x7600];
	s16 =	sor.u32 s7, s11;
	s8 =	sor.u32 s13, s11;
	[tilespmem:s4+$0x13600] =	vst v2;
	v2 =	vadd.f32 v58, v57;
	v58 =	vmul.f32 v34, v56;
	v34 =	vmul.f32 v41, v56  }
0x217: {  	s20 =	sand.u32 $0x380, s26;
	s2 =	sor.u32 s3, s11;
	v41 =	vmul.f32 v50, v56;
	v59 =	vld [tilespmem:s17+$0x7680];
	[tilespmem:s4+$0x13680] =	vst v40;
	v40 =	vadd.f32 v55, v57;
	v55 =	vmul.f32 v42, v56  }
0x218: {  	v51 =	vmul.f32 v51, v56;
	v0 =	vadd.f32 v0, v57;
	s14 =	sor.u32 s20, s7;
	s13 =	sor.u32 s20, s13;
	s3 =	sor.u32 s20, s3;
	v42 =	vmul.f32 v47, v56;
	v60 =	vld [tilespmem:s17+$0x7700];
	[tilespmem:s4+$0x13700] =	vst v2  }
0x219: {  	v1 =	vadd.f32 v1, v57;
	v50 =	vmul.f32 v52, v36;
	v47 =	vmul.f32 v53, v36;
	v2 =	vld [tilespmem:s17+$0x7780];
	[tilespmem:s4+$0x13780] =	vst v40  }
0x21a: {  	s0 =	sadd.s32 $0x4, s0;
	v52 =	vmul.f32 v48, v36;
	v48 =	vmul.f32 v49, v36;
	v40 =	vld [tilespmem:s17+$0x7800];
	[tilespmem:s4+$0x13800] =	vst v0;
	v0 =	vadd.f32 v38, v57  }
0x21b: {  	p0 =	slt.u32 s0, $0x2C;
	v49 =	vmul.f32 v44, v36;
	v44 =	vmul.f32 v45, v36;
	v38 =	vld [tilespmem:s17+$0x7880];
	[tilespmem:s4+$0x13880] =	vst v1;
	v1 =	vadd.f32 v39, v57  }
0x21c: {  	s30 =	sadd.s32 $0x40, s30;
	v45 =	vmul.f32 v46, v36;
	v39 =	vmul.f32 v43, v15;
	v43 =	vld [tilespmem:s17+$0x7900];
	[tilespmem:s4+$0x13900] =	vst v0;
	v0 =	vadd.f32 v35, v32  }
0x21d: {  	v46 =	vmul.f32 v54, v36;
	v35 =	vmul.f32 v59, v17;
	v53 =	vld [tilespmem:s30+$0x0];
	[tilespmem:s4+$0x13980] =	vst v1;
	v1 =	vadd.f32 v37, v32;
	s4 =	smov.u32 s16  }
0x21e: {  	v36 =	vadd.f32 v39, v16;
	v37 =	vmul.f32 v60, v19;
	v39 =	vld [tilespmem:s4+$0x7600];
	[tilespmem:s29+$0x13600] =	vst v0;
	v0 =	vadd.f32 v58, v32  }
0x21f: {  	v35 =	vadd.f32 v35, v18;
	v2 =	vmul.f32 v2, v21;
	v40 =	vmul.f32 v40, v23;
	v54 =	vld [tilespmem:s4+$0x7680];
	[tilespmem:s29+$0x13680] =	vst v1  }
0x220: {  	v1 =	vmul.f32 v36, v33;
	v36 =	vadd.f32 v37, v20;
	v37 =	vmul.f32 v38, v25;
	v38 =	vld [tilespmem:s4+$0x7700];
	[tilespmem:s29+$0x13700] =	vst v0  }
0x221: {  	v0 =	vmul.f32 v35, v33;
	v2 =	vadd.f32 v2, v22;
	v35 =	vmul.f32 v43, v27;
	v43 =	vld [tilespmem:s4+$0x7780]  }
0x222: {  	v36 =	vmul.f32 v36, v33;
	v40 =	vadd.f32 v40, v24;
	v1 =	vadd.f32 v1, v53;
	v56 =	vld [tilespmem:s4+$0x7800]  }
0x223: {  	v0 =	vadd.f32 v0, v53;
	v2 =	vmul.f32 v2, v33;
	v37 =	vadd.f32 v37, v26;
	v57 =	vld [tilespmem:s4+$0x7880]  }
0x224: {  	v35 =	vadd.f32 v35, v28;
	[tilespmem:s17+$0x13600] =	vst v1;
	v1 =	vadd.f32 v36, v53;
	v36 =	vmul.f32 v40, v33;
	v40 =	vld [tilespmem:s4+$0x7900]  }
0x225: {  	[tilespmem:s17+$0x13680] =	vst v0;
	v0 =	vadd.f32 v2, v53;
	v2 =	vmul.f32 v37, v33;
	v37 =	vmul.f32 v39, v15;
	v39 =	vld [tilespmem:s4+$0x7980]  }
0x226: {  	v35 =	vmul.f32 v35, v33;
	[tilespmem:s17+$0x13700] =	vst v1;
	v1 =	vadd.f32 v36, v53;
	v36 =	vmul.f32 v54, v17;
	v54 =	vld [tilespmem:s8+$0x7600]  }
0x227: {  	[tilespmem:s17+$0x13780] =	vst v0;
	v0 =	vadd.f32 v2, v53;
	v2 =	vmul.f32 v38, v19;
	v38 =	vmul.f32 v43, v21;
	v58 =	vld [tilespmem:s8+$0x7680]  }
0x228: {  	[tilespmem:s17+$0x13800] =	vst v1;
	v1 =	vadd.f32 v35, v53;
	v35 =	vmul.f32 v56, v23;
	v56 =	vmul.f32 v57, v25;
	v57 =	vld [tilespmem:s8+$0x7700]  }
0x229: {  	s7 =	sor.u32 s11, s26;
	v59 =	vadd.f32 v36, v18;
	[tilespmem:s17+$0x13880] =	vst v0;
	v0 =	vadd.f32 v37, v16;
	v36 =	vmul.f32 v40, v27;
	v60 =	vld [tilespmem:s8+$0x7780]  }
0x22a: {  	s11 =	sor.u32 $0x380, s7;
	[tilespmem:s17+$0x13900] =	vst v1;
	v1 =	vadd.f32 v2, v20;
	v2 =	vadd.f32 v38, v22;
	v37 =	vmul.f32 v39, v29;
	v61 =	vld [tilespmem:s8+$0x7800]  }
0x22b: {  	v43 =	vadd.f32 v35, v24;
	v40 =	vadd.f32 v56, v26;
	v62 =	vld [tilespmem:s11+$0x7600];
	v35 =	vmul.f32 v54, v15  }
0x22c: {  	v38 =	vadd.f32 v36, v28;
	v39 =	vadd.f32 v37, v30;
	v36 =	vmul.f32 v58, v17;
	v54 =	vld [tilespmem:s8+$0x7880]  }
0x22d: {  	v58 =	vadd.f32 v34, v32;
	v35 =	vadd.f32 v35, v16;
	v56 =	vmul.f32 v57, v19;
	v57 =	vld [tilespmem:s8+$0x7900]  }
0x22e: {  	v55 =	vadd.f32 v55, v32;
	v37 =	vadd.f32 v36, v18;
	v36 =	vmul.f32 v60, v21;
	v60 =	vld [tilespmem:s8+$0x7980]  }
0x22f: {  	v34 =	vadd.f32 v56, v20;
	v56 =	vmul.f32 v61, v23;
	v61 =	vld [tilespmem:s2+$0x7600];
	[tilespmem:s29+$0x13780] =	vst v58;
	v58 =	vadd.f32 v41, v32  }
0x230: {  	v62 =	vmul.f32 v62, v29;
	v41 =	vadd.f32 v36, v22;
	v36 =	vld [tilespmem:s2+$0x7680];
	[tilespmem:s29+$0x13800] =	vst v55;
	v55 =	vadd.f32 v42, v32  }
0x231: {  	v32 =	vadd.f32 v51, v32;
	v42 =	vadd.f32 v56, v24;
	v54 =	vmul.f32 v54, v25;
	v56 =	vld [tilespmem:s2+$0x7700];
	[tilespmem:s29+$0x13880] =	vst v58  }
0x232: {  	v51 =	vadd.f32 v62, v30;
	v57 =	vmul.f32 v57, v27;
	v58 =	vld [tilespmem:s2+$0x7780];
	[tilespmem:s29+$0x13900] =	vst v55;
	v55 =	vadd.f32 v50, v31  }
0x233: {  	v50 =	vadd.f32 v54, v26;
	v54 =	vmul.f32 v60, v29;
	v60 =	vld [tilespmem:s2+$0x7800];
	[tilespmem:s29+$0x13980] =	vst v32;
	v32 =	vadd.f32 v47, v31;
	s29 =	smov.u32 s8  }
0x234: {  	v33 =	vmul.f32 v51, v33;
	v47 =	vadd.f32 v57, v28;
	v57 =	vmul.f32 v61, v15;
	v61 =	vld [tilespmem:s2+$0x7880];
	[tilespmem:s31+$0x13600] =	vst v55  }
0x235: {  	v51 =	vadd.f32 v54, v30;
	v36 =	vmul.f32 v36, v17;
	v54 =	vld [tilespmem:s2+$0x7900];
	[tilespmem:s31+$0x13680] =	vst v32;
	v32 =	vadd.f32 v52, v31  }
0x236: {  	v55 =	vadd.f32 v33, v53;
	v52 =	vadd.f32 v57, v16;
	v57 =	vmul.f32 v56, v19;
	v62 =	vld [tilespmem:s2+$0x7980]  }
0x237: {  	v33 =	vld [tilespmem:s14+$0x1000];
	v53 =	vadd.f32 v36, v18;
	v58 =	vmul.f32 v58, v21;
	[tilespmem:s31+$0x13700] =	vst v32;
	v32 =	vadd.f32 v48, v31  }
0x238: {  	[tilespmem:s11+$0x13600] =	vst v55;
	v56 =	vld [tilespmem:s13+$0x1000];
	v48 =	vadd.f32 v57, v20;
	v55 =	vmul.f32 v60, v23;
	v60 =	vadd.f32 v49, v31  }
.Ltmp9:
0x239: {  	v36 =	vld [tilespmem:s3+$0x1000];
	v49 =	vadd.f32 v58, v22;
	v58 =	vmul.f32 v61, v25;
	[tilespmem:s31+$0x13780] =	vst v32;
	v61 =	vadd.f32 v44, v31;
	(pc) =	sbr.rel @p0 .LBB2_16-.Ltmp9, $4  }
0x23a: {  	v57 =	vld [tilespmem:s14+$0x1300];
	v44 =	vadd.f32 v55, v24;
	v54 =	vmul.f32 v54, v27;
	[tilespmem:s31+$0x13800] =	vst v60;
	v55 =	vadd.f32 v45, v31  }
0x23b: {  	v32 =	vld [tilespmem:s13+$0x1300];
	v45 =	vadd.f32 v58, v26;
	v62 =	vmul.f32 v62, v29;
	[tilespmem:s31+$0x13880] =	vst v61;
	v61 =	vadd.f32 v46, v31  }
0x23c: {  	v60 =	vmul.f32 v0, v33;
	v59 =	vmul.f32 v59, v33;
	v31 =	vld [tilespmem:s3+$0x1300];
	v46 =	vadd.f32 v54, v28;
	[tilespmem:s31+$0x13900] =	vst v55  }
0x23d: {  	s5 =	sadd.s32 $0x200, s5;
	v58 =	vmul.f32 v1, v33;
	v55 =	vmul.f32 v2, v33;
	v54 =	vadd.f32 v62, v30;
	[tilespmem:s31+$0x13980] =	vst v61;
	s31 =	smov.u32 s2  }
0x23e: {  	_ = 	snop  }
0x23f: {  	v0 =	vadd.f32 v60, v57  }
0x240: {  	v1 =	vadd.f32 v59, v57  }
0x241: {  	v2 =	vmul.f32 v43, v33;
	[tilespmem:s4+$0x13600] =	vst v0;
	v0 =	vadd.f32 v58, v57  }
0x242: {  	v15 =	vmul.f32 v40, v33;
	[tilespmem:s4+$0x13680] =	vst v1;
	v1 =	vadd.f32 v55, v57  }
0x243: {  	v16 =	vmul.f32 v38, v33;
	[tilespmem:s4+$0x13700] =	vst v0;
	v0 =	vadd.f32 v2, v57  }
0x244: {  	v2 =	vmul.f32 v39, v33;
	[tilespmem:s4+$0x13780] =	vst v1;
	v1 =	vadd.f32 v15, v57  }
0x245: {  	v15 =	vmul.f32 v35, v56;
	[tilespmem:s4+$0x13800] =	vst v0;
	v0 =	vadd.f32 v16, v57  }
0x246: {  	v59 =	vmul.f32 v37, v56;
	[tilespmem:s4+$0x13880] =	vst v1;
	v1 =	vadd.f32 v2, v57  }
0x247: {  	v2 =	vmul.f32 v34, v56;
	[tilespmem:s4+$0x13900] =	vst v0;
	v0 =	vadd.f32 v15, v32  }
0x248: {  	v15 =	vmul.f32 v41, v56;
	[tilespmem:s4+$0x13980] =	vst v1;
	v1 =	vadd.f32 v59, v32  }
0x249: {  	v60 =	vmul.f32 v42, v56;
	[tilespmem:s29+$0x13600] =	vst v0;
	v0 =	vadd.f32 v2, v32  }
0x24a: {  	v2 =	vmul.f32 v50, v56;
	[tilespmem:s29+$0x13680] =	vst v1;
	v1 =	vadd.f32 v15, v32  }
0x24b: {  	v15 =	vmul.f32 v47, v56;
	[tilespmem:s29+$0x13700] =	vst v0;
	v0 =	vadd.f32 v60, v32  }
0x24c: {  	v61 =	vmul.f32 v51, v56;
	[tilespmem:s29+$0x13780] =	vst v1;
	v1 =	vadd.f32 v2, v32  }
0x24d: {  	v2 =	vmul.f32 v52, v36;
	[tilespmem:s29+$0x13800] =	vst v0;
	v0 =	vadd.f32 v15, v32  }
0x24e: {  	v15 =	vmul.f32 v53, v36;
	[tilespmem:s29+$0x13880] =	vst v1;
	v1 =	vadd.f32 v61, v32  }
0x24f: {  	v62 =	vmul.f32 v48, v36;
	[tilespmem:s29+$0x13900] =	vst v0;
	v0 =	vadd.f32 v2, v31  }
0x250: {  	v2 =	vmul.f32 v49, v36;
	[tilespmem:s29+$0x13980] =	vst v1;
	v1 =	vadd.f32 v15, v31  }
0x251: {  	v15 =	vmul.f32 v44, v36;
	[tilespmem:s31+$0x13600] =	vst v0;
	v0 =	vadd.f32 v62, v31  }
0x252: {  	v63 =	vmul.f32 v45, v36;
	s24 =	sadd.s32 $0x1, s24;
	[tilespmem:s31+$0x13680] =	vst v1;
	v1 =	vadd.f32 v2, v31  }
0x253: {  	p0 =	sne.s32 s24, $0x4;
	v2 =	vmul.f32 v46, v36;
	[tilespmem:s31+$0x13700] =	vst v0;
	v0 =	vadd.f32 v15, v31  }
.Ltmp10:
0x254: {  	v15 =	vmul.f32 v54, v36;
	[tilespmem:s31+$0x13780] =	vst v1;
	v1 =	vadd.f32 v63, v31;
	(pc) =	sbr.rel @p0 .LBB2_13-.Ltmp10, $4  }
0x255: {  	[tilespmem:s31+$0x13800] =	vst v0;
	v0 =	vadd.f32 v2, v31  }
0x256: {  	[tilespmem:s31+$0x13880] =	vst v1;
	v1 =	vadd.f32 v15, v31  }
0x257: {  	[tilespmem:s31+$0x13900] =	vst v0  }
0x258: {  	[tilespmem:s31+$0x13980] =	vst v1  }
0x259: {  	p0 =	seq.s32 s21, $0xF  }
.Ltmp11:
0x25a: {  	_ = 	snop;
	(pc) =	sbr.rel @p0 .LBB2_20-.Ltmp11, $3  }
0x25b: {  	_ =	sdelay $0x1  }
0x25c: {  	s0 =	sadd.s32 s12, s22;
	s2 =	simm.s32 $0x13600  }
0x25d: {  	[hbm4b:s0+s6] =	stream.linear.scatter [tilespmem:s2], [sflag:$0x4], $0x6000, $0x38;
	[tilespmem:$0x19600] =	vst v63  }
0x25e: {  	s0 =	sshll.u32 s21, $0x8  }
0x25f: {  	s0 =	sand.u32 $0x3FFFFF00, s0  }
0x260: {  	v0 =	vld [tilespmem:s0+$0x180];
	_ =	sdelay $0x3  }
0x261: {  	v2 =	vld [tilespmem:$0x1FFD0]  }
0x262: {  	v1 =	vshrl.u32 v0, $0x3  }
0x263: {  	v15 =	vld [tilespmem:$0x1FFE0];
	v1 =	vmul.u32 $0x30, v1  }
0x264: {  	v0 =	vand.u32 $0x7, v0  }
0x265: {  	v0 =	vor.u32 v0, v1  }
0x266: {  	v1 =	vperm.xlane v0, v2  }
0x267: {  	v16 =	vld [tilespmem:$0x1FFF0]  }
0x268: {  	v1 =	vadd.s32 v15, v1;
	_ =	sdelay $0x3  }
0x269: {  	s2 =	simm.s32 $0x7600;
	v0 =	vperm.xlane v0, v16  }
0x26a: {  	[tilespmem:s2], [sflag:$0x2] =	stream.indirect_vreg.gather [hbm4b:s1+s6], $0x80, v1, vm0, $0xb8;
	[tilespmem:$0x19600] =	vst v63  }
0x26b: {  	s17 =	simm.s32 $0x7E00;
	v0 =	vadd.s32 v15, v0  }
0x26c: {  	[tilespmem:s17], [sflag:$0x2] =	stream.indirect_vreg.gather [hbm4b:s9+s6], $0x80, v1, vm0, $0xb8;
	[tilespmem:$0x19600] =	vst v63  }
0x26d: {  	s20 =	simm.s32 $0x8600  }
0x26e: {  	[tilespmem:s20], [sflag:$0x2] =	stream.indirect_vreg.gather [hbm4b:s10+s6], $0x80, v1, vm0, $0xb8;
	[tilespmem:$0x19600] =	vst v63  }
0x26f: {  	s22 =	simm.s32 $0x8E00  }
0x270: {  	[tilespmem:s22], [sflag:$0x2] =	stream.indirect_vreg.gather [hbm4b:s1+s6], $0x80, v0, vm0, $0xb8;
	[tilespmem:$0x19600] =	vst v63  }
0x271: {  	s23 =	simm.s32 $0x9600  }
0x272: {  	[tilespmem:s23], [sflag:$0x2] =	stream.indirect_vreg.gather [hbm4b:s9+s6], $0x80, v0, vm0, $0xb8;
	[tilespmem:$0x19600] =	vst v63  }
0x273: {  	s24 =	simm.s32 $0x9E00  }
0x274: {  	[tilespmem:s24], [sflag:$0x2] =	stream.indirect_vreg.gather [hbm4b:s10+s6], $0x80, v0, vm0, $0xb8;
	[tilespmem:$0x19600] =	vst v63  }
0x275: {  	v0 =	vld [tilespmem:s0+$0x190];
	_ =	sdelay $0x4  }
0x276: {  	v1 =	vshrl.u32 v0, $0x3  }
0x277: {  	v1 =	vmul.u32 $0x30, v1  }
0x278: {  	v0 =	vand.u32 $0x7, v0  }
0x279: {  	v0 =	vor.u32 v0, v1  }
0x27a: {  	v1 =	vperm.xlane v0, v2;
	_ =	sdelay $0x1  }
0x27b: {  	v1 =	vadd.s32 v15, v1;
	_ =	sdelay $0x3  }
0x27c: {  	s25 =	simm.s32 $0xA600;
	v0 =	vperm.xlane v0, v16  }
0x27d: {  	[tilespmem:s25], [sflag:$0x2] =	stream.indirect_vreg.gather [hbm4b:s1+s6], $0x80, v1, vm0, $0xb8;
	[tilespmem:$0x19600] =	vst v63  }
0x27e: {  	s26 =	simm.s32 $0xAE00;
	v0 =	vadd.s32 v15, v0  }
0x27f: {  	[tilespmem:s26], [sflag:$0x2] =	stream.indirect_vreg.gather [hbm4b:s9+s6], $0x80, v1, vm0, $0xb8;
	[tilespmem:$0x19600] =	vst v63  }
0x280: {  	s28 =	simm.s32 $0xB600  }
0x281: {  	[tilespmem:s28], [sflag:$0x2] =	stream.indirect_vreg.gather [hbm4b:s10+s6], $0x80, v1, vm0, $0xb8;
	[tilespmem:$0x19600] =	vst v63  }
0x282: {  	s29 =	simm.s32 $0xBE00  }
0x283: {  	[tilespmem:s29], [sflag:$0x2] =	stream.indirect_vreg.gather [hbm4b:s1+s6], $0x80, v0, vm0, $0xb8;
	[tilespmem:$0x19600] =	vst v63  }
.Ltmp12:
0x284: {  	_ = 	snop;
	(pc) =	sbr.rel .LBB2_2-.Ltmp12, $4  }
0x285: {  	s30 =	simm.s32 $0xC600  }
0x286: {  	[tilespmem:s30], [sflag:$0x2] =	stream.indirect_vreg.gather [hbm4b:s9+s6], $0x80, v0, vm0, $0xb8;
	[tilespmem:$0x19600] =	vst v63  }
0x287: {  	s31 =	simm.s32 $0xCE00;
	s21 =	sadd.s32 $0x1, s21  }
0x288: {  	[tilespmem:s31], [sflag:$0x2] =	stream.indirect_vreg.gather [hbm4b:s10+s6], $0x80, v0, vm0, $0xb8;
	[tilespmem:$0x19600] =	vst v63  }
.LBB2_21:
0x289: {  	_ =	sfence.sel $0x180000  }
0x28a: {  	[bflag:$0x0] =	sbarrier.arrive $0xFFFF  }
0x28b: {  	_ =	strace $0x90000047  }
0x28c: {  	s0 =	stileid.u32;
	[bflag:$0x2] =	sbarrier.arrive $0xFFFF  }
0x28d: {  	p0 =	sne.s32 s0, $0x0;
	s0 =	rddreg [dreg:$0x5]  }
0x28e: {  	s0 =	sadd.s32 @!p0 $0x100000, s0  }
0x28f: {  	[sflag:s0] =	ssyncadd.tile.s32 @!p0 $0x1;
	_ =	shalt  }
.Lfunc_end2:
_tile_overlayer_lowered:
.L_overlay_start_2:
0x290: {  	(tag) =	ssettag $0x2  }
0x291: {  	s0 =	rddreg [dreg:$0x0];
	s2 =	stileid.u32  }
0x292: {  	s1 =	rddreg [dreg:$0x1];
	p0 =	sne.s32 s2, $0x0  }
0x293: {  	s3 =	rddreg [dreg:$0x2];
	[bflag:$0x3] =	sbarrier.arrive $0xFFFF;
	s2 =	simm.s32 @!p0 $0x1C05  }
0x294: {  	[timem:s3], [sflag:s2] =	dma.local @!p0 [hbm:s0], s1  }
0x295: {  	s0 =	simm.s32 @!p0 $0x5  }
0x296: {  	_ =	swait.ge @!p0 [sflag:s0], s1  }
0x297: {  	s1 =	ssub.s32 @!p0 $0x0, s1;
	[sflag:s0] =	ssyncset.done @!p0 $0x0  }
0x298: {  	[sflag:s0] =	ssyncadd.s32 @!p0 s1  }
0x299: {  	[bflag:$0x3] =	sbarrier.arrive $0xFFFF  }
0x29a: {  	_ =	shalt  }

</sc_bundles>
